<compile_context>
chip_gen: v7x
topology: tpu7x:2x2x1
jax: 0.10.2.dev20260603
libtpu: 0.0.44.dev20260713+nightly
codegen_flags: <defaults>
</compile_context>

<pallas_src>
import functools

import jax
import jax.numpy as jnp
from jax import lax
from jax.experimental import pallas as pl
from jax.experimental.pallas import tpu as pltpu
from jax.experimental.pallas import tpu_sc as plsc

N = 10000
E = 640000
DIN = 128
H = 4
D = 32
HD = H * D
NEG = 0.2

NC = 2
NS = 16
NW = NC * NS
EW = E // NW
CH = 80
NCHUNK = EW // CH
EN = 10240
ERT = EN // NS
RPT = N // NS
BN = 1000

f32 = jnp.float32
i32 = jnp.int32

_MESH = plsc.VectorSubcoreMesh(core_axis_name="c", subcore_axis_name="s")
_SC_PARAMS = pltpu.CompilerParams(
    needs_layout_passes=False, use_tc_tiling_on_sc=False)


def _proj_body(feat_ref, w_ref, al_ref, ar_ref, proj_ref, el_ref, er_ref):
    ft = feat_ref[...]
    w = w_ref[...]
    p = lax.dot_general(ft, w, (((1,), (1,)), ((), ())),
                        preferred_element_type=f32)
    proj_ref[...] = p
    r = lax.broadcasted_iota(i32, (HD, 16), 0) // D
    c = lax.broadcasted_iota(i32, (HD, 16), 1)
    s = jnp.where(r == c, 1.0, 0.0).astype(f32)
    el_ref[...] = lax.dot_general(p * al_ref[...], s, (((1,), (0,)), ((), ())),
                                  preferred_element_type=f32)
    er_ref[...] = lax.dot_general(p * ar_ref[...], s, (((1,), (0,)), ((), ())),
                                  preferred_element_type=f32)


def _project(feat, w, al, ar):
    return pl.pallas_call(
        _proj_body,
        grid=(N // BN,),
        in_specs=[
            pl.BlockSpec((BN, DIN), lambda i: (i, 0)),
            pl.BlockSpec((HD, DIN), lambda i: (0, 0)),
            pl.BlockSpec((1, HD), lambda i: (0, 0)),
            pl.BlockSpec((1, HD), lambda i: (0, 0)),
        ],
        out_specs=[
            pl.BlockSpec((BN, HD), lambda i: (i, 0)),
            pl.BlockSpec((BN, 16), lambda i: (i, 0)),
            pl.BlockSpec((BN, 16), lambda i: (i, 0)),
        ],
        out_shape=[
            jax.ShapeDtypeStruct((N, HD), f32),
            jax.ShapeDtypeStruct((N, 16), f32),
            jax.ShapeDtypeStruct((N, 16), f32),
        ],
    )(feat, w, al, ar)


@functools.partial(
    pl.kernel,
    out_type=(
        jax.ShapeDtypeStruct((E, H), f32),
        jax.ShapeDtypeStruct((NC * EN, H), f32),
    ),
    mesh=_MESH,
    compiler_params=_SC_PARAMS,
    scratch_types=[
        pltpu.VMEM((CH,), i32),
        pltpu.VMEM((CH,), i32),
        pltpu.VMEM((CH, 16), f32),
        pltpu.VMEM((CH, 16), f32),
        pltpu.VMEM((CH, H), f32),
        pltpu.VMEM_SHARED((EN, H), f32),
        pltpu.SemaphoreType.DMA,
        pltpu.SemaphoreType.DMA,
    ],
)
def _pass_a(src_h, dst_h, el_h, er_h, z4_h, ax_h, esp_h,
            sidx, didx, elb, erb, exb, esum_sh, sem1, sem2):
    c = lax.axis_index("c")
    s = lax.axis_index("s")
    w = c * NS + s
    iot = lax.iota(i32, 16)
    i4 = iot // 4
    m4 = iot % 4

    pltpu.sync_copy(z4_h.at[pl.ds(s * ERT, ERT)],
                    esum_sh.at[pl.ds(s * ERT, ERT)])
    plsc.subcore_barrier()

    def chunk(it, carry):
        base = w * EW + it * CH
        pltpu.sync_copy(src_h.at[pl.ds(base, CH)], sidx)
        pltpu.sync_copy(dst_h.at[pl.ds(base, CH)], didx)
        cp1 = pltpu.async_copy(el_h.at[sidx], elb, sem1)
        cp2 = pltpu.async_copy(er_h.at[didx], erb, sem2)
        cp1.wait()
        cp2.wait()
        for v in range(CH * H // 16):
            rowi = v * 4 + i4
            a = plsc.load_gather(elb, [rowi, m4])
            b = plsc.load_gather(erb, [rowi, m4])
            e = a + b
            e = jnp.where(e >= 0.0, e, NEG * e)
            ex = jnp.exp(e)
            plsc.store_scatter(exb, [rowi, m4], ex)
        pltpu.sync_copy(exb, ax_h.at[pl.ds(base, CH)])
        pltpu.sync_copy(exb, esum_sh.at[didx], add=True)
        return carry

    lax.fori_loop(0, NCHUNK, chunk, 0)
    plsc.subcore_barrier()
    pltpu.sync_copy(esum_sh.at[pl.ds(s * ERT, ERT)],
                    esp_h.at[pl.ds(c * EN + s * ERT, ERT)])


@functools.partial(
    pl.kernel,
    out_type=jax.ShapeDtypeStruct((NC * N, HD), f32),
    mesh=_MESH,
    compiler_params=_SC_PARAMS,
    scratch_types=[
        pltpu.VMEM((CH,), i32),
        pltpu.VMEM((CH,), i32),
        pltpu.VMEM((CH, H), f32),
        pltpu.VMEM((CH, H), f32),
        pltpu.VMEM((CH, H), f32),
        pltpu.VMEM((CH, HD), f32),
        pltpu.VMEM((ERT, H), f32),
        pltpu.VMEM((ERT, H), f32),
        pltpu.VMEM_SHARED((EN, H), f32),
        pltpu.VMEM_SHARED((N, HD), f32),
        pltpu.SemaphoreType.DMA,
        pltpu.SemaphoreType.DMA,
    ],
)
def _pass_b(src_h, dst_h, ax_h, esp_h, proj_h, z128_h, rst_h,
            sidx, didx, axb, esb, ab, pb, ep0, ep1, esum_sh, rst_sh,
            sem1, sem2):
    c = lax.axis_index("c")
    s = lax.axis_index("s")
    w = c * NS + s
    iot = lax.iota(i32, 16)
    i4 = iot // 4
    m4 = iot % 4

    pltpu.sync_copy(esp_h.at[pl.ds(s * ERT, ERT)], ep0)
    pltpu.sync_copy(esp_h.at[pl.ds(EN + s * ERT, ERT)], ep1)

    def comb(k, carry):
        rowi = k * 4 + i4
        v = plsc.load_gather(ep0, [rowi, m4]) + plsc.load_gather(ep1, [rowi, m4])
        plsc.store_scatter(ep0, [rowi, m4], v)
        return carry

    lax.fori_loop(0, ERT * H // 16, comb, 0)
    pltpu.sync_copy(ep0, esum_sh.at[pl.ds(s * ERT, ERT)])
    pltpu.sync_copy(z128_h.at[pl.ds(s * RPT, RPT)],
                    rst_sh.at[pl.ds(s * RPT, RPT)])
    plsc.subcore_barrier()

    def chunk(it, carry):
        base = w * EW + it * CH
        pltpu.sync_copy(src_h.at[pl.ds(base, CH)], sidx)
        pltpu.sync_copy(dst_h.at[pl.ds(base, CH)], didx)
        pltpu.sync_copy(ax_h.at[pl.ds(base, CH)], axb)
        gp = pltpu.async_copy(proj_h.at[sidx], pb, sem1)
        ge = pltpu.async_copy(esum_sh.at[didx], esb, sem2)
        ge.wait()
        for v in range(CH * H // 16):
            rowi = v * 4 + i4
            av = plsc.load_gather(axb, [rowi, m4]) / plsc.load_gather(esb, [rowi, m4])
            plsc.store_scatter(ab, [rowi, m4], av)
        gp.wait()

        def ebody(e, carry2):
            re = jnp.full((16,), e, dtype=i32)
            for j in range(HD // 16):
                hh = jnp.full((16,), j // 2, dtype=i32)
                sc = plsc.load_gather(ab, [re, hh])
                cols = j * 16 + iot
                pv = plsc.load_gather(pb, [re, cols])
                plsc.store_scatter(pb, [re, cols], pv * sc)
            return carry2

        lax.fori_loop(0, CH, ebody, 0)
        pltpu.sync_copy(pb, rst_sh.at[didx], add=True)
        return carry

    lax.fori_loop(0, NCHUNK, chunk, 0)
    plsc.subcore_barrier()
    pltpu.sync_copy(rst_sh.at[pl.ds(s * RPT, RPT)],
                    rst_h.at[pl.ds(c * N + s * RPT, RPT)])


def _add_body(a_ref, b_ref, o_ref):
    o_ref[...] = a_ref[...] + b_ref[...]


def _combine(rstp):
    return pl.pallas_call(
        _add_body,
        grid=(N // BN,),
        in_specs=[
            pl.BlockSpec((BN, HD), lambda i: (i, 0)),
            pl.BlockSpec((BN, HD), lambda i: (i + N // BN, 0)),
        ],
        out_specs=pl.BlockSpec((BN, HD), lambda i: (i, 0)),
        out_shape=jax.ShapeDtypeStruct((N, HD), f32),
    )(rstp, rstp)


def kernel(feat, edge_index, new, W, attn_l, attn_r):
    del new
    al = attn_l.reshape(1, HD)
    ar = attn_r.reshape(1, HD)
    proj, el, er = _project(feat, W, al, ar)
    src = edge_index[0]
    dst = edge_index[1]
    z4 = jnp.zeros((EN, H), f32)
    z128 = jnp.zeros((N, HD), f32)
    ax, esp = _pass_a(src, dst, el, er, z4)
    rstp = _pass_b(src, dst, ax, esp, proj, z128)
    rst = _combine(rstp)
    return rst.reshape(N, H, D)

# --- scband reference (transcript-rebuilt; emitter-appended) ---
"""Pipeline reference for scband-gatconv-60962765799926 (READ-ONLY COPY).

The authoritative reference and input builder live on the scoring server;
editing this copy changes nothing except your own understanding.
"""

import jax, jax.numpy as jnp
import numpy as np

N = 10000
E = 640000
D_IN = 128
H = 4
D = 32
NEG_SLOPE = 0.2


def setup_inputs(seed: int = 0) -> dict:
    key = jax.random.key(seed)
    k1, k2, k3, k4, k5 = jax.random.split(key, 5)
    feat = jax.random.normal(k1, (N, D_IN), dtype=jnp.float32)
    edge_index = jax.random.randint(k2, (2, E), 0, N, dtype=jnp.int32)
    # learned params (xavier-ish scale)
    W = jax.random.normal(k3, (H * D, D_IN), dtype=jnp.float32) * (2.0 / np.sqrt(D_IN + H * D))
    attn_l = jax.random.normal(k4, (1, H, D), dtype=jnp.float32) * (2.0 / np.sqrt(D + 1))
    attn_r = jax.random.normal(k5, (1, H, D), dtype=jnp.float32) * (2.0 / np.sqrt(D + 1))
    return {"feat": feat, "edge_index": edge_index, "new": False, "W": W, "attn_l": attn_l, "attn_r": attn_r}


def reference(feat, edge_index, new, W, attn_l, attn_r):
    # new=False path of GATConv.forward (feat_drop/attn_drop are p=0 -> identity)
    src = edge_index[0]
    dst = edge_index[1]
    feat_proj = (feat @ W.T).reshape(-1, H, D)          # fc: [N, H, D]
    el = jnp.sum(feat_proj * attn_l, axis=-1, keepdims=True)  # [N, H, 1]
    er = jnp.sum(feat_proj * attn_r, axis=-1, keepdims=True)  # [N, H, 1]
    e = el[src] + er[dst]                                # u_add_v -> [E, H, 1]
    e = jnp.where(e >= 0, e, NEG_SLOPE * e)              # leaky_relu
    # edge_softmax over incoming edges of each dst node
    e2 = e.squeeze(-1)                                   # [E, H]
    emax = jax.ops.segment_max(e2, dst, num_segments=N)  # [N, H]
    emax = jnp.where(jnp.isfinite(emax), emax, 0.0)
    emax = jax.lax.stop_gradient(emax)
    ex = jnp.exp(e2 - emax[dst])                         # [E, H]
    esum = jax.ops.segment_sum(ex, dst, num_segments=N)  # [N, H]
    a = ex / esum[dst]                                   # [E, H]
    # message passing: u_mul_e + sum
    m = feat_proj[src] * a[..., None]                    # [E, H, D]
    rst = jax.ops.segment_sum(m, dst, num_segments=N)    # [N, H, D]
    return rst

if __name__ == "__main__":
    import jax
    _d = setup_inputs()
    print(jax.jit(kernel)(*tuple(_d.values())))

</pallas_src>

<mosaic_0001>
#map = affine_map<(d0, d1) -> (0)>
#map1 = affine_map<(d0, d1) -> (0, 0)>
module attributes {stable_mosaic.version = 14 : i64} {
  func.func @_pass_a(%arg0: i32, %arg1: i32, %arg2: memref<640000xi32, #tpu.memory_space<hbm>>, %arg3: memref<640000xi32, #tpu.memory_space<hbm>>, %arg4: memref<10000x16xf32, #tpu.memory_space<hbm>>, %arg5: memref<10000x16xf32, #tpu.memory_space<hbm>>, %arg6: memref<10240x4xf32, #tpu.memory_space<hbm>>, %arg7: memref<640000x4xf32, #tpu.memory_space<hbm>>, %arg8: memref<20480x4xf32, #tpu.memory_space<hbm>>, %arg9: memref<80xi32, #tpu.memory_space<vmem>>, %arg10: memref<80xi32, #tpu.memory_space<vmem>>, %arg11: memref<80x16xf32, #tpu.memory_space<vmem>>, %arg12: memref<80x16xf32, #tpu.memory_space<vmem>>, %arg13: memref<80x4xf32, #tpu.memory_space<vmem>>, %arg14: memref<10240x4xf32, #tpu.memory_space<vmem_shared>>, %arg15: memref<!tpu.dma_semaphore, #tpu.memory_space<semaphore_mem>>, %arg16: memref<!tpu.dma_semaphore, #tpu.memory_space<semaphore_mem>>) attributes {dimension_semantics = [#tpu.dimension_semantics<core_parallel>, #tpu.dimension_semantics<subcore_parallel>], iteration_bounds = array<i64: 2, 16>, scalar_prefetch = 0 : i64, scratch_operands = 8 : i64, tpu.core_type = #tpu.core_type<sc_vector_subcore>, window_params = [{transform_indices = #map}, {transform_indices = #map}, {transform_indices = #map1}, {transform_indices = #map1}, {transform_indices = #map1}, {transform_indices = #map1}, {transform_indices = #map1}]} {
    %mul3A = arith.constant 16 : i32
    %mul3A_0 = arith.muli %arg0, %mul3A : i32
    %add3A = arith.addi %mul3A_0, %arg1 : i32
    %iota3A = tpu.iota {dimensions = array<i32: 0>} : vector<16xi32>
    %jit3A = arith.constant 4 : i32
    %div3A = vector.broadcast %jit3A : i32 to vector<16xi32>
    %div3A_1 = arith.divsi %iota3A, %div3A : vector<16xi32>
    %sign3A = arith.constant 0 : i32
    %sign3A_2 = vector.broadcast %sign3A : i32 to vector<16xi32>
    %sign3A_3 = arith.cmpi sgt, %iota3A, %sign3A_2 : vector<16xi32>
    %sign3A_4 = arith.extui %sign3A_3 : vector<16xi1> to vector<16xi32>
    %sign3A_5 = arith.constant 0 : i32
    %sign3A_6 = vector.broadcast %sign3A_5 : i32 to vector<16xi32>
    %sign3A_7 = arith.cmpi slt, %iota3A, %sign3A_6 : vector<16xi32>
    %sign3A_8 = arith.extui %sign3A_7 : vector<16xi1> to vector<16xi32>
    %sign3A_9 = arith.subi %sign3A_4, %sign3A_8 : vector<16xi32>
    %sign3A_10 = arith.constant 0 : i32
    %sign3A_11 = arith.cmpi sgt, %jit3A, %sign3A_10 : i32
    %sign3A_12 = arith.extui %sign3A_11 : i1 to i32
    %sign3A_13 = arith.constant 0 : i32
    %sign3A_14 = arith.cmpi slt, %jit3A, %sign3A_13 : i32
    %sign3A_15 = arith.extui %sign3A_14 : i1 to i32
    %sign3A_16 = arith.subi %sign3A_12, %sign3A_15 : i32
    %ne3A = vector.broadcast %sign3A_16 : i32 to vector<16xi32>
    %ne3A_17 = arith.cmpi ne, %sign3A_9, %ne3A : vector<16xi32>
    %rem3A = vector.broadcast %jit3A : i32 to vector<16xi32>
    %rem3A_18 = arith.remsi %iota3A, %rem3A : vector<16xi32>
    %ne3A_19 = arith.constant 0 : i32
    %ne3A_20 = vector.broadcast %ne3A_19 : i32 to vector<16xi32>
    %ne3A_21 = arith.cmpi ne, %rem3A_18, %ne3A_20 : vector<16xi32>
    %and3A = arith.andi %ne3A_17, %ne3A_21 : vector<16xi1>
    %sub3A = arith.constant 1 : i32
    %sub3A_22 = vector.broadcast %sub3A : i32 to vector<16xi32>
    %sub3A_23 = arith.subi %div3A_1, %sub3A_22 : vector<16xi32>
    %select_n3A = arith.select %and3A, %sub3A_23, %div3A_1 : vector<16xi1>, vector<16xi32>
    %jit3A_24 = arith.constant 4 : i32
    %eq3A = arith.constant 0 : i32
    %eq3A_25 = arith.cmpi eq, %jit3A_24, %eq3A : i32
    %jit3A_26 = arith.constant 1 : i32
    %select_n3A_27 = arith.select %eq3A_25, %jit3A_26, %jit3A_24 : i32
    %rem3A_28 = vector.broadcast %select_n3A_27 : i32 to vector<16xi32>
    %rem3A_29 = arith.remsi %iota3A, %rem3A_28 : vector<16xi32>
    %ne3A_30 = arith.constant 0 : i32
    %ne3A_31 = vector.broadcast %ne3A_30 : i32 to vector<16xi32>
    %ne3A_32 = arith.cmpi ne, %rem3A_29, %ne3A_31 : vector<16xi32>
    %lt3A = arith.constant 0 : i32
    %lt3A_33 = vector.broadcast %lt3A : i32 to vector<16xi32>
    %lt3A_34 = arith.cmpi slt, %rem3A_29, %lt3A_33 : vector<16xi32>
    %lt3A_35 = arith.constant 0 : i32
    %lt3A_36 = arith.cmpi slt, %select_n3A_27, %lt3A_35 : i32
    %ne3A_37 = vector.broadcast %lt3A_36 : i1 to vector<16xi1>
    %ne3A_38 = vector.broadcast %ne3A_37 : vector<16xi1> to vector<16xi1>
    %ne3A_39 = arith.xori %lt3A_34, %ne3A_38 : vector<16xi1>
    %and3A_40 = arith.andi %ne3A_39, %ne3A_32 : vector<16xi1>
    %add3A_41 = vector.broadcast %select_n3A_27 : i32 to vector<16xi32>
    %add3A_42 = arith.addi %rem3A_29, %add3A_41 : vector<16xi32>
    %select_n3A_43 = arith.select %and3A_40, %add3A_42, %rem3A_29 : vector<16xi1>, vector<16xi32>
    %mul3A_44 = arith.constant 640 : i32
    %mul3A_45 = arith.muli %arg1, %mul3A_44 : i32
    %mul3A_46 = arith.constant 640 : i32
    %mul3A_47 = arith.muli %arg1, %mul3A_46 : i32
    "tpu.region"() ({
      %run_scoped3A = tpu.sem_alloc : memref<!tpu.dma_semaphore, #tpu.memory_space<semaphore_mem>>
      %dma_start3A = arith.constant 0 : i32
      %dma_start3A_61 = tpu.memref_slice %arg14[%mul3A_47, %dma_start3A] : memref<10240x4xf32, #tpu.memory_space<vmem_shared>> -> memref<640x4xf32, #tpu.memory_space<vmem_shared>>
      %dma_start3A_62 = arith.constant 0 : i32
      %dma_start3A_63 = tpu.memref_slice %arg6[%mul3A_45, %dma_start3A_62] : memref<10240x4xf32, #tpu.memory_space<hbm>> -> memref<640x4xf32, #tpu.memory_space<hbm>>
      tpu.enqueue_dma source(%dma_start3A_63 : memref<640x4xf32, #tpu.memory_space<hbm>>) target(%dma_start3A_61 : memref<640x4xf32, #tpu.memory_space<vmem_shared>>) target_semaphore(%run_scoped3A : memref<!tpu.dma_semaphore, #tpu.memory_space<semaphore_mem>>)
      %dma_wait3A = arith.constant 0 : i32
      %dma_wait3A_64 = tpu.memref_slice %arg14[%mul3A_47, %dma_wait3A] : memref<10240x4xf32, #tpu.memory_space<vmem_shared>> -> memref<640x4xf32, #tpu.memory_space<vmem_shared>>
      %dma_wait3A_65 = arith.constant 0 : i32
      %dma_wait3A_66 = tpu.memref_slice %arg6[%mul3A_45, %dma_wait3A_65] : memref<10240x4xf32, #tpu.memory_space<hbm>> -> memref<640x4xf32, #tpu.memory_space<hbm>>
      tpu.wait_dma2 semaphore(%run_scoped3A : memref<!tpu.dma_semaphore, #tpu.memory_space<semaphore_mem>>) src(%dma_wait3A_66 : memref<640x4xf32, #tpu.memory_space<hbm>>) dst(%dma_wait3A_64 : memref<640x4xf32, #tpu.memory_space<vmem_shared>>)
      tpu.yield
    }) : () -> ()
    %barrier3A = arith.constant 0 : index
    tpu.barrier barrier_id(%barrier3A)
    %scan3A = arith.constant 0 : i32
    %scan3A_48 = arith.constant 0 : i32
    %scan3A_49 = arith.constant 250 : i32
    %scan3A_50 = arith.addi %scan3A_48, %scan3A_49 : i32
    %scan3A_51 = arith.constant 1 : i32
    scf.for %scan3A_61 = %scan3A_48 to %scan3A_50 step %scan3A_51  : i32 {
      %mul3A_62 = arith.constant 20000 : i32
      %mul3A_63 = arith.muli %add3A, %mul3A_62 : i32
      %mul3A_64 = arith.constant 80 : i32
      %mul3A_65 = arith.muli %scan3A_61, %mul3A_64 : i32
      %add3A_66 = arith.addi %mul3A_63, %mul3A_65 : i32
      "tpu.region"() ({
        %run_scoped3A = tpu.sem_alloc : memref<!tpu.dma_semaphore, #tpu.memory_space<semaphore_mem>>
        %dma_start3A_354 = tpu.memref_slice %arg2[%add3A_66] : memref<640000xi32, #tpu.memory_space<hbm>> -> memref<80xi32, #tpu.memory_space<hbm>>
        %dma_start3A_355 = tpu.memref_slice %arg2[%add3A_66] : memref<640000xi32, #tpu.memory_space<hbm>> -> memref<80xi32, #tpu.memory_space<hbm>>
        tpu.enqueue_dma source(%dma_start3A_355 : memref<80xi32, #tpu.memory_space<hbm>>) target(%arg9 : memref<80xi32, #tpu.memory_space<vmem>>) target_semaphore(%run_scoped3A : memref<!tpu.dma_semaphore, #tpu.memory_space<semaphore_mem>>)
        %dma_wait3A_356 = tpu.memref_slice %arg2[%add3A_66] : memref<640000xi32, #tpu.memory_space<hbm>> -> memref<80xi32, #tpu.memory_space<hbm>>
        %dma_wait3A_357 = tpu.memref_slice %arg2[%add3A_66] : memref<640000xi32, #tpu.memory_space<hbm>> -> memref<80xi32, #tpu.memory_space<hbm>>
        tpu.wait_dma2 semaphore(%run_scoped3A : memref<!tpu.dma_semaphore, #tpu.memory_space<semaphore_mem>>) src(%dma_wait3A_357 : memref<80xi32, #tpu.memory_space<hbm>>) dst(%arg9 : memref<80xi32, #tpu.memory_space<vmem>>)
        tpu.yield
      }) : () -> ()
      "tpu.region"() ({
        %run_scoped3A = tpu.sem_alloc : memref<!tpu.dma_semaphore, #tpu.memory_space<semaphore_mem>>
        %dma_start3A_354 = tpu.memref_slice %arg3[%add3A_66] : memref<640000xi32, #tpu.memory_space<hbm>> -> memref<80xi32, #tpu.memory_space<hbm>>
        %dma_start3A_355 = tpu.memref_slice %arg3[%add3A_66] : memref<640000xi32, #tpu.memory_space<hbm>> -> memref<80xi32, #tpu.memory_space<hbm>>
        tpu.enqueue_dma source(%dma_start3A_355 : memref<80xi32, #tpu.memory_space<hbm>>) target(%arg10 : memref<80xi32, #tpu.memory_space<vmem>>) target_semaphore(%run_scoped3A : memref<!tpu.dma_semaphore, #tpu.memory_space<semaphore_mem>>)
        %dma_wait3A_356 = tpu.memref_slice %arg3[%add3A_66] : memref<640000xi32, #tpu.memory_space<hbm>> -> memref<80xi32, #tpu.memory_space<hbm>>
        %dma_wait3A_357 = tpu.memref_slice %arg3[%add3A_66] : memref<640000xi32, #tpu.memory_space<hbm>> -> memref<80xi32, #tpu.memory_space<hbm>>
        tpu.wait_dma2 semaphore(%run_scoped3A : memref<!tpu.dma_semaphore, #tpu.memory_space<semaphore_mem>>) src(%dma_wait3A_357 : memref<80xi32, #tpu.memory_space<hbm>>) dst(%arg10 : memref<80xi32, #tpu.memory_space<vmem>>)
        tpu.yield
      }) : () -> ()
      %dma_start3A = arith.constant 0 : i32
      %dma_start3A_67 = arith.constant 0 : i32
      %dma_start3A_68 = tpu.memref_slice %arg4[%dma_start3A, %dma_start3A_67] : memref<10000x16xf32, #tpu.memory_space<hbm>> -> memref<10000x16xf32, #tpu.memory_space<hbm>>
      tpu.enqueue_indirect_dma source(%dma_start3A_68 : memref<10000x16xf32, #tpu.memory_space<hbm>>) target(%arg11 : memref<80x16xf32, #tpu.memory_space<vmem>>) offsets(%arg9 : memref<80xi32, #tpu.memory_space<vmem>>) semaphore(%arg15 : memref<!tpu.dma_semaphore, #tpu.memory_space<semaphore_mem>>)
      %dma_start3A_69 = arith.constant 0 : i32
      %dma_start3A_70 = arith.constant 0 : i32
      %dma_start3A_71 = tpu.memref_slice %arg5[%dma_start3A_69, %dma_start3A_70] : memref<10000x16xf32, #tpu.memory_space<hbm>> -> memref<10000x16xf32, #tpu.memory_space<hbm>>
      tpu.enqueue_indirect_dma source(%dma_start3A_71 : memref<10000x16xf32, #tpu.memory_space<hbm>>) target(%arg12 : memref<80x16xf32, #tpu.memory_space<vmem>>) offsets(%arg10 : memref<80xi32, #tpu.memory_space<vmem>>) semaphore(%arg16 : memref<!tpu.dma_semaphore, #tpu.memory_space<semaphore_mem>>)
      %dma_wait3A = arith.constant 0 : i32
      %dma_wait3A_72 = arith.constant 0 : i32
      %dma_wait3A_73 = tpu.memref_slice %arg4[%dma_wait3A, %dma_wait3A_72] : memref<10000x16xf32, #tpu.memory_space<hbm>> -> memref<10000x16xf32, #tpu.memory_space<hbm>>
      tpu.wait_indirect_dma semaphore(%arg15 : memref<!tpu.dma_semaphore, #tpu.memory_space<semaphore_mem>>) src(%dma_wait3A_73 : memref<10000x16xf32, #tpu.memory_space<hbm>>) dst(%arg11 : memref<80x16xf32, #tpu.memory_space<vmem>>)
      %dma_wait3A_74 = arith.constant 0 : i32
      %dma_wait3A_75 = arith.constant 0 : i32
      %dma_wait3A_76 = tpu.memref_slice %arg5[%dma_wait3A_74, %dma_wait3A_75] : memref<10000x16xf32, #tpu.memory_space<hbm>> -> memref<10000x16xf32, #tpu.memory_space<hbm>>
      tpu.wait_indirect_dma semaphore(%arg16 : memref<!tpu.dma_semaphore, #tpu.memory_space<semaphore_mem>>) src(%dma_wait3A_76 : memref<10000x16xf32, #tpu.memory_space<hbm>>) dst(%arg12 : memref<80x16xf32, #tpu.memory_space<vmem>>)
      %add3A_77 = arith.constant 0 : i32
      %add3A_78 = vector.broadcast %add3A_77 : i32 to vector<16xi32>
      %add3A_79 = arith.addi %add3A_78, %select_n3A : vector<16xi32>
      %gather3A = tpu.vector_load_idx %arg11[%add3A_79, %select_n3A_43] : memref<80x16xf32, #tpu.memory_space<vmem>>[vector<16xi32>, vector<16xi32>], vector<16xf32>,
      %gather3A_80 = tpu.vector_load_idx %arg12[%add3A_79, %select_n3A_43] : memref<80x16xf32, #tpu.memory_space<vmem>>[vector<16xi32>, vector<16xi32>], vector<16xf32>,
      %add3A_81 = arith.addf %gather3A, %gather3A_80 : vector<16xf32>
      %ge3A = arith.constant 0.000000e+00 : f32
      %ge3A_82 = vector.broadcast %ge3A : f32 to vector<16xf32>
      %ge3A_83 = arith.cmpf oge, %add3A_81, %ge3A_82 : vector<16xf32>
      %mul3A_84 = arith.constant 2.000000e-01 : f32
      %mul3A_85 = vector.broadcast %mul3A_84 : f32 to vector<16xf32>
      %mul3A_86 = arith.mulf %mul3A_85, %add3A_81 : vector<16xf32>
      %select_n3A_87 = arith.select %ge3A_83, %add3A_81, %mul3A_86 : vector<16xi1>, vector<16xf32>
      %exp3A = math.exp %select_n3A_87 : vector<16xf32>
      tpu.vector_store_idx %arg13[%add3A_79, %select_n3A_43], %exp3A : memref<80x4xf32, #tpu.memory_space<vmem>>[vector<16xi32>, vector<16xi32>], vector<16xf32>,
      %add3A_88 = arith.constant 4 : i32
      %add3A_89 = vector.broadcast %add3A_88 : i32 to vector<16xi32>
      %add3A_90 = arith.addi %add3A_89, %select_n3A : vector<16xi32>
      %gather3A_91 = tpu.vector_load_idx %arg11[%add3A_90, %select_n3A_43] : memref<80x16xf32, #tpu.memory_space<vmem>>[vector<16xi32>, vector<16xi32>], vector<16xf32>,
      %gather3A_92 = tpu.vector_load_idx %arg12[%add3A_90, %select_n3A_43] : memref<80x16xf32, #tpu.memory_space<vmem>>[vector<16xi32>, vector<16xi32>], vector<16xf32>,
      %add3A_93 = arith.addf %gather3A_91, %gather3A_92 : vector<16xf32>
      %ge3A_94 = arith.constant 0.000000e+00 : f32
      %ge3A_95 = vector.broadcast %ge3A_94 : f32 to vector<16xf32>
      %ge3A_96 = arith.cmpf oge, %add3A_93, %ge3A_95 : vector<16xf32>
      %mul3A_97 = arith.constant 2.000000e-01 : f32
      %mul3A_98 = vector.broadcast %mul3A_97 : f32 to vector<16xf32>
      %mul3A_99 = arith.mulf %mul3A_98, %add3A_93 : vector<16xf32>
      %select_n3A_100 = arith.select %ge3A_96, %add3A_93, %mul3A_99 : vector<16xi1>, vector<16xf32>
      %exp3A_101 = math.exp %select_n3A_100 : vector<16xf32>
      tpu.vector_store_idx %arg13[%add3A_90, %select_n3A_43], %exp3A_101 : memref<80x4xf32, #tpu.memory_space<vmem>>[vector<16xi32>, vector<16xi32>], vector<16xf32>,
      %add3A_102 = arith.constant 8 : i32
      %add3A_103 = vector.broadcast %add3A_102 : i32 to vector<16xi32>
      %add3A_104 = arith.addi %add3A_103, %select_n3A : vector<16xi32>
      %gather3A_105 = tpu.vector_load_idx %arg11[%add3A_104, %select_n3A_43] : memref<80x16xf32, #tpu.memory_space<vmem>>[vector<16xi32>, vector<16xi32>], vector<16xf32>,
      %gather3A_106 = tpu.vector_load_idx %arg12[%add3A_104, %select_n3A_43] : memref<80x16xf32, #tpu.memory_space<vmem>>[vector<16xi32>, vector<16xi32>], vector<16xf32>,
      %add3A_107 = arith.addf %gather3A_105, %gather3A_106 : vector<16xf32>
      %ge3A_108 = arith.constant 0.000000e+00 : f32
      %ge3A_109 = vector.broadcast %ge3A_108 : f32 to vector<16xf32>
      %ge3A_110 = arith.cmpf oge, %add3A_107, %ge3A_109 : vector<16xf32>
      %mul3A_111 = arith.constant 2.000000e-01 : f32
      %mul3A_112 = vector.broadcast %mul3A_111 : f32 to vector<16xf32>
      %mul3A_113 = arith.mulf %mul3A_112, %add3A_107 : vector<16xf32>
      %select_n3A_114 = arith.select %ge3A_110, %add3A_107, %mul3A_113 : vector<16xi1>, vector<16xf32>
      %exp3A_115 = math.exp %select_n3A_114 : vector<16xf32>
      tpu.vector_store_idx %arg13[%add3A_104, %select_n3A_43], %exp3A_115 : memref<80x4xf32, #tpu.memory_space<vmem>>[vector<16xi32>, vector<16xi32>], vector<16xf32>,
      %add3A_116 = arith.constant 12 : i32
      %add3A_117 = vector.broadcast %add3A_116 : i32 to vector<16xi32>
      %add3A_118 = arith.addi %add3A_117, %select_n3A : vector<16xi32>
      %gather3A_119 = tpu.vector_load_idx %arg11[%add3A_118, %select_n3A_43] : memref<80x16xf32, #tpu.memory_space<vmem>>[vector<16xi32>, vector<16xi32>], vector<16xf32>,
      %gather3A_120 = tpu.vector_load_idx %arg12[%add3A_118, %select_n3A_43] : memref<80x16xf32, #tpu.memory_space<vmem>>[vector<16xi32>, vector<16xi32>], vector<16xf32>,
      %add3A_121 = arith.addf %gather3A_119, %gather3A_120 : vector<16xf32>
      %ge3A_122 = arith.constant 0.000000e+00 : f32
      %ge3A_123 = vector.broadcast %ge3A_122 : f32 to vector<16xf32>
      %ge3A_124 = arith.cmpf oge, %add3A_121, %ge3A_123 : vector<16xf32>
      %mul3A_125 = arith.constant 2.000000e-01 : f32
      %mul3A_126 = vector.broadcast %mul3A_125 : f32 to vector<16xf32>
      %mul3A_127 = arith.mulf %mul3A_126, %add3A_121 : vector<16xf32>
      %select_n3A_128 = arith.select %ge3A_124, %add3A_121, %mul3A_127 : vector<16xi1>, vector<16xf32>
      %exp3A_129 = math.exp %select_n3A_128 : vector<16xf32>
      tpu.vector_store_idx %arg13[%add3A_118, %select_n3A_43], %exp3A_129 : memref<80x4xf32, #tpu.memory_space<vmem>>[vector<16xi32>, vector<16xi32>], vector<16xf32>,
      %add3A_130 = arith.constant 16 : i32
      %add3A_131 = vector.broadcast %add3A_130 : i32 to vector<16xi32>
      %add3A_132 = arith.addi %add3A_131, %select_n3A : vector<16xi32>
      %gather3A_133 = tpu.vector_load_idx %arg11[%add3A_132, %select_n3A_43] : memref<80x16xf32, #tpu.memory_space<vmem>>[vector<16xi32>, vector<16xi32>], vector<16xf32>,
      %gather3A_134 = tpu.vector_load_idx %arg12[%add3A_132, %select_n3A_43] : memref<80x16xf32, #tpu.memory_space<vmem>>[vector<16xi32>, vector<16xi32>], vector<16xf32>,
      %add3A_135 = arith.addf %gather3A_133, %gather3A_134 : vector<16xf32>
      %ge3A_136 = arith.constant 0.000000e+00 : f32
      %ge3A_137 = vector.broadcast %ge3A_136 : f32 to vector<16xf32>
      %ge3A_138 = arith.cmpf oge, %add3A_135, %ge3A_137 : vector<16xf32>
      %mul3A_139 = arith.constant 2.000000e-01 : f32
      %mul3A_140 = vector.broadcast %mul3A_139 : f32 to vector<16xf32>
      %mul3A_141 = arith.mulf %mul3A_140, %add3A_135 : vector<16xf32>
      %select_n3A_142 = arith.select %ge3A_138, %add3A_135, %mul3A_141 : vector<16xi1>, vector<16xf32>
      %exp3A_143 = math.exp %select_n3A_142 : vector<16xf32>
      tpu.vector_store_idx %arg13[%add3A_132, %select_n3A_43], %exp3A_143 : memref<80x4xf32, #tpu.memory_space<vmem>>[vector<16xi32>, vector<16xi32>], vector<16xf32>,
      %add3A_144 = arith.constant 20 : i32
      %add3A_145 = vector.broadcast %add3A_144 : i32 to vector<16xi32>
      %add3A_146 = arith.addi %add3A_145, %select_n3A : vector<16xi32>
      %gather3A_147 = tpu.vector_load_idx %arg11[%add3A_146, %select_n3A_43] : memref<80x16xf32, #tpu.memory_space<vmem>>[vector<16xi32>, vector<16xi32>], vector<16xf32>,
      %gather3A_148 = tpu.vector_load_idx %arg12[%add3A_146, %select_n3A_43] : memref<80x16xf32, #tpu.memory_space<vmem>>[vector<16xi32>, vector<16xi32>], vector<16xf32>,
      %add3A_149 = arith.addf %gather3A_147, %gather3A_148 : vector<16xf32>
      %ge3A_150 = arith.constant 0.000000e+00 : f32
      %ge3A_151 = vector.broadcast %ge3A_150 : f32 to vector<16xf32>
      %ge3A_152 = arith.cmpf oge, %add3A_149, %ge3A_151 : vector<16xf32>
      %mul3A_153 = arith.constant 2.000000e-01 : f32
      %mul3A_154 = vector.broadcast %mul3A_153 : f32 to vector<16xf32>
      %mul3A_155 = arith.mulf %mul3A_154, %add3A_149 : vector<16xf32>
      %select_n3A_156 = arith.select %ge3A_152, %add3A_149, %mul3A_155 : vector<16xi1>, vector<16xf32>
      %exp3A_157 = math.exp %select_n3A_156 : vector<16xf32>
      tpu.vector_store_idx %arg13[%add3A_146, %select_n3A_43], %exp3A_157 : memref<80x4xf32, #tpu.memory_space<vmem>>[vector<16xi32>, vector<16xi32>], vector<16xf32>,
      %add3A_158 = arith.constant 24 : i32
      %add3A_159 = vector.broadcast %add3A_158 : i32 to vector<16xi32>
      %add3A_160 = arith.addi %add3A_159, %select_n3A : vector<16xi32>
      %gather3A_161 = tpu.vector_load_idx %arg11[%add3A_160, %select_n3A_43] : memref<80x16xf32, #tpu.memory_space<vmem>>[vector<16xi32>, vector<16xi32>], vector<16xf32>,
      %gather3A_162 = tpu.vector_load_idx %arg12[%add3A_160, %select_n3A_43] : memref<80x16xf32, #tpu.memory_space<vmem>>[vector<16xi32>, vector<16xi32>], vector<16xf32>,
      %add3A_163 = arith.addf %gather3A_161, %gather3A_162 : vector<16xf32>
      %ge3A_164 = arith.constant 0.000000e+00 : f32
      %ge3A_165 = vector.broadcast %ge3A_164 : f32 to vector<16xf32>
      %ge3A_166 = arith.cmpf oge, %add3A_163, %ge3A_165 : vector<16xf32>
      %mul3A_167 = arith.constant 2.000000e-01 : f32
      %mul3A_168 = vector.broadcast %mul3A_167 : f32 to vector<16xf32>
      %mul3A_169 = arith.mulf %mul3A_168, %add3A_163 : vector<16xf32>
      %select_n3A_170 = arith.select %ge3A_166, %add3A_163, %mul3A_169 : vector<16xi1>, vector<16xf32>
      %exp3A_171 = math.exp %select_n3A_170 : vector<16xf32>
      tpu.vector_store_idx %arg13[%add3A_160, %select_n3A_43], %exp3A_171 : memref<80x4xf32, #tpu.memory_space<vmem>>[vector<16xi32>, vector<16xi32>], vector<16xf32>,
      %add3A_172 = arith.constant 28 : i32
      %add3A_173 = vector.broadcast %add3A_172 : i32 to vector<16xi32>
      %add3A_174 = arith.addi %add3A_173, %select_n3A : vector<16xi32>
      %gather3A_175 = tpu.vector_load_idx %arg11[%add3A_174, %select_n3A_43] : memref<80x16xf32, #tpu.memory_space<vmem>>[vector<16xi32>, vector<16xi32>], vector<16xf32>,
      %gather3A_176 = tpu.vector_load_idx %arg12[%add3A_174, %select_n3A_43] : memref<80x16xf32, #tpu.memory_space<vmem>>[vector<16xi32>, vector<16xi32>], vector<16xf32>,
      %add3A_177 = arith.addf %gather3A_175, %gather3A_176 : vector<16xf32>
      %ge3A_178 = arith.constant 0.000000e+00 : f32
      %ge3A_179 = vector.broadcast %ge3A_178 : f32 to vector<16xf32>
      %ge3A_180 = arith.cmpf oge, %add3A_177, %ge3A_179 : vector<16xf32>
      %mul3A_181 = arith.constant 2.000000e-01 : f32
      %mul3A_182 = vector.broadcast %mul3A_181 : f32 to vector<16xf32>
      %mul3A_183 = arith.mulf %mul3A_182, %add3A_177 : vector<16xf32>
      %select_n3A_184 = arith.select %ge3A_180, %add3A_177, %mul3A_183 : vector<16xi1>, vector<16xf32>
      %exp3A_185 = math.exp %select_n3A_184 : vector<16xf32>
      tpu.vector_store_idx %arg13[%add3A_174, %select_n3A_43], %exp3A_185 : memref<80x4xf32, #tpu.memory_space<vmem>>[vector<16xi32>, vector<16xi32>], vector<16xf32>,
      %add3A_186 = arith.constant 32 : i32
      %add3A_187 = vector.broadcast %add3A_186 : i32 to vector<16xi32>
      %add3A_188 = arith.addi %add3A_187, %select_n3A : vector<16xi32>
      %gather3A_189 = tpu.vector_load_idx %arg11[%add3A_188, %select_n3A_43] : memref<80x16xf32, #tpu.memory_space<vmem>>[vector<16xi32>, vector<16xi32>], vector<16xf32>,
      %gather3A_190 = tpu.vector_load_idx %arg12[%add3A_188, %select_n3A_43] : memref<80x16xf32, #tpu.memory_space<vmem>>[vector<16xi32>, vector<16xi32>], vector<16xf32>,
      %add3A_191 = arith.addf %gather3A_189, %gather3A_190 : vector<16xf32>
      %ge3A_192 = arith.constant 0.000000e+00 : f32
      %ge3A_193 = vector.broadcast %ge3A_192 : f32 to vector<16xf32>
      %ge3A_194 = arith.cmpf oge, %add3A_191, %ge3A_193 : vector<16xf32>
      %mul3A_195 = arith.constant 2.000000e-01 : f32
      %mul3A_196 = vector.broadcast %mul3A_195 : f32 to vector<16xf32>
      %mul3A_197 = arith.mulf %mul3A_196, %add3A_191 : vector<16xf32>
      %select_n3A_198 = arith.select %ge3A_194, %add3A_191, %mul3A_197 : vector<16xi1>, vector<16xf32>
      %exp3A_199 = math.exp %select_n3A_198 : vector<16xf32>
      tpu.vector_store_idx %arg13[%add3A_188, %select_n3A_43], %exp3A_199 : memref<80x4xf32, #tpu.memory_space<vmem>>[vector<16xi32>, vector<16xi32>], vector<16xf32>,
      %add3A_200 = arith.constant 36 : i32
      %add3A_201 = vector.broadcast %add3A_200 : i32 to vector<16xi32>
      %add3A_202 = arith.addi %add3A_201, %select_n3A : vector<16xi32>
      %gather3A_203 = tpu.vector_load_idx %arg11[%add3A_202, %select_n3A_43] : memref<80x16xf32, #tpu.memory_space<vmem>>[vector<16xi32>, vector<16xi32>], vector<16xf32>,
      %gather3A_204 = tpu.vector_load_idx %arg12[%add3A_202, %select_n3A_43] : memref<80x16xf32, #tpu.memory_space<vmem>>[vector<16xi32>, vector<16xi32>], vector<16xf32>,
      %add3A_205 = arith.addf %gather3A_203, %gather3A_204 : vector<16xf32>
      %ge3A_206 = arith.constant 0.000000e+00 : f32
      %ge3A_207 = vector.broadcast %ge3A_206 : f32 to vector<16xf32>
      %ge3A_208 = arith.cmpf oge, %add3A_205, %ge3A_207 : vector<16xf32>
      %mul3A_209 = arith.constant 2.000000e-01 : f32
      %mul3A_210 = vector.broadcast %mul3A_209 : f32 to vector<16xf32>
      %mul3A_211 = arith.mulf %mul3A_210, %add3A_205 : vector<16xf32>
      %select_n3A_212 = arith.select %ge3A_208, %add3A_205, %mul3A_211 : vector<16xi1>, vector<16xf32>
      %exp3A_213 = math.exp %select_n3A_212 : vector<16xf32>
      tpu.vector_store_idx %arg13[%add3A_202, %select_n3A_43], %exp3A_213 : memref<80x4xf32, #tpu.memory_space<vmem>>[vector<16xi32>, vector<16xi32>], vector<16xf32>,
      %add3A_214 = arith.constant 40 : i32
      %add3A_215 = vector.broadcast %add3A_214 : i32 to vector<16xi32>
      %add3A_216 = arith.addi %add3A_215, %select_n3A : vector<16xi32>
      %gather3A_217 = tpu.vector_load_idx %arg11[%add3A_216, %select_n3A_43] : memref<80x16xf32, #tpu.memory_space<vmem>>[vector<16xi32>, vector<16xi32>], vector<16xf32>,
      %gather3A_218 = tpu.vector_load_idx %arg12[%add3A_216, %select_n3A_43] : memref<80x16xf32, #tpu.memory_space<vmem>>[vector<16xi32>, vector<16xi32>], vector<16xf32>,
      %add3A_219 = arith.addf %gather3A_217, %gather3A_218 : vector<16xf32>
      %ge3A_220 = arith.constant 0.000000e+00 : f32
      %ge3A_221 = vector.broadcast %ge3A_220 : f32 to vector<16xf32>
      %ge3A_222 = arith.cmpf oge, %add3A_219, %ge3A_221 : vector<16xf32>
      %mul3A_223 = arith.constant 2.000000e-01 : f32
      %mul3A_224 = vector.broadcast %mul3A_223 : f32 to vector<16xf32>
      %mul3A_225 = arith.mulf %mul3A_224, %add3A_219 : vector<16xf32>
      %select_n3A_226 = arith.select %ge3A_222, %add3A_219, %mul3A_225 : vector<16xi1>, vector<16xf32>
      %exp3A_227 = math.exp %select_n3A_226 : vector<16xf32>
      tpu.vector_store_idx %arg13[%add3A_216, %select_n3A_43], %exp3A_227 : memref<80x4xf32, #tpu.memory_space<vmem>>[vector<16xi32>, vector<16xi32>], vector<16xf32>,
      %add3A_228 = arith.constant 44 : i32
      %add3A_229 = vector.broadcast %add3A_228 : i32 to vector<16xi32>
      %add3A_230 = arith.addi %add3A_229, %select_n3A : vector<16xi32>
      %gather3A_231 = tpu.vector_load_idx %arg11[%add3A_230, %select_n3A_43] : memref<80x16xf32, #tpu.memory_space<vmem>>[vector<16xi32>, vector<16xi32>], vector<16xf32>,
      %gather3A_232 = tpu.vector_load_idx %arg12[%add3A_230, %select_n3A_43] : memref<80x16xf32, #tpu.memory_space<vmem>>[vector<16xi32>, vector<16xi32>], vector<16xf32>,
      %add3A_233 = arith.addf %gather3A_231, %gather3A_232 : vector<16xf32>
      %ge3A_234 = arith.constant 0.000000e+00 : f32
      %ge3A_235 = vector.broadcast %ge3A_234 : f32 to vector<16xf32>
      %ge3A_236 = arith.cmpf oge, %add3A_233, %ge3A_235 : vector<16xf32>
      %mul3A_237 = arith.constant 2.000000e-01 : f32
      %mul3A_238 = vector.broadcast %mul3A_237 : f32 to vector<16xf32>
      %mul3A_239 = arith.mulf %mul3A_238, %add3A_233 : vector<16xf32>
      %select_n3A_240 = arith.select %ge3A_236, %add3A_233, %mul3A_239 : vector<16xi1>, vector<16xf32>
      %exp3A_241 = math.exp %select_n3A_240 : vector<16xf32>
      tpu.vector_store_idx %arg13[%add3A_230, %select_n3A_43], %exp3A_241 : memref<80x4xf32, #tpu.memory_space<vmem>>[vector<16xi32>, vector<16xi32>], vector<16xf32>,
      %add3A_242 = arith.constant 48 : i32
      %add3A_243 = vector.broadcast %add3A_242 : i32 to vector<16xi32>
      %add3A_244 = arith.addi %add3A_243, %select_n3A : vector<16xi32>
      %gather3A_245 = tpu.vector_load_idx %arg11[%add3A_244, %select_n3A_43] : memref<80x16xf32, #tpu.memory_space<vmem>>[vector<16xi32>, vector<16xi32>], vector<16xf32>,
      %gather3A_246 = tpu.vector_load_idx %arg12[%add3A_244, %select_n3A_43] : memref<80x16xf32, #tpu.memory_space<vmem>>[vector<16xi32>, vector<16xi32>], vector<16xf32>,
      %add3A_247 = arith.addf %gather3A_245, %gather3A_246 : vector<16xf32>
      %ge3A_248 = arith.constant 0.000000e+00 : f32
      %ge3A_249 = vector.broadcast %ge3A_248 : f32 to vector<16xf32>
      %ge3A_250 = arith.cmpf oge, %add3A_247, %ge3A_249 : vector<16xf32>
      %mul3A_251 = arith.constant 2.000000e-01 : f32
      %mul3A_252 = vector.broadcast %mul3A_251 : f32 to vector<16xf32>
      %mul3A_253 = arith.mulf %mul3A_252, %add3A_247 : vector<16xf32>
      %select_n3A_254 = arith.select %ge3A_250, %add3A_247, %mul3A_253 : vector<16xi1>, vector<16xf32>
      %exp3A_255 = math.exp %select_n3A_254 : vector<16xf32>
      tpu.vector_store_idx %arg13[%add3A_244, %select_n3A_43], %exp3A_255 : memref<80x4xf32, #tpu.memory_space<vmem>>[vector<16xi32>, vector<16xi32>], vector<16xf32>,
      %add3A_256 = arith.constant 52 : i32
      %add3A_257 = vector.broadcast %add3A_256 : i32 to vector<16xi32>
      %add3A_258 = arith.addi %add3A_257, %select_n3A : vector<16xi32>
      %gather3A_259 = tpu.vector_load_idx %arg11[%add3A_258, %select_n3A_43] : memref<80x16xf32, #tpu.memory_space<vmem>>[vector<16xi32>, vector<16xi32>], vector<16xf32>,
      %gather3A_260 = tpu.vector_load_idx %arg12[%add3A_258, %select_n3A_43] : memref<80x16xf32, #tpu.memory_space<vmem>>[vector<16xi32>, vector<16xi32>], vector<16xf32>,
      %add3A_261 = arith.addf %gather3A_259, %gather3A_260 : vector<16xf32>
      %ge3A_262 = arith.constant 0.000000e+00 : f32
      %ge3A_263 = vector.broadcast %ge3A_262 : f32 to vector<16xf32>
      %ge3A_264 = arith.cmpf oge, %add3A_261, %ge3A_263 : vector<16xf32>
      %mul3A_265 = arith.constant 2.000000e-01 : f32
      %mul3A_266 = vector.broadcast %mul3A_265 : f32 to vector<16xf32>
      %mul3A_267 = arith.mulf %mul3A_266, %add3A_261 : vector<16xf32>
      %select_n3A_268 = arith.select %ge3A_264, %add3A_261, %mul3A_267 : vector<16xi1>, vector<16xf32>
      %exp3A_269 = math.exp %select_n3A_268 : vector<16xf32>
      tpu.vector_store_idx %arg13[%add3A_258, %select_n3A_43], %exp3A_269 : memref<80x4xf32, #tpu.memory_space<vmem>>[vector<16xi32>, vector<16xi32>], vector<16xf32>,
      %add3A_270 = arith.constant 56 : i32
      %add3A_271 = vector.broadcast %add3A_270 : i32 to vector<16xi32>
      %add3A_272 = arith.addi %add3A_271, %select_n3A : vector<16xi32>
      %gather3A_273 = tpu.vector_load_idx %arg11[%add3A_272, %select_n3A_43] : memref<80x16xf32, #tpu.memory_space<vmem>>[vector<16xi32>, vector<16xi32>], vector<16xf32>,
      %gather3A_274 = tpu.vector_load_idx %arg12[%add3A_272, %select_n3A_43] : memref<80x16xf32, #tpu.memory_space<vmem>>[vector<16xi32>, vector<16xi32>], vector<16xf32>,
      %add3A_275 = arith.addf %gather3A_273, %gather3A_274 : vector<16xf32>
      %ge3A_276 = arith.constant 0.000000e+00 : f32
      %ge3A_277 = vector.broadcast %ge3A_276 : f32 to vector<16xf32>
      %ge3A_278 = arith.cmpf oge, %add3A_275, %ge3A_277 : vector<16xf32>
      %mul3A_279 = arith.constant 2.000000e-01 : f32
      %mul3A_280 = vector.broadcast %mul3A_279 : f32 to vector<16xf32>
      %mul3A_281 = arith.mulf %mul3A_280, %add3A_275 : vector<16xf32>
      %select_n3A_282 = arith.select %ge3A_278, %add3A_275, %mul3A_281 : vector<16xi1>, vector<16xf32>
      %exp3A_283 = math.exp %select_n3A_282 : vector<16xf32>
      tpu.vector_store_idx %arg13[%add3A_272, %select_n3A_43], %exp3A_283 : memref<80x4xf32, #tpu.memory_space<vmem>>[vector<16xi32>, vector<16xi32>], vector<16xf32>,
      %add3A_284 = arith.constant 60 : i32
      %add3A_285 = vector.broadcast %add3A_284 : i32 to vector<16xi32>
      %add3A_286 = arith.addi %add3A_285, %select_n3A : vector<16xi32>
      %gather3A_287 = tpu.vector_load_idx %arg11[%add3A_286, %select_n3A_43] : memref<80x16xf32, #tpu.memory_space<vmem>>[vector<16xi32>, vector<16xi32>], vector<16xf32>,
      %gather3A_288 = tpu.vector_load_idx %arg12[%add3A_286, %select_n3A_43] : memref<80x16xf32, #tpu.memory_space<vmem>>[vector<16xi32>, vector<16xi32>], vector<16xf32>,
      %add3A_289 = arith.addf %gather3A_287, %gather3A_288 : vector<16xf32>
      %ge3A_290 = arith.constant 0.000000e+00 : f32
      %ge3A_291 = vector.broadcast %ge3A_290 : f32 to vector<16xf32>
      %ge3A_292 = arith.cmpf oge, %add3A_289, %ge3A_291 : vector<16xf32>
      %mul3A_293 = arith.constant 2.000000e-01 : f32
      %mul3A_294 = vector.broadcast %mul3A_293 : f32 to vector<16xf32>
      %mul3A_295 = arith.mulf %mul3A_294, %add3A_289 : vector<16xf32>
      %select_n3A_296 = arith.select %ge3A_292, %add3A_289, %mul3A_295 : vector<16xi1>, vector<16xf32>
      %exp3A_297 = math.exp %select_n3A_296 : vector<16xf32>
      tpu.vector_store_idx %arg13[%add3A_286, %select_n3A_43], %exp3A_297 : memref<80x4xf32, #tpu.memory_space<vmem>>[vector<16xi32>, vector<16xi32>], vector<16xf32>,
      %add3A_298 = arith.constant 64 : i32
      %add3A_299 = vector.broadcast %add3A_298 : i32 to vector<16xi32>
      %add3A_300 = arith.addi %add3A_299, %select_n3A : vector<16xi32>
      %gather3A_301 = tpu.vector_load_idx %arg11[%add3A_300, %select_n3A_43] : memref<80x16xf32, #tpu.memory_space<vmem>>[vector<16xi32>, vector<16xi32>], vector<16xf32>,
      %gather3A_302 = tpu.vector_load_idx %arg12[%add3A_300, %select_n3A_43] : memref<80x16xf32, #tpu.memory_space<vmem>>[vector<16xi32>, vector<16xi32>], vector<16xf32>,
      %add3A_303 = arith.addf %gather3A_301, %gather3A_302 : vector<16xf32>
      %ge3A_304 = arith.constant 0.000000e+00 : f32
      %ge3A_305 = vector.broadcast %ge3A_304 : f32 to vector<16xf32>
      %ge3A_306 = arith.cmpf oge, %add3A_303, %ge3A_305 : vector<16xf32>
      %mul3A_307 = arith.constant 2.000000e-01 : f32
      %mul3A_308 = vector.broadcast %mul3A_307 : f32 to vector<16xf32>
      %mul3A_309 = arith.mulf %mul3A_308, %add3A_303 : vector<16xf32>
      %select_n3A_310 = arith.select %ge3A_306, %add3A_303, %mul3A_309 : vector<16xi1>, vector<16xf32>
      %exp3A_311 = math.exp %select_n3A_310 : vector<16xf32>
      tpu.vector_store_idx %arg13[%add3A_300, %select_n3A_43], %exp3A_311 : memref<80x4xf32, #tpu.memory_space<vmem>>[vector<16xi32>, vector<16xi32>], vector<16xf32>,
      %add3A_312 = arith.constant 68 : i32
      %add3A_313 = vector.broadcast %add3A_312 : i32 to vector<16xi32>
      %add3A_314 = arith.addi %add3A_313, %select_n3A : vector<16xi32>
      %gather3A_315 = tpu.vector_load_idx %arg11[%add3A_314, %select_n3A_43] : memref<80x16xf32, #tpu.memory_space<vmem>>[vector<16xi32>, vector<16xi32>], vector<16xf32>,
      %gather3A_316 = tpu.vector_load_idx %arg12[%add3A_314, %select_n3A_43] : memref<80x16xf32, #tpu.memory_space<vmem>>[vector<16xi32>, vector<16xi32>], vector<16xf32>,
      %add3A_317 = arith.addf %gather3A_315, %gather3A_316 : vector<16xf32>
      %ge3A_318 = arith.constant 0.000000e+00 : f32
      %ge3A_319 = vector.broadcast %ge3A_318 : f32 to vector<16xf32>
      %ge3A_320 = arith.cmpf oge, %add3A_317, %ge3A_319 : vector<16xf32>
      %mul3A_321 = arith.constant 2.000000e-01 : f32
      %mul3A_322 = vector.broadcast %mul3A_321 : f32 to vector<16xf32>
      %mul3A_323 = arith.mulf %mul3A_322, %add3A_317 : vector<16xf32>
      %select_n3A_324 = arith.select %ge3A_320, %add3A_317, %mul3A_323 : vector<16xi1>, vector<16xf32>
      %exp3A_325 = math.exp %select_n3A_324 : vector<16xf32>
      tpu.vector_store_idx %arg13[%add3A_314, %select_n3A_43], %exp3A_325 : memref<80x4xf32, #tpu.memory_space<vmem>>[vector<16xi32>, vector<16xi32>], vector<16xf32>,
      %add3A_326 = arith.constant 72 : i32
      %add3A_327 = vector.broadcast %add3A_326 : i32 to vector<16xi32>
      %add3A_328 = arith.addi %add3A_327, %select_n3A : vector<16xi32>
      %gather3A_329 = tpu.vector_load_idx %arg11[%add3A_328, %select_n3A_43] : memref<80x16xf32, #tpu.memory_space<vmem>>[vector<16xi32>, vector<16xi32>], vector<16xf32>,
      %gather3A_330 = tpu.vector_load_idx %arg12[%add3A_328, %select_n3A_43] : memref<80x16xf32, #tpu.memory_space<vmem>>[vector<16xi32>, vector<16xi32>], vector<16xf32>,
      %add3A_331 = arith.addf %gather3A_329, %gather3A_330 : vector<16xf32>
      %ge3A_332 = arith.constant 0.000000e+00 : f32
      %ge3A_333 = vector.broadcast %ge3A_332 : f32 to vector<16xf32>
      %ge3A_334 = arith.cmpf oge, %add3A_331, %ge3A_333 : vector<16xf32>
      %mul3A_335 = arith.constant 2.000000e-01 : f32
      %mul3A_336 = vector.broadcast %mul3A_335 : f32 to vector<16xf32>
      %mul3A_337 = arith.mulf %mul3A_336, %add3A_331 : vector<16xf32>
      %select_n3A_338 = arith.select %ge3A_334, %add3A_331, %mul3A_337 : vector<16xi1>, vector<16xf32>
      %exp3A_339 = math.exp %select_n3A_338 : vector<16xf32>
      tpu.vector_store_idx %arg13[%add3A_328, %select_n3A_43], %exp3A_339 : memref<80x4xf32, #tpu.memory_space<vmem>>[vector<16xi32>, vector<16xi32>], vector<16xf32>,
      %add3A_340 = arith.constant 76 : i32
      %add3A_341 = vector.broadcast %add3A_340 : i32 to vector<16xi32>
      %add3A_342 = arith.addi %add3A_341, %select_n3A : vector<16xi32>
      %gather3A_343 = tpu.vector_load_idx %arg11[%add3A_342, %select_n3A_43] : memref<80x16xf32, #tpu.memory_space<vmem>>[vector<16xi32>, vector<16xi32>], vector<16xf32>,
      %gather3A_344 = tpu.vector_load_idx %arg12[%add3A_342, %select_n3A_43] : memref<80x16xf32, #tpu.memory_space<vmem>>[vector<16xi32>, vector<16xi32>], vector<16xf32>,
      %add3A_345 = arith.addf %gather3A_343, %gather3A_344 : vector<16xf32>
      %ge3A_346 = arith.constant 0.000000e+00 : f32
      %ge3A_347 = vector.broadcast %ge3A_346 : f32 to vector<16xf32>
      %ge3A_348 = arith.cmpf oge, %add3A_345, %ge3A_347 : vector<16xf32>
      %mul3A_349 = arith.constant 2.000000e-01 : f32
      %mul3A_350 = vector.broadcast %mul3A_349 : f32 to vector<16xf32>
      %mul3A_351 = arith.mulf %mul3A_350, %add3A_345 : vector<16xf32>
      %select_n3A_352 = arith.select %ge3A_348, %add3A_345, %mul3A_351 : vector<16xi1>, vector<16xf32>
      %exp3A_353 = math.exp %select_n3A_352 : vector<16xf32>
      tpu.vector_store_idx %arg13[%add3A_342, %select_n3A_43], %exp3A_353 : memref<80x4xf32, #tpu.memory_space<vmem>>[vector<16xi32>, vector<16xi32>], vector<16xf32>,
      "tpu.region"() ({
        %run_scoped3A = tpu.sem_alloc : memref<!tpu.dma_semaphore, #tpu.memory_space<semaphore_mem>>
        %dma_start3A_354 = arith.constant 0 : i32
        %dma_start3A_355 = tpu.memref_slice %arg7[%add3A_66, %dma_start3A_354] : memref<640000x4xf32, #tpu.memory_space<hbm>> -> memref<80x4xf32, #tpu.memory_space<hbm>>
        %dma_start3A_356 = arith.constant 0 : i32
        %dma_start3A_357 = tpu.memref_slice %arg7[%add3A_66, %dma_start3A_356] : memref<640000x4xf32, #tpu.memory_space<hbm>> -> memref<80x4xf32, #tpu.memory_space<hbm>>
        tpu.enqueue_dma source(%arg13 : memref<80x4xf32, #tpu.memory_space<vmem>>) target(%dma_start3A_357 : memref<80x4xf32, #tpu.memory_space<hbm>>) target_semaphore(%run_scoped3A : memref<!tpu.dma_semaphore, #tpu.memory_space<semaphore_mem>>)
        %dma_wait3A_358 = arith.constant 0 : i32
        %dma_wait3A_359 = tpu.memref_slice %arg7[%add3A_66, %dma_wait3A_358] : memref<640000x4xf32, #tpu.memory_space<hbm>> -> memref<80x4xf32, #tpu.memory_space<hbm>>
        %dma_wait3A_360 = arith.constant 0 : i32
        %dma_wait3A_361 = tpu.memref_slice %arg7[%add3A_66, %dma_wait3A_360] : memref<640000x4xf32, #tpu.memory_space<hbm>> -> memref<80x4xf32, #tpu.memory_space<hbm>>
        tpu.wait_dma2 semaphore(%run_scoped3A : memref<!tpu.dma_semaphore, #tpu.memory_space<semaphore_mem>>) src(%arg13 : memref<80x4xf32, #tpu.memory_space<vmem>>) dst(%dma_wait3A_361 : memref<80x4xf32, #tpu.memory_space<hbm>>)
        tpu.yield
      }) : () -> ()
      "tpu.region"() ({
        %run_scoped3A = tpu.sem_alloc : memref<!tpu.dma_semaphore, #tpu.memory_space<semaphore_mem>>
        %dma_start3A_354 = arith.constant 0 : i32
        %dma_start3A_355 = arith.constant 0 : i32
        %dma_start3A_356 = tpu.memref_slice %arg14[%dma_start3A_354, %dma_start3A_355] : memref<10240x4xf32, #tpu.memory_space<vmem_shared>> -> memref<10240x4xf32, #tpu.memory_space<vmem_shared>>
        tpu.enqueue_indirect_dma source(%arg13 : memref<80x4xf32, #tpu.memory_space<vmem>>) target(%dma_start3A_356 : memref<10240x4xf32, #tpu.memory_space<vmem_shared>>) offsets(%arg10 : memref<80xi32, #tpu.memory_space<vmem>>) semaphore(%run_scoped3A : memref<!tpu.dma_semaphore, #tpu.memory_space<semaphore_mem>>) {add = true}
        %dma_wait3A_357 = arith.constant 0 : i32
        %dma_wait3A_358 = arith.constant 0 : i32
        %dma_wait3A_359 = tpu.memref_slice %arg14[%dma_wait3A_357, %dma_wait3A_358] : memref<10240x4xf32, #tpu.memory_space<vmem_shared>> -> memref<10240x4xf32, #tpu.memory_space<vmem_shared>>
        tpu.wait_indirect_dma semaphore(%run_scoped3A : memref<!tpu.dma_semaphore, #tpu.memory_space<semaphore_mem>>) src(%arg13 : memref<80x4xf32, #tpu.memory_space<vmem>>) dst(%dma_wait3A_359 : memref<10240x4xf32, #tpu.memory_space<vmem_shared>>)
        tpu.yield
      }) : () -> ()
    }
    %scan3A_52 = arith.constant 250 : i32
    %barrier3A_53 = arith.constant 0 : index
    tpu.barrier barrier_id(%barrier3A_53)
    %mul3A_54 = arith.constant 640 : i32
    %mul3A_55 = arith.muli %arg1, %mul3A_54 : i32
    %mul3A_56 = arith.constant 10240 : i32
    %mul3A_57 = arith.muli %arg0, %mul3A_56 : i32
    %mul3A_58 = arith.constant 640 : i32
    %mul3A_59 = arith.muli %arg1, %mul3A_58 : i32
    %add3A_60 = arith.addi %mul3A_57, %mul3A_59 : i32
    "tpu.region"() ({
      %run_scoped3A = tpu.sem_alloc : memref<!tpu.dma_semaphore, #tpu.memory_space<semaphore_mem>>
      %dma_start3A = arith.constant 0 : i32
      %dma_start3A_61 = tpu.memref_slice %arg8[%add3A_60, %dma_start3A] : memref<20480x4xf32, #tpu.memory_space<hbm>> -> memref<640x4xf32, #tpu.memory_space<hbm>>
      %dma_start3A_62 = arith.constant 0 : i32
      %dma_start3A_63 = tpu.memref_slice %arg14[%mul3A_55, %dma_start3A_62] : memref<10240x4xf32, #tpu.memory_space<vmem_shared>> -> memref<640x4xf32, #tpu.memory_space<vmem_shared>>
      tpu.enqueue_dma source(%dma_start3A_63 : memref<640x4xf32, #tpu.memory_space<vmem_shared>>) target(%dma_start3A_61 : memref<640x4xf32, #tpu.memory_space<hbm>>) target_semaphore(%run_scoped3A : memref<!tpu.dma_semaphore, #tpu.memory_space<semaphore_mem>>)
      %dma_wait3A = arith.constant 0 : i32
      %dma_wait3A_64 = tpu.memref_slice %arg8[%add3A_60, %dma_wait3A] : memref<20480x4xf32, #tpu.memory_space<hbm>> -> memref<640x4xf32, #tpu.memory_space<hbm>>
      %dma_wait3A_65 = arith.constant 0 : i32
      %dma_wait3A_66 = tpu.memref_slice %arg14[%mul3A_55, %dma_wait3A_65] : memref<10240x4xf32, #tpu.memory_space<vmem_shared>> -> memref<640x4xf32, #tpu.memory_space<vmem_shared>>
      tpu.wait_dma2 semaphore(%run_scoped3A : memref<!tpu.dma_semaphore, #tpu.memory_space<semaphore_mem>>) src(%dma_wait3A_66 : memref<640x4xf32, #tpu.memory_space<vmem_shared>>) dst(%dma_wait3A_64 : memref<640x4xf32, #tpu.memory_space<hbm>>)
      tpu.yield
    }) : () -> ()
    return
  }
}

#map = affine_map<(d0, d1) -> (0)>
#map1 = affine_map<(d0, d1) -> (0, 0)>
module attributes {stable_mosaic.version = 14 : i64} {
  func.func @_pass_b(%arg0: i32, %arg1: i32, %arg2: memref<640000xi32, #tpu.memory_space<hbm>>, %arg3: memref<640000xi32, #tpu.memory_space<hbm>>, %arg4: memref<640000x4xf32, #tpu.memory_space<hbm>>, %arg5: memref<20480x4xf32, #tpu.memory_space<hbm>>, %arg6: memref<10000x128xf32, #tpu.memory_space<hbm>>, %arg7: memref<10000x128xf32, #tpu.memory_space<hbm>>, %arg8: memref<20000x128xf32, #tpu.memory_space<hbm>>, %arg9: memref<80xi32, #tpu.memory_space<vmem>>, %arg10: memref<80xi32, #tpu.memory_space<vmem>>, %arg11: memref<80x4xf32, #tpu.memory_space<vmem>>, %arg12: memref<80x4xf32, #tpu.memory_space<vmem>>, %arg13: memref<80x4xf32, #tpu.memory_space<vmem>>, %arg14: memref<80x128xf32, #tpu.memory_space<vmem>>, %arg15: memref<640x4xf32, #tpu.memory_space<vmem>>, %arg16: memref<640x4xf32, #tpu.memory_space<vmem>>, %arg17: memref<10240x4xf32, #tpu.memory_space<vmem_shared>>, %arg18: memref<10000x128xf32, #tpu.memory_space<vmem_shared>>, %arg19: memref<!tpu.dma_semaphore, #tpu.memory_space<semaphore_mem>>, %arg20: memref<!tpu.dma_semaphore, #tpu.memory_space<semaphore_mem>>) attributes {dimension_semantics = [#tpu.dimension_semantics<core_parallel>, #tpu.dimension_semantics<subcore_parallel>], iteration_bounds = array<i64: 2, 16>, scalar_prefetch = 0 : i64, scratch_operands = 12 : i64, tpu.core_type = #tpu.core_type<sc_vector_subcore>, window_params = [{transform_indices = #map}, {transform_indices = #map}, {transform_indices = #map1}, {transform_indices = #map1}, {transform_indices = #map1}, {transform_indices = #map1}, {transform_indices = #map1}]} {
    %mul3A = arith.constant 16 : i32
    %mul3A_0 = arith.muli %arg0, %mul3A : i32
    %add3A = arith.addi %mul3A_0, %arg1 : i32
    %iota3A = tpu.iota {dimensions = array<i32: 0>} : vector<16xi32>
    %jit3A = arith.constant 4 : i32
    %div3A = vector.broadcast %jit3A : i32 to vector<16xi32>
    %div3A_1 = arith.divsi %iota3A, %div3A : vector<16xi32>
    %sign3A = arith.constant 0 : i32
    %sign3A_2 = vector.broadcast %sign3A : i32 to vector<16xi32>
    %sign3A_3 = arith.cmpi sgt, %iota3A, %sign3A_2 : vector<16xi32>
    %sign3A_4 = arith.extui %sign3A_3 : vector<16xi1> to vector<16xi32>
    %sign3A_5 = arith.constant 0 : i32
    %sign3A_6 = vector.broadcast %sign3A_5 : i32 to vector<16xi32>
    %sign3A_7 = arith.cmpi slt, %iota3A, %sign3A_6 : vector<16xi32>
    %sign3A_8 = arith.extui %sign3A_7 : vector<16xi1> to vector<16xi32>
    %sign3A_9 = arith.subi %sign3A_4, %sign3A_8 : vector<16xi32>
    %sign3A_10 = arith.constant 0 : i32
    %sign3A_11 = arith.cmpi sgt, %jit3A, %sign3A_10 : i32
    %sign3A_12 = arith.extui %sign3A_11 : i1 to i32
    %sign3A_13 = arith.constant 0 : i32
    %sign3A_14 = arith.cmpi slt, %jit3A, %sign3A_13 : i32
    %sign3A_15 = arith.extui %sign3A_14 : i1 to i32
    %sign3A_16 = arith.subi %sign3A_12, %sign3A_15 : i32
    %ne3A = vector.broadcast %sign3A_16 : i32 to vector<16xi32>
    %ne3A_17 = arith.cmpi ne, %sign3A_9, %ne3A : vector<16xi32>
    %rem3A = vector.broadcast %jit3A : i32 to vector<16xi32>
    %rem3A_18 = arith.remsi %iota3A, %rem3A : vector<16xi32>
    %ne3A_19 = arith.constant 0 : i32
    %ne3A_20 = vector.broadcast %ne3A_19 : i32 to vector<16xi32>
    %ne3A_21 = arith.cmpi ne, %rem3A_18, %ne3A_20 : vector<16xi32>
    %and3A = arith.andi %ne3A_17, %ne3A_21 : vector<16xi1>
    %sub3A = arith.constant 1 : i32
    %sub3A_22 = vector.broadcast %sub3A : i32 to vector<16xi32>
    %sub3A_23 = arith.subi %div3A_1, %sub3A_22 : vector<16xi32>
    %select_n3A = arith.select %and3A, %sub3A_23, %div3A_1 : vector<16xi1>, vector<16xi32>
    %jit3A_24 = arith.constant 4 : i32
    %eq3A = arith.constant 0 : i32
    %eq3A_25 = arith.cmpi eq, %jit3A_24, %eq3A : i32
    %jit3A_26 = arith.constant 1 : i32
    %select_n3A_27 = arith.select %eq3A_25, %jit3A_26, %jit3A_24 : i32
    %rem3A_28 = vector.broadcast %select_n3A_27 : i32 to vector<16xi32>
    %rem3A_29 = arith.remsi %iota3A, %rem3A_28 : vector<16xi32>
    %ne3A_30 = arith.constant 0 : i32
    %ne3A_31 = vector.broadcast %ne3A_30 : i32 to vector<16xi32>
    %ne3A_32 = arith.cmpi ne, %rem3A_29, %ne3A_31 : vector<16xi32>
    %lt3A = arith.constant 0 : i32
    %lt3A_33 = vector.broadcast %lt3A : i32 to vector<16xi32>
    %lt3A_34 = arith.cmpi slt, %rem3A_29, %lt3A_33 : vector<16xi32>
    %lt3A_35 = arith.constant 0 : i32
    %lt3A_36 = arith.cmpi slt, %select_n3A_27, %lt3A_35 : i32
    %ne3A_37 = vector.broadcast %lt3A_36 : i1 to vector<16xi1>
    %ne3A_38 = vector.broadcast %ne3A_37 : vector<16xi1> to vector<16xi1>
    %ne3A_39 = arith.xori %lt3A_34, %ne3A_38 : vector<16xi1>
    %and3A_40 = arith.andi %ne3A_39, %ne3A_32 : vector<16xi1>
    %add3A_41 = vector.broadcast %select_n3A_27 : i32 to vector<16xi32>
    %add3A_42 = arith.addi %rem3A_29, %add3A_41 : vector<16xi32>
    %select_n3A_43 = arith.select %and3A_40, %add3A_42, %rem3A_29 : vector<16xi1>, vector<16xi32>
    %mul3A_44 = arith.constant 640 : i32
    %mul3A_45 = arith.muli %arg1, %mul3A_44 : i32
    "tpu.region"() ({
      %run_scoped3A = tpu.sem_alloc : memref<!tpu.dma_semaphore, #tpu.memory_space<semaphore_mem>>
      %dma_start3A = arith.constant 0 : i32
      %dma_start3A_75 = tpu.memref_slice %arg5[%mul3A_45, %dma_start3A] : memref<20480x4xf32, #tpu.memory_space<hbm>> -> memref<640x4xf32, #tpu.memory_space<hbm>>
      %dma_start3A_76 = arith.constant 0 : i32
      %dma_start3A_77 = tpu.memref_slice %arg5[%mul3A_45, %dma_start3A_76] : memref<20480x4xf32, #tpu.memory_space<hbm>> -> memref<640x4xf32, #tpu.memory_space<hbm>>
      tpu.enqueue_dma source(%dma_start3A_77 : memref<640x4xf32, #tpu.memory_space<hbm>>) target(%arg15 : memref<640x4xf32, #tpu.memory_space<vmem>>) target_semaphore(%run_scoped3A : memref<!tpu.dma_semaphore, #tpu.memory_space<semaphore_mem>>)
      %dma_wait3A = arith.constant 0 : i32
      %dma_wait3A_78 = tpu.memref_slice %arg5[%mul3A_45, %dma_wait3A] : memref<20480x4xf32, #tpu.memory_space<hbm>> -> memref<640x4xf32, #tpu.memory_space<hbm>>
      %dma_wait3A_79 = arith.constant 0 : i32
      %dma_wait3A_80 = tpu.memref_slice %arg5[%mul3A_45, %dma_wait3A_79] : memref<20480x4xf32, #tpu.memory_space<hbm>> -> memref<640x4xf32, #tpu.memory_space<hbm>>
      tpu.wait_dma2 semaphore(%run_scoped3A : memref<!tpu.dma_semaphore, #tpu.memory_space<semaphore_mem>>) src(%dma_wait3A_80 : memref<640x4xf32, #tpu.memory_space<hbm>>) dst(%arg15 : memref<640x4xf32, #tpu.memory_space<vmem>>)
      tpu.yield
    }) : () -> ()
    %mul3A_46 = arith.constant 640 : i32
    %mul3A_47 = arith.muli %arg1, %mul3A_46 : i32
    %add3A_48 = arith.constant 10240 : i32
    %add3A_49 = arith.addi %add3A_48, %mul3A_47 : i32
    "tpu.region"() ({
      %run_scoped3A = tpu.sem_alloc : memref<!tpu.dma_semaphore, #tpu.memory_space<semaphore_mem>>
      %dma_start3A = arith.constant 0 : i32
      %dma_start3A_75 = tpu.memref_slice %arg5[%add3A_49, %dma_start3A] : memref<20480x4xf32, #tpu.memory_space<hbm>> -> memref<640x4xf32, #tpu.memory_space<hbm>>
      %dma_start3A_76 = arith.constant 0 : i32
      %dma_start3A_77 = tpu.memref_slice %arg5[%add3A_49, %dma_start3A_76] : memref<20480x4xf32, #tpu.memory_space<hbm>> -> memref<640x4xf32, #tpu.memory_space<hbm>>
      tpu.enqueue_dma source(%dma_start3A_77 : memref<640x4xf32, #tpu.memory_space<hbm>>) target(%arg16 : memref<640x4xf32, #tpu.memory_space<vmem>>) target_semaphore(%run_scoped3A : memref<!tpu.dma_semaphore, #tpu.memory_space<semaphore_mem>>)
      %dma_wait3A = arith.constant 0 : i32
      %dma_wait3A_78 = tpu.memref_slice %arg5[%add3A_49, %dma_wait3A] : memref<20480x4xf32, #tpu.memory_space<hbm>> -> memref<640x4xf32, #tpu.memory_space<hbm>>
      %dma_wait3A_79 = arith.constant 0 : i32
      %dma_wait3A_80 = tpu.memref_slice %arg5[%add3A_49, %dma_wait3A_79] : memref<20480x4xf32, #tpu.memory_space<hbm>> -> memref<640x4xf32, #tpu.memory_space<hbm>>
      tpu.wait_dma2 semaphore(%run_scoped3A : memref<!tpu.dma_semaphore, #tpu.memory_space<semaphore_mem>>) src(%dma_wait3A_80 : memref<640x4xf32, #tpu.memory_space<hbm>>) dst(%arg16 : memref<640x4xf32, #tpu.memory_space<vmem>>)
      tpu.yield
    }) : () -> ()
    %scan3A = arith.constant 0 : i32
    %scan3A_50 = arith.constant 0 : i32
    %scan3A_51 = arith.constant 160 : i32
    %scan3A_52 = arith.addi %scan3A_50, %scan3A_51 : i32
    %scan3A_53 = arith.constant 1 : i32
    scf.for %scan3A_75 = %scan3A_50 to %scan3A_52 step %scan3A_53  : i32 {
      %mul3A_76 = arith.constant 4 : i32
      %mul3A_77 = arith.muli %scan3A_75, %mul3A_76 : i32
      %add3A_78 = vector.broadcast %mul3A_77 : i32 to vector<16xi32>
      %add3A_79 = arith.addi %add3A_78, %select_n3A : vector<16xi32>
      %gather3A = tpu.vector_load_idx %arg15[%add3A_79, %select_n3A_43] : memref<640x4xf32, #tpu.memory_space<vmem>>[vector<16xi32>, vector<16xi32>], vector<16xf32>,
      %gather3A_80 = tpu.vector_load_idx %arg16[%add3A_79, %select_n3A_43] : memref<640x4xf32, #tpu.memory_space<vmem>>[vector<16xi32>, vector<16xi32>], vector<16xf32>,
      %add3A_81 = arith.addf %gather3A, %gather3A_80 : vector<16xf32>
      tpu.vector_store_idx %arg15[%add3A_79, %select_n3A_43], %add3A_81 : memref<640x4xf32, #tpu.memory_space<vmem>>[vector<16xi32>, vector<16xi32>], vector<16xf32>,
    }
    %scan3A_54 = arith.constant 160 : i32
    %mul3A_55 = arith.constant 640 : i32
    %mul3A_56 = arith.muli %arg1, %mul3A_55 : i32
    "tpu.region"() ({
      %run_scoped3A = tpu.sem_alloc : memref<!tpu.dma_semaphore, #tpu.memory_space<semaphore_mem>>
      %dma_start3A = arith.constant 0 : i32
      %dma_start3A_75 = tpu.memref_slice %arg17[%mul3A_56, %dma_start3A] : memref<10240x4xf32, #tpu.memory_space<vmem_shared>> -> memref<640x4xf32, #tpu.memory_space<vmem_shared>>
      %dma_start3A_76 = arith.constant 0 : i32
      %dma_start3A_77 = tpu.memref_slice %arg17[%mul3A_56, %dma_start3A_76] : memref<10240x4xf32, #tpu.memory_space<vmem_shared>> -> memref<640x4xf32, #tpu.memory_space<vmem_shared>>
      tpu.enqueue_dma source(%arg15 : memref<640x4xf32, #tpu.memory_space<vmem>>) target(%dma_start3A_77 : memref<640x4xf32, #tpu.memory_space<vmem_shared>>) target_semaphore(%run_scoped3A : memref<!tpu.dma_semaphore, #tpu.memory_space<semaphore_mem>>)
      %dma_wait3A = arith.constant 0 : i32
      %dma_wait3A_78 = tpu.memref_slice %arg17[%mul3A_56, %dma_wait3A] : memref<10240x4xf32, #tpu.memory_space<vmem_shared>> -> memref<640x4xf32, #tpu.memory_space<vmem_shared>>
      %dma_wait3A_79 = arith.constant 0 : i32
      %dma_wait3A_80 = tpu.memref_slice %arg17[%mul3A_56, %dma_wait3A_79] : memref<10240x4xf32, #tpu.memory_space<vmem_shared>> -> memref<640x4xf32, #tpu.memory_space<vmem_shared>>
      tpu.wait_dma2 semaphore(%run_scoped3A : memref<!tpu.dma_semaphore, #tpu.memory_space<semaphore_mem>>) src(%arg15 : memref<640x4xf32, #tpu.memory_space<vmem>>) dst(%dma_wait3A_80 : memref<640x4xf32, #tpu.memory_space<vmem_shared>>)
      tpu.yield
    }) : () -> ()
    %mul3A_57 = arith.constant 625 : i32
    %mul3A_58 = arith.muli %arg1, %mul3A_57 : i32
    %mul3A_59 = arith.constant 625 : i32
    %mul3A_60 = arith.muli %arg1, %mul3A_59 : i32
    "tpu.region"() ({
      %run_scoped3A = tpu.sem_alloc : memref<!tpu.dma_semaphore, #tpu.memory_space<semaphore_mem>>
      %dma_start3A = arith.constant 0 : i32
      %dma_start3A_75 = tpu.memref_slice %arg18[%mul3A_60, %dma_start3A] : memref<10000x128xf32, #tpu.memory_space<vmem_shared>> -> memref<625x128xf32, #tpu.memory_space<vmem_shared>>
      %dma_start3A_76 = arith.constant 0 : i32
      %dma_start3A_77 = tpu.memref_slice %arg7[%mul3A_58, %dma_start3A_76] : memref<10000x128xf32, #tpu.memory_space<hbm>> -> memref<625x128xf32, #tpu.memory_space<hbm>>
      tpu.enqueue_dma source(%dma_start3A_77 : memref<625x128xf32, #tpu.memory_space<hbm>>) target(%dma_start3A_75 : memref<625x128xf32, #tpu.memory_space<vmem_shared>>) target_semaphore(%run_scoped3A : memref<!tpu.dma_semaphore, #tpu.memory_space<semaphore_mem>>)
      %dma_wait3A = arith.constant 0 : i32
      %dma_wait3A_78 = tpu.memref_slice %arg18[%mul3A_60, %dma_wait3A] : memref<10000x128xf32, #tpu.memory_space<vmem_shared>> -> memref<625x128xf32, #tpu.memory_space<vmem_shared>>
      %dma_wait3A_79 = arith.constant 0 : i32
      %dma_wait3A_80 = tpu.memref_slice %arg7[%mul3A_58, %dma_wait3A_79] : memref<10000x128xf32, #tpu.memory_space<hbm>> -> memref<625x128xf32, #tpu.memory_space<hbm>>
      tpu.wait_dma2 semaphore(%run_scoped3A : memref<!tpu.dma_semaphore, #tpu.memory_space<semaphore_mem>>) src(%dma_wait3A_80 : memref<625x128xf32, #tpu.memory_space<hbm>>) dst(%dma_wait3A_78 : memref<625x128xf32, #tpu.memory_space<vmem_shared>>)
      tpu.yield
    }) : () -> ()
    %barrier3A = arith.constant 0 : index
    tpu.barrier barrier_id(%barrier3A)
    %scan3A_61 = arith.constant 0 : i32
    %scan3A_62 = arith.constant 0 : i32
    %scan3A_63 = arith.constant 250 : i32
    %scan3A_64 = arith.addi %scan3A_62, %scan3A_63 : i32
    %scan3A_65 = arith.constant 1 : i32
    scf.for %scan3A_75 = %scan3A_62 to %scan3A_64 step %scan3A_65  : i32 {
      %mul3A_76 = arith.constant 20000 : i32
      %mul3A_77 = arith.muli %add3A, %mul3A_76 : i32
      %mul3A_78 = arith.constant 80 : i32
      %mul3A_79 = arith.muli %scan3A_75, %mul3A_78 : i32
      %add3A_80 = arith.addi %mul3A_77, %mul3A_79 : i32
      "tpu.region"() ({
        %run_scoped3A = tpu.sem_alloc : memref<!tpu.dma_semaphore, #tpu.memory_space<semaphore_mem>>
        %dma_start3A_216 = tpu.memref_slice %arg2[%add3A_80] : memref<640000xi32, #tpu.memory_space<hbm>> -> memref<80xi32, #tpu.memory_space<hbm>>
        %dma_start3A_217 = tpu.memref_slice %arg2[%add3A_80] : memref<640000xi32, #tpu.memory_space<hbm>> -> memref<80xi32, #tpu.memory_space<hbm>>
        tpu.enqueue_dma source(%dma_start3A_217 : memref<80xi32, #tpu.memory_space<hbm>>) target(%arg9 : memref<80xi32, #tpu.memory_space<vmem>>) target_semaphore(%run_scoped3A : memref<!tpu.dma_semaphore, #tpu.memory_space<semaphore_mem>>)
        %dma_wait3A_218 = tpu.memref_slice %arg2[%add3A_80] : memref<640000xi32, #tpu.memory_space<hbm>> -> memref<80xi32, #tpu.memory_space<hbm>>
        %dma_wait3A_219 = tpu.memref_slice %arg2[%add3A_80] : memref<640000xi32, #tpu.memory_space<hbm>> -> memref<80xi32, #tpu.memory_space<hbm>>
        tpu.wait_dma2 semaphore(%run_scoped3A : memref<!tpu.dma_semaphore, #tpu.memory_space<semaphore_mem>>) src(%dma_wait3A_219 : memref<80xi32, #tpu.memory_space<hbm>>) dst(%arg9 : memref<80xi32, #tpu.memory_space<vmem>>)
        tpu.yield
      }) : () -> ()
      "tpu.region"() ({
        %run_scoped3A = tpu.sem_alloc : memref<!tpu.dma_semaphore, #tpu.memory_space<semaphore_mem>>
        %dma_start3A_216 = tpu.memref_slice %arg3[%add3A_80] : memref<640000xi32, #tpu.memory_space<hbm>> -> memref<80xi32, #tpu.memory_space<hbm>>
        %dma_start3A_217 = tpu.memref_slice %arg3[%add3A_80] : memref<640000xi32, #tpu.memory_space<hbm>> -> memref<80xi32, #tpu.memory_space<hbm>>
        tpu.enqueue_dma source(%dma_start3A_217 : memref<80xi32, #tpu.memory_space<hbm>>) target(%arg10 : memref<80xi32, #tpu.memory_space<vmem>>) target_semaphore(%run_scoped3A : memref<!tpu.dma_semaphore, #tpu.memory_space<semaphore_mem>>)
        %dma_wait3A_218 = tpu.memref_slice %arg3[%add3A_80] : memref<640000xi32, #tpu.memory_space<hbm>> -> memref<80xi32, #tpu.memory_space<hbm>>
        %dma_wait3A_219 = tpu.memref_slice %arg3[%add3A_80] : memref<640000xi32, #tpu.memory_space<hbm>> -> memref<80xi32, #tpu.memory_space<hbm>>
        tpu.wait_dma2 semaphore(%run_scoped3A : memref<!tpu.dma_semaphore, #tpu.memory_space<semaphore_mem>>) src(%dma_wait3A_219 : memref<80xi32, #tpu.memory_space<hbm>>) dst(%arg10 : memref<80xi32, #tpu.memory_space<vmem>>)
        tpu.yield
      }) : () -> ()
      "tpu.region"() ({
        %run_scoped3A = tpu.sem_alloc : memref<!tpu.dma_semaphore, #tpu.memory_space<semaphore_mem>>
        %dma_start3A_216 = arith.constant 0 : i32
        %dma_start3A_217 = tpu.memref_slice %arg4[%add3A_80, %dma_start3A_216] : memref<640000x4xf32, #tpu.memory_space<hbm>> -> memref<80x4xf32, #tpu.memory_space<hbm>>
        %dma_start3A_218 = arith.constant 0 : i32
        %dma_start3A_219 = tpu.memref_slice %arg4[%add3A_80, %dma_start3A_218] : memref<640000x4xf32, #tpu.memory_space<hbm>> -> memref<80x4xf32, #tpu.memory_space<hbm>>
        tpu.enqueue_dma source(%dma_start3A_219 : memref<80x4xf32, #tpu.memory_space<hbm>>) target(%arg11 : memref<80x4xf32, #tpu.memory_space<vmem>>) target_semaphore(%run_scoped3A : memref<!tpu.dma_semaphore, #tpu.memory_space<semaphore_mem>>)
        %dma_wait3A_220 = arith.constant 0 : i32
        %dma_wait3A_221 = tpu.memref_slice %arg4[%add3A_80, %dma_wait3A_220] : memref<640000x4xf32, #tpu.memory_space<hbm>> -> memref<80x4xf32, #tpu.memory_space<hbm>>
        %dma_wait3A_222 = arith.constant 0 : i32
        %dma_wait3A_223 = tpu.memref_slice %arg4[%add3A_80, %dma_wait3A_222] : memref<640000x4xf32, #tpu.memory_space<hbm>> -> memref<80x4xf32, #tpu.memory_space<hbm>>
        tpu.wait_dma2 semaphore(%run_scoped3A : memref<!tpu.dma_semaphore, #tpu.memory_space<semaphore_mem>>) src(%dma_wait3A_223 : memref<80x4xf32, #tpu.memory_space<hbm>>) dst(%arg11 : memref<80x4xf32, #tpu.memory_space<vmem>>)
        tpu.yield
      }) : () -> ()
      %dma_start3A = arith.constant 0 : i32
      %dma_start3A_81 = arith.constant 0 : i32
      %dma_start3A_82 = tpu.memref_slice %arg6[%dma_start3A, %dma_start3A_81] : memref<10000x128xf32, #tpu.memory_space<hbm>> -> memref<10000x128xf32, #tpu.memory_space<hbm>>
      tpu.enqueue_indirect_dma source(%dma_start3A_82 : memref<10000x128xf32, #tpu.memory_space<hbm>>) target(%arg14 : memref<80x128xf32, #tpu.memory_space<vmem>>) offsets(%arg9 : memref<80xi32, #tpu.memory_space<vmem>>) semaphore(%arg19 : memref<!tpu.dma_semaphore, #tpu.memory_space<semaphore_mem>>)
      %dma_start3A_83 = arith.constant 0 : i32
      %dma_start3A_84 = arith.constant 0 : i32
      %dma_start3A_85 = tpu.memref_slice %arg17[%dma_start3A_83, %dma_start3A_84] : memref<10240x4xf32, #tpu.memory_space<vmem_shared>> -> memref<10240x4xf32, #tpu.memory_space<vmem_shared>>
      tpu.enqueue_indirect_dma source(%dma_start3A_85 : memref<10240x4xf32, #tpu.memory_space<vmem_shared>>) target(%arg12 : memref<80x4xf32, #tpu.memory_space<vmem>>) offsets(%arg10 : memref<80xi32, #tpu.memory_space<vmem>>) semaphore(%arg20 : memref<!tpu.dma_semaphore, #tpu.memory_space<semaphore_mem>>)
      %dma_wait3A = arith.constant 0 : i32
      %dma_wait3A_86 = arith.constant 0 : i32
      %dma_wait3A_87 = tpu.memref_slice %arg17[%dma_wait3A, %dma_wait3A_86] : memref<10240x4xf32, #tpu.memory_space<vmem_shared>> -> memref<10240x4xf32, #tpu.memory_space<vmem_shared>>
      tpu.wait_indirect_dma semaphore(%arg20 : memref<!tpu.dma_semaphore, #tpu.memory_space<semaphore_mem>>) src(%dma_wait3A_87 : memref<10240x4xf32, #tpu.memory_space<vmem_shared>>) dst(%arg12 : memref<80x4xf32, #tpu.memory_space<vmem>>)
      %add3A_88 = arith.constant 0 : i32
      %add3A_89 = vector.broadcast %add3A_88 : i32 to vector<16xi32>
      %add3A_90 = arith.addi %add3A_89, %select_n3A : vector<16xi32>
      %gather3A = tpu.vector_load_idx %arg11[%add3A_90, %select_n3A_43] : memref<80x4xf32, #tpu.memory_space<vmem>>[vector<16xi32>, vector<16xi32>], vector<16xf32>,
      %gather3A_91 = tpu.vector_load_idx %arg12[%add3A_90, %select_n3A_43] : memref<80x4xf32, #tpu.memory_space<vmem>>[vector<16xi32>, vector<16xi32>], vector<16xf32>,
      %div3A_92 = arith.divf %gather3A, %gather3A_91 : vector<16xf32>
      tpu.vector_store_idx %arg13[%add3A_90, %select_n3A_43], %div3A_92 : memref<80x4xf32, #tpu.memory_space<vmem>>[vector<16xi32>, vector<16xi32>], vector<16xf32>,
      %add3A_93 = arith.constant 4 : i32
      %add3A_94 = vector.broadcast %add3A_93 : i32 to vector<16xi32>
      %add3A_95 = arith.addi %add3A_94, %select_n3A : vector<16xi32>
      %gather3A_96 = tpu.vector_load_idx %arg11[%add3A_95, %select_n3A_43] : memref<80x4xf32, #tpu.memory_space<vmem>>[vector<16xi32>, vector<16xi32>], vector<16xf32>,
      %gather3A_97 = tpu.vector_load_idx %arg12[%add3A_95, %select_n3A_43] : memref<80x4xf32, #tpu.memory_space<vmem>>[vector<16xi32>, vector<16xi32>], vector<16xf32>,
      %div3A_98 = arith.divf %gather3A_96, %gather3A_97 : vector<16xf32>
      tpu.vector_store_idx %arg13[%add3A_95, %select_n3A_43], %div3A_98 : memref<80x4xf32, #tpu.memory_space<vmem>>[vector<16xi32>, vector<16xi32>], vector<16xf32>,
      %add3A_99 = arith.constant 8 : i32
      %add3A_100 = vector.broadcast %add3A_99 : i32 to vector<16xi32>
      %add3A_101 = arith.addi %add3A_100, %select_n3A : vector<16xi32>
      %gather3A_102 = tpu.vector_load_idx %arg11[%add3A_101, %select_n3A_43] : memref<80x4xf32, #tpu.memory_space<vmem>>[vector<16xi32>, vector<16xi32>], vector<16xf32>,
      %gather3A_103 = tpu.vector_load_idx %arg12[%add3A_101, %select_n3A_43] : memref<80x4xf32, #tpu.memory_space<vmem>>[vector<16xi32>, vector<16xi32>], vector<16xf32>,
      %div3A_104 = arith.divf %gather3A_102, %gather3A_103 : vector<16xf32>
      tpu.vector_store_idx %arg13[%add3A_101, %select_n3A_43], %div3A_104 : memref<80x4xf32, #tpu.memory_space<vmem>>[vector<16xi32>, vector<16xi32>], vector<16xf32>,
      %add3A_105 = arith.constant 12 : i32
      %add3A_106 = vector.broadcast %add3A_105 : i32 to vector<16xi32>
      %add3A_107 = arith.addi %add3A_106, %select_n3A : vector<16xi32>
      %gather3A_108 = tpu.vector_load_idx %arg11[%add3A_107, %select_n3A_43] : memref<80x4xf32, #tpu.memory_space<vmem>>[vector<16xi32>, vector<16xi32>], vector<16xf32>,
      %gather3A_109 = tpu.vector_load_idx %arg12[%add3A_107, %select_n3A_43] : memref<80x4xf32, #tpu.memory_space<vmem>>[vector<16xi32>, vector<16xi32>], vector<16xf32>,
      %div3A_110 = arith.divf %gather3A_108, %gather3A_109 : vector<16xf32>
      tpu.vector_store_idx %arg13[%add3A_107, %select_n3A_43], %div3A_110 : memref<80x4xf32, #tpu.memory_space<vmem>>[vector<16xi32>, vector<16xi32>], vector<16xf32>,
      %add3A_111 = arith.constant 16 : i32
      %add3A_112 = vector.broadcast %add3A_111 : i32 to vector<16xi32>
      %add3A_113 = arith.addi %add3A_112, %select_n3A : vector<16xi32>
      %gather3A_114 = tpu.vector_load_idx %arg11[%add3A_113, %select_n3A_43] : memref<80x4xf32, #tpu.memory_space<vmem>>[vector<16xi32>, vector<16xi32>], vector<16xf32>,
      %gather3A_115 = tpu.vector_load_idx %arg12[%add3A_113, %select_n3A_43] : memref<80x4xf32, #tpu.memory_space<vmem>>[vector<16xi32>, vector<16xi32>], vector<16xf32>,
      %div3A_116 = arith.divf %gather3A_114, %gather3A_115 : vector<16xf32>
      tpu.vector_store_idx %arg13[%add3A_113, %select_n3A_43], %div3A_116 : memref<80x4xf32, #tpu.memory_space<vmem>>[vector<16xi32>, vector<16xi32>], vector<16xf32>,
      %add3A_117 = arith.constant 20 : i32
      %add3A_118 = vector.broadcast %add3A_117 : i32 to vector<16xi32>
      %add3A_119 = arith.addi %add3A_118, %select_n3A : vector<16xi32>
      %gather3A_120 = tpu.vector_load_idx %arg11[%add3A_119, %select_n3A_43] : memref<80x4xf32, #tpu.memory_space<vmem>>[vector<16xi32>, vector<16xi32>], vector<16xf32>,
      %gather3A_121 = tpu.vector_load_idx %arg12[%add3A_119, %select_n3A_43] : memref<80x4xf32, #tpu.memory_space<vmem>>[vector<16xi32>, vector<16xi32>], vector<16xf32>,
      %div3A_122 = arith.divf %gather3A_120, %gather3A_121 : vector<16xf32>
      tpu.vector_store_idx %arg13[%add3A_119, %select_n3A_43], %div3A_122 : memref<80x4xf32, #tpu.memory_space<vmem>>[vector<16xi32>, vector<16xi32>], vector<16xf32>,
      %add3A_123 = arith.constant 24 : i32
      %add3A_124 = vector.broadcast %add3A_123 : i32 to vector<16xi32>
      %add3A_125 = arith.addi %add3A_124, %select_n3A : vector<16xi32>
      %gather3A_126 = tpu.vector_load_idx %arg11[%add3A_125, %select_n3A_43] : memref<80x4xf32, #tpu.memory_space<vmem>>[vector<16xi32>, vector<16xi32>], vector<16xf32>,
      %gather3A_127 = tpu.vector_load_idx %arg12[%add3A_125, %select_n3A_43] : memref<80x4xf32, #tpu.memory_space<vmem>>[vector<16xi32>, vector<16xi32>], vector<16xf32>,
      %div3A_128 = arith.divf %gather3A_126, %gather3A_127 : vector<16xf32>
      tpu.vector_store_idx %arg13[%add3A_125, %select_n3A_43], %div3A_128 : memref<80x4xf32, #tpu.memory_space<vmem>>[vector<16xi32>, vector<16xi32>], vector<16xf32>,
      %add3A_129 = arith.constant 28 : i32
      %add3A_130 = vector.broadcast %add3A_129 : i32 to vector<16xi32>
      %add3A_131 = arith.addi %add3A_130, %select_n3A : vector<16xi32>
      %gather3A_132 = tpu.vector_load_idx %arg11[%add3A_131, %select_n3A_43] : memref<80x4xf32, #tpu.memory_space<vmem>>[vector<16xi32>, vector<16xi32>], vector<16xf32>,
      %gather3A_133 = tpu.vector_load_idx %arg12[%add3A_131, %select_n3A_43] : memref<80x4xf32, #tpu.memory_space<vmem>>[vector<16xi32>, vector<16xi32>], vector<16xf32>,
      %div3A_134 = arith.divf %gather3A_132, %gather3A_133 : vector<16xf32>
      tpu.vector_store_idx %arg13[%add3A_131, %select_n3A_43], %div3A_134 : memref<80x4xf32, #tpu.memory_space<vmem>>[vector<16xi32>, vector<16xi32>], vector<16xf32>,
      %add3A_135 = arith.constant 32 : i32
      %add3A_136 = vector.broadcast %add3A_135 : i32 to vector<16xi32>
      %add3A_137 = arith.addi %add3A_136, %select_n3A : vector<16xi32>
      %gather3A_138 = tpu.vector_load_idx %arg11[%add3A_137, %select_n3A_43] : memref<80x4xf32, #tpu.memory_space<vmem>>[vector<16xi32>, vector<16xi32>], vector<16xf32>,
      %gather3A_139 = tpu.vector_load_idx %arg12[%add3A_137, %select_n3A_43] : memref<80x4xf32, #tpu.memory_space<vmem>>[vector<16xi32>, vector<16xi32>], vector<16xf32>,
      %div3A_140 = arith.divf %gather3A_138, %gather3A_139 : vector<16xf32>
      tpu.vector_store_idx %arg13[%add3A_137, %select_n3A_43], %div3A_140 : memref<80x4xf32, #tpu.memory_space<vmem>>[vector<16xi32>, vector<16xi32>], vector<16xf32>,
      %add3A_141 = arith.constant 36 : i32
      %add3A_142 = vector.broadcast %add3A_141 : i32 to vector<16xi32>
      %add3A_143 = arith.addi %add3A_142, %select_n3A : vector<16xi32>
      %gather3A_144 = tpu.vector_load_idx %arg11[%add3A_143, %select_n3A_43] : memref<80x4xf32, #tpu.memory_space<vmem>>[vector<16xi32>, vector<16xi32>], vector<16xf32>,
      %gather3A_145 = tpu.vector_load_idx %arg12[%add3A_143, %select_n3A_43] : memref<80x4xf32, #tpu.memory_space<vmem>>[vector<16xi32>, vector<16xi32>], vector<16xf32>,
      %div3A_146 = arith.divf %gather3A_144, %gather3A_145 : vector<16xf32>
      tpu.vector_store_idx %arg13[%add3A_143, %select_n3A_43], %div3A_146 : memref<80x4xf32, #tpu.memory_space<vmem>>[vector<16xi32>, vector<16xi32>], vector<16xf32>,
      %add3A_147 = arith.constant 40 : i32
      %add3A_148 = vector.broadcast %add3A_147 : i32 to vector<16xi32>
      %add3A_149 = arith.addi %add3A_148, %select_n3A : vector<16xi32>
      %gather3A_150 = tpu.vector_load_idx %arg11[%add3A_149, %select_n3A_43] : memref<80x4xf32, #tpu.memory_space<vmem>>[vector<16xi32>, vector<16xi32>], vector<16xf32>,
      %gather3A_151 = tpu.vector_load_idx %arg12[%add3A_149, %select_n3A_43] : memref<80x4xf32, #tpu.memory_space<vmem>>[vector<16xi32>, vector<16xi32>], vector<16xf32>,
      %div3A_152 = arith.divf %gather3A_150, %gather3A_151 : vector<16xf32>
      tpu.vector_store_idx %arg13[%add3A_149, %select_n3A_43], %div3A_152 : memref<80x4xf32, #tpu.memory_space<vmem>>[vector<16xi32>, vector<16xi32>], vector<16xf32>,
      %add3A_153 = arith.constant 44 : i32
      %add3A_154 = vector.broadcast %add3A_153 : i32 to vector<16xi32>
      %add3A_155 = arith.addi %add3A_154, %select_n3A : vector<16xi32>
      %gather3A_156 = tpu.vector_load_idx %arg11[%add3A_155, %select_n3A_43] : memref<80x4xf32, #tpu.memory_space<vmem>>[vector<16xi32>, vector<16xi32>], vector<16xf32>,
      %gather3A_157 = tpu.vector_load_idx %arg12[%add3A_155, %select_n3A_43] : memref<80x4xf32, #tpu.memory_space<vmem>>[vector<16xi32>, vector<16xi32>], vector<16xf32>,
      %div3A_158 = arith.divf %gather3A_156, %gather3A_157 : vector<16xf32>
      tpu.vector_store_idx %arg13[%add3A_155, %select_n3A_43], %div3A_158 : memref<80x4xf32, #tpu.memory_space<vmem>>[vector<16xi32>, vector<16xi32>], vector<16xf32>,
      %add3A_159 = arith.constant 48 : i32
      %add3A_160 = vector.broadcast %add3A_159 : i32 to vector<16xi32>
      %add3A_161 = arith.addi %add3A_160, %select_n3A : vector<16xi32>
      %gather3A_162 = tpu.vector_load_idx %arg11[%add3A_161, %select_n3A_43] : memref<80x4xf32, #tpu.memory_space<vmem>>[vector<16xi32>, vector<16xi32>], vector<16xf32>,
      %gather3A_163 = tpu.vector_load_idx %arg12[%add3A_161, %select_n3A_43] : memref<80x4xf32, #tpu.memory_space<vmem>>[vector<16xi32>, vector<16xi32>], vector<16xf32>,
      %div3A_164 = arith.divf %gather3A_162, %gather3A_163 : vector<16xf32>
      tpu.vector_store_idx %arg13[%add3A_161, %select_n3A_43], %div3A_164 : memref<80x4xf32, #tpu.memory_space<vmem>>[vector<16xi32>, vector<16xi32>], vector<16xf32>,
      %add3A_165 = arith.constant 52 : i32
      %add3A_166 = vector.broadcast %add3A_165 : i32 to vector<16xi32>
      %add3A_167 = arith.addi %add3A_166, %select_n3A : vector<16xi32>
      %gather3A_168 = tpu.vector_load_idx %arg11[%add3A_167, %select_n3A_43] : memref<80x4xf32, #tpu.memory_space<vmem>>[vector<16xi32>, vector<16xi32>], vector<16xf32>,
      %gather3A_169 = tpu.vector_load_idx %arg12[%add3A_167, %select_n3A_43] : memref<80x4xf32, #tpu.memory_space<vmem>>[vector<16xi32>, vector<16xi32>], vector<16xf32>,
      %div3A_170 = arith.divf %gather3A_168, %gather3A_169 : vector<16xf32>
      tpu.vector_store_idx %arg13[%add3A_167, %select_n3A_43], %div3A_170 : memref<80x4xf32, #tpu.memory_space<vmem>>[vector<16xi32>, vector<16xi32>], vector<16xf32>,
      %add3A_171 = arith.constant 56 : i32
      %add3A_172 = vector.broadcast %add3A_171 : i32 to vector<16xi32>
      %add3A_173 = arith.addi %add3A_172, %select_n3A : vector<16xi32>
      %gather3A_174 = tpu.vector_load_idx %arg11[%add3A_173, %select_n3A_43] : memref<80x4xf32, #tpu.memory_space<vmem>>[vector<16xi32>, vector<16xi32>], vector<16xf32>,
      %gather3A_175 = tpu.vector_load_idx %arg12[%add3A_173, %select_n3A_43] : memref<80x4xf32, #tpu.memory_space<vmem>>[vector<16xi32>, vector<16xi32>], vector<16xf32>,
      %div3A_176 = arith.divf %gather3A_174, %gather3A_175 : vector<16xf32>
      tpu.vector_store_idx %arg13[%add3A_173, %select_n3A_43], %div3A_176 : memref<80x4xf32, #tpu.memory_space<vmem>>[vector<16xi32>, vector<16xi32>], vector<16xf32>,
      %add3A_177 = arith.constant 60 : i32
      %add3A_178 = vector.broadcast %add3A_177 : i32 to vector<16xi32>
      %add3A_179 = arith.addi %add3A_178, %select_n3A : vector<16xi32>
      %gather3A_180 = tpu.vector_load_idx %arg11[%add3A_179, %select_n3A_43] : memref<80x4xf32, #tpu.memory_space<vmem>>[vector<16xi32>, vector<16xi32>], vector<16xf32>,
      %gather3A_181 = tpu.vector_load_idx %arg12[%add3A_179, %select_n3A_43] : memref<80x4xf32, #tpu.memory_space<vmem>>[vector<16xi32>, vector<16xi32>], vector<16xf32>,
      %div3A_182 = arith.divf %gather3A_180, %gather3A_181 : vector<16xf32>
      tpu.vector_store_idx %arg13[%add3A_179, %select_n3A_43], %div3A_182 : memref<80x4xf32, #tpu.memory_space<vmem>>[vector<16xi32>, vector<16xi32>], vector<16xf32>,
      %add3A_183 = arith.constant 64 : i32
      %add3A_184 = vector.broadcast %add3A_183 : i32 to vector<16xi32>
      %add3A_185 = arith.addi %add3A_184, %select_n3A : vector<16xi32>
      %gather3A_186 = tpu.vector_load_idx %arg11[%add3A_185, %select_n3A_43] : memref<80x4xf32, #tpu.memory_space<vmem>>[vector<16xi32>, vector<16xi32>], vector<16xf32>,
      %gather3A_187 = tpu.vector_load_idx %arg12[%add3A_185, %select_n3A_43] : memref<80x4xf32, #tpu.memory_space<vmem>>[vector<16xi32>, vector<16xi32>], vector<16xf32>,
      %div3A_188 = arith.divf %gather3A_186, %gather3A_187 : vector<16xf32>
      tpu.vector_store_idx %arg13[%add3A_185, %select_n3A_43], %div3A_188 : memref<80x4xf32, #tpu.memory_space<vmem>>[vector<16xi32>, vector<16xi32>], vector<16xf32>,
      %add3A_189 = arith.constant 68 : i32
      %add3A_190 = vector.broadcast %add3A_189 : i32 to vector<16xi32>
      %add3A_191 = arith.addi %add3A_190, %select_n3A : vector<16xi32>
      %gather3A_192 = tpu.vector_load_idx %arg11[%add3A_191, %select_n3A_43] : memref<80x4xf32, #tpu.memory_space<vmem>>[vector<16xi32>, vector<16xi32>], vector<16xf32>,
      %gather3A_193 = tpu.vector_load_idx %arg12[%add3A_191, %select_n3A_43] : memref<80x4xf32, #tpu.memory_space<vmem>>[vector<16xi32>, vector<16xi32>], vector<16xf32>,
      %div3A_194 = arith.divf %gather3A_192, %gather3A_193 : vector<16xf32>
      tpu.vector_store_idx %arg13[%add3A_191, %select_n3A_43], %div3A_194 : memref<80x4xf32, #tpu.memory_space<vmem>>[vector<16xi32>, vector<16xi32>], vector<16xf32>,
      %add3A_195 = arith.constant 72 : i32
      %add3A_196 = vector.broadcast %add3A_195 : i32 to vector<16xi32>
      %add3A_197 = arith.addi %add3A_196, %select_n3A : vector<16xi32>
      %gather3A_198 = tpu.vector_load_idx %arg11[%add3A_197, %select_n3A_43] : memref<80x4xf32, #tpu.memory_space<vmem>>[vector<16xi32>, vector<16xi32>], vector<16xf32>,
      %gather3A_199 = tpu.vector_load_idx %arg12[%add3A_197, %select_n3A_43] : memref<80x4xf32, #tpu.memory_space<vmem>>[vector<16xi32>, vector<16xi32>], vector<16xf32>,
      %div3A_200 = arith.divf %gather3A_198, %gather3A_199 : vector<16xf32>
      tpu.vector_store_idx %arg13[%add3A_197, %select_n3A_43], %div3A_200 : memref<80x4xf32, #tpu.memory_space<vmem>>[vector<16xi32>, vector<16xi32>], vector<16xf32>,
      %add3A_201 = arith.constant 76 : i32
      %add3A_202 = vector.broadcast %add3A_201 : i32 to vector<16xi32>
      %add3A_203 = arith.addi %add3A_202, %select_n3A : vector<16xi32>
      %gather3A_204 = tpu.vector_load_idx %arg11[%add3A_203, %select_n3A_43] : memref<80x4xf32, #tpu.memory_space<vmem>>[vector<16xi32>, vector<16xi32>], vector<16xf32>,
      %gather3A_205 = tpu.vector_load_idx %arg12[%add3A_203, %select_n3A_43] : memref<80x4xf32, #tpu.memory_space<vmem>>[vector<16xi32>, vector<16xi32>], vector<16xf32>,
      %div3A_206 = arith.divf %gather3A_204, %gather3A_205 : vector<16xf32>
      tpu.vector_store_idx %arg13[%add3A_203, %select_n3A_43], %div3A_206 : memref<80x4xf32, #tpu.memory_space<vmem>>[vector<16xi32>, vector<16xi32>], vector<16xf32>,
      %dma_wait3A_207 = arith.constant 0 : i32
      %dma_wait3A_208 = arith.constant 0 : i32
      %dma_wait3A_209 = tpu.memref_slice %arg6[%dma_wait3A_207, %dma_wait3A_208] : memref<10000x128xf32, #tpu.memory_space<hbm>> -> memref<10000x128xf32, #tpu.memory_space<hbm>>
      tpu.wait_indirect_dma semaphore(%arg19 : memref<!tpu.dma_semaphore, #tpu.memory_space<semaphore_mem>>) src(%dma_wait3A_209 : memref<10000x128xf32, #tpu.memory_space<hbm>>) dst(%arg14 : memref<80x128xf32, #tpu.memory_space<vmem>>)
      %scan3A_210 = arith.constant 0 : i32
      %scan3A_211 = arith.constant 0 : i32
      %scan3A_212 = arith.constant 80 : i32
      %scan3A_213 = arith.addi %scan3A_211, %scan3A_212 : i32
      %scan3A_214 = arith.constant 1 : i32
      scf.for %scan3A_216 = %scan3A_211 to %scan3A_213 step %scan3A_214  : i32 {
        %broadcast_in_dim3A = vector.broadcast %scan3A_216 : i32 to vector<16xi32>
        %broadcast_in_dim3A_217 = arith.constant 0 : i32
        %broadcast_in_dim3A_218 = vector.broadcast %broadcast_in_dim3A_217 : i32 to vector<16xi32>
        %gather3A_219 = tpu.vector_load_idx %arg13[%broadcast_in_dim3A, %broadcast_in_dim3A_218] : memref<80x4xf32, #tpu.memory_space<vmem>>[vector<16xi32>, vector<16xi32>], vector<16xf32>,
        %add3A_220 = arith.constant 0 : i32
        %add3A_221 = vector.broadcast %add3A_220 : i32 to vector<16xi32>
        %add3A_222 = arith.addi %add3A_221, %iota3A : vector<16xi32>
        %gather3A_223 = tpu.vector_load_idx %arg14[%broadcast_in_dim3A, %add3A_222] : memref<80x128xf32, #tpu.memory_space<vmem>>[vector<16xi32>, vector<16xi32>], vector<16xf32>,
        %mul3A_224 = arith.mulf %gather3A_223, %gather3A_219 : vector<16xf32>
        tpu.vector_store_idx %arg14[%broadcast_in_dim3A, %add3A_222], %mul3A_224 : memref<80x128xf32, #tpu.memory_space<vmem>>[vector<16xi32>, vector<16xi32>], vector<16xf32>,
        %broadcast_in_dim3A_225 = arith.constant 0 : i32
        %broadcast_in_dim3A_226 = vector.broadcast %broadcast_in_dim3A_225 : i32 to vector<16xi32>
        %gather3A_227 = tpu.vector_load_idx %arg13[%broadcast_in_dim3A, %broadcast_in_dim3A_226] : memref<80x4xf32, #tpu.memory_space<vmem>>[vector<16xi32>, vector<16xi32>], vector<16xf32>,
        %add3A_228 = arith.constant 16 : i32
        %add3A_229 = vector.broadcast %add3A_228 : i32 to vector<16xi32>
        %add3A_230 = arith.addi %add3A_229, %iota3A : vector<16xi32>
        %gather3A_231 = tpu.vector_load_idx %arg14[%broadcast_in_dim3A, %add3A_230] : memref<80x128xf32, #tpu.memory_space<vmem>>[vector<16xi32>, vector<16xi32>], vector<16xf32>,
        %mul3A_232 = arith.mulf %gather3A_231, %gather3A_227 : vector<16xf32>
        tpu.vector_store_idx %arg14[%broadcast_in_dim3A, %add3A_230], %mul3A_232 : memref<80x128xf32, #tpu.memory_space<vmem>>[vector<16xi32>, vector<16xi32>], vector<16xf32>,
        %broadcast_in_dim3A_233 = arith.constant 1 : i32
        %broadcast_in_dim3A_234 = vector.broadcast %broadcast_in_dim3A_233 : i32 to vector<16xi32>
        %gather3A_235 = tpu.vector_load_idx %arg13[%broadcast_in_dim3A, %broadcast_in_dim3A_234] : memref<80x4xf32, #tpu.memory_space<vmem>>[vector<16xi32>, vector<16xi32>], vector<16xf32>,
        %add3A_236 = arith.constant 32 : i32
        %add3A_237 = vector.broadcast %add3A_236 : i32 to vector<16xi32>
        %add3A_238 = arith.addi %add3A_237, %iota3A : vector<16xi32>
        %gather3A_239 = tpu.vector_load_idx %arg14[%broadcast_in_dim3A, %add3A_238] : memref<80x128xf32, #tpu.memory_space<vmem>>[vector<16xi32>, vector<16xi32>], vector<16xf32>,
        %mul3A_240 = arith.mulf %gather3A_239, %gather3A_235 : vector<16xf32>
        tpu.vector_store_idx %arg14[%broadcast_in_dim3A, %add3A_238], %mul3A_240 : memref<80x128xf32, #tpu.memory_space<vmem>>[vector<16xi32>, vector<16xi32>], vector<16xf32>,
        %broadcast_in_dim3A_241 = arith.constant 1 : i32
        %broadcast_in_dim3A_242 = vector.broadcast %broadcast_in_dim3A_241 : i32 to vector<16xi32>
        %gather3A_243 = tpu.vector_load_idx %arg13[%broadcast_in_dim3A, %broadcast_in_dim3A_242] : memref<80x4xf32, #tpu.memory_space<vmem>>[vector<16xi32>, vector<16xi32>], vector<16xf32>,
        %add3A_244 = arith.constant 48 : i32
        %add3A_245 = vector.broadcast %add3A_244 : i32 to vector<16xi32>
        %add3A_246 = arith.addi %add3A_245, %iota3A : vector<16xi32>
        %gather3A_247 = tpu.vector_load_idx %arg14[%broadcast_in_dim3A, %add3A_246] : memref<80x128xf32, #tpu.memory_space<vmem>>[vector<16xi32>, vector<16xi32>], vector<16xf32>,
        %mul3A_248 = arith.mulf %gather3A_247, %gather3A_243 : vector<16xf32>
        tpu.vector_store_idx %arg14[%broadcast_in_dim3A, %add3A_246], %mul3A_248 : memref<80x128xf32, #tpu.memory_space<vmem>>[vector<16xi32>, vector<16xi32>], vector<16xf32>,
        %broadcast_in_dim3A_249 = arith.constant 2 : i32
        %broadcast_in_dim3A_250 = vector.broadcast %broadcast_in_dim3A_249 : i32 to vector<16xi32>
        %gather3A_251 = tpu.vector_load_idx %arg13[%broadcast_in_dim3A, %broadcast_in_dim3A_250] : memref<80x4xf32, #tpu.memory_space<vmem>>[vector<16xi32>, vector<16xi32>], vector<16xf32>,
        %add3A_252 = arith.constant 64 : i32
        %add3A_253 = vector.broadcast %add3A_252 : i32 to vector<16xi32>
        %add3A_254 = arith.addi %add3A_253, %iota3A : vector<16xi32>
        %gather3A_255 = tpu.vector_load_idx %arg14[%broadcast_in_dim3A, %add3A_254] : memref<80x128xf32, #tpu.memory_space<vmem>>[vector<16xi32>, vector<16xi32>], vector<16xf32>,
        %mul3A_256 = arith.mulf %gather3A_255, %gather3A_251 : vector<16xf32>
        tpu.vector_store_idx %arg14[%broadcast_in_dim3A, %add3A_254], %mul3A_256 : memref<80x128xf32, #tpu.memory_space<vmem>>[vector<16xi32>, vector<16xi32>], vector<16xf32>,
        %broadcast_in_dim3A_257 = arith.constant 2 : i32
        %broadcast_in_dim3A_258 = vector.broadcast %broadcast_in_dim3A_257 : i32 to vector<16xi32>
        %gather3A_259 = tpu.vector_load_idx %arg13[%broadcast_in_dim3A, %broadcast_in_dim3A_258] : memref<80x4xf32, #tpu.memory_space<vmem>>[vector<16xi32>, vector<16xi32>], vector<16xf32>,
        %add3A_260 = arith.constant 80 : i32
        %add3A_261 = vector.broadcast %add3A_260 : i32 to vector<16xi32>
        %add3A_262 = arith.addi %add3A_261, %iota3A : vector<16xi32>
        %gather3A_263 = tpu.vector_load_idx %arg14[%broadcast_in_dim3A, %add3A_262] : memref<80x128xf32, #tpu.memory_space<vmem>>[vector<16xi32>, vector<16xi32>], vector<16xf32>,
        %mul3A_264 = arith.mulf %gather3A_263, %gather3A_259 : vector<16xf32>
        tpu.vector_store_idx %arg14[%broadcast_in_dim3A, %add3A_262], %mul3A_264 : memref<80x128xf32, #tpu.memory_space<vmem>>[vector<16xi32>, vector<16xi32>], vector<16xf32>,
        %broadcast_in_dim3A_265 = arith.constant 3 : i32
        %broadcast_in_dim3A_266 = vector.broadcast %broadcast_in_dim3A_265 : i32 to vector<16xi32>
        %gather3A_267 = tpu.vector_load_idx %arg13[%broadcast_in_dim3A, %broadcast_in_dim3A_266] : memref<80x4xf32, #tpu.memory_space<vmem>>[vector<16xi32>, vector<16xi32>], vector<16xf32>,
        %add3A_268 = arith.constant 96 : i32
        %add3A_269 = vector.broadcast %add3A_268 : i32 to vector<16xi32>
        %add3A_270 = arith.addi %add3A_269, %iota3A : vector<16xi32>
        %gather3A_271 = tpu.vector_load_idx %arg14[%broadcast_in_dim3A, %add3A_270] : memref<80x128xf32, #tpu.memory_space<vmem>>[vector<16xi32>, vector<16xi32>], vector<16xf32>,
        %mul3A_272 = arith.mulf %gather3A_271, %gather3A_267 : vector<16xf32>
        tpu.vector_store_idx %arg14[%broadcast_in_dim3A, %add3A_270], %mul3A_272 : memref<80x128xf32, #tpu.memory_space<vmem>>[vector<16xi32>, vector<16xi32>], vector<16xf32>,
        %broadcast_in_dim3A_273 = arith.constant 3 : i32
        %broadcast_in_dim3A_274 = vector.broadcast %broadcast_in_dim3A_273 : i32 to vector<16xi32>
        %gather3A_275 = tpu.vector_load_idx %arg13[%broadcast_in_dim3A, %broadcast_in_dim3A_274] : memref<80x4xf32, #tpu.memory_space<vmem>>[vector<16xi32>, vector<16xi32>], vector<16xf32>,
        %add3A_276 = arith.constant 112 : i32
        %add3A_277 = vector.broadcast %add3A_276 : i32 to vector<16xi32>
        %add3A_278 = arith.addi %add3A_277, %iota3A : vector<16xi32>
        %gather3A_279 = tpu.vector_load_idx %arg14[%broadcast_in_dim3A, %add3A_278] : memref<80x128xf32, #tpu.memory_space<vmem>>[vector<16xi32>, vector<16xi32>], vector<16xf32>,
        %mul3A_280 = arith.mulf %gather3A_279, %gather3A_275 : vector<16xf32>
        tpu.vector_store_idx %arg14[%broadcast_in_dim3A, %add3A_278], %mul3A_280 : memref<80x128xf32, #tpu.memory_space<vmem>>[vector<16xi32>, vector<16xi32>], vector<16xf32>,
      }
      %scan3A_215 = arith.constant 80 : i32
      "tpu.region"() ({
        %run_scoped3A = tpu.sem_alloc : memref<!tpu.dma_semaphore, #tpu.memory_space<semaphore_mem>>
        %dma_start3A_216 = arith.constant 0 : i32
        %dma_start3A_217 = arith.constant 0 : i32
        %dma_start3A_218 = tpu.memref_slice %arg18[%dma_start3A_216, %dma_start3A_217] : memref<10000x128xf32, #tpu.memory_space<vmem_shared>> -> memref<10000x128xf32, #tpu.memory_space<vmem_shared>>
        tpu.enqueue_indirect_dma source(%arg14 : memref<80x128xf32, #tpu.memory_space<vmem>>) target(%dma_start3A_218 : memref<10000x128xf32, #tpu.memory_space<vmem_shared>>) offsets(%arg10 : memref<80xi32, #tpu.memory_space<vmem>>) semaphore(%run_scoped3A : memref<!tpu.dma_semaphore, #tpu.memory_space<semaphore_mem>>) {add = true}
        %dma_wait3A_219 = arith.constant 0 : i32
        %dma_wait3A_220 = arith.constant 0 : i32
        %dma_wait3A_221 = tpu.memref_slice %arg18[%dma_wait3A_219, %dma_wait3A_220] : memref<10000x128xf32, #tpu.memory_space<vmem_shared>> -> memref<10000x128xf32, #tpu.memory_space<vmem_shared>>
        tpu.wait_indirect_dma semaphore(%run_scoped3A : memref<!tpu.dma_semaphore, #tpu.memory_space<semaphore_mem>>) src(%arg14 : memref<80x128xf32, #tpu.memory_space<vmem>>) dst(%dma_wait3A_221 : memref<10000x128xf32, #tpu.memory_space<vmem_shared>>)
        tpu.yield
      }) : () -> ()
    }
    %scan3A_66 = arith.constant 250 : i32
    %barrier3A_67 = arith.constant 0 : index
    tpu.barrier barrier_id(%barrier3A_67)
    %mul3A_68 = arith.constant 625 : i32
    %mul3A_69 = arith.muli %arg1, %mul3A_68 : i32
    %mul3A_70 = arith.constant 10000 : i32
    %mul3A_71 = arith.muli %arg0, %mul3A_70 : i32
    %mul3A_72 = arith.constant 625 : i32
    %mul3A_73 = arith.muli %arg1, %mul3A_72 : i32
    %add3A_74 = arith.addi %mul3A_71, %mul3A_73 : i32
    "tpu.region"() ({
      %run_scoped3A = tpu.sem_alloc : memref<!tpu.dma_semaphore, #tpu.memory_space<semaphore_mem>>
      %dma_start3A = arith.constant 0 : i32
      %dma_start3A_75 = tpu.memref_slice %arg8[%add3A_74, %dma_start3A] : memref<20000x128xf32, #tpu.memory_space<hbm>> -> memref<625x128xf32, #tpu.memory_space<hbm>>
      %dma_start3A_76 = arith.constant 0 : i32
      %dma_start3A_77 = tpu.memref_slice %arg18[%mul3A_69, %dma_start3A_76] : memref<10000x128xf32, #tpu.memory_space<vmem_shared>> -> memref<625x128xf32, #tpu.memory_space<vmem_shared>>
      tpu.enqueue_dma source(%dma_start3A_77 : memref<625x128xf32, #tpu.memory_space<vmem_shared>>) target(%dma_start3A_75 : memref<625x128xf32, #tpu.memory_space<hbm>>) target_semaphore(%run_scoped3A : memref<!tpu.dma_semaphore, #tpu.memory_space<semaphore_mem>>)
      %dma_wait3A = arith.constant 0 : i32
      %dma_wait3A_78 = tpu.memref_slice %arg8[%add3A_74, %dma_wait3A] : memref<20000x128xf32, #tpu.memory_space<hbm>> -> memref<625x128xf32, #tpu.memory_space<hbm>>
      %dma_wait3A_79 = arith.constant 0 : i32
      %dma_wait3A_80 = tpu.memref_slice %arg18[%mul3A_69, %dma_wait3A_79] : memref<10000x128xf32, #tpu.memory_space<vmem_shared>> -> memref<625x128xf32, #tpu.memory_space<vmem_shared>>
      tpu.wait_dma2 semaphore(%run_scoped3A : memref<!tpu.dma_semaphore, #tpu.memory_space<semaphore_mem>>) src(%dma_wait3A_80 : memref<625x128xf32, #tpu.memory_space<vmem_shared>>) dst(%dma_wait3A_78 : memref<625x128xf32, #tpu.memory_space<hbm>>)
      tpu.yield
    }) : () -> ()
    return
  }
}

module attributes {stable_mosaic.version = 14 : i64} {
  func.func @_proj_body(%arg0: i32, %arg1: memref<1000x128xf32, #tpu.memory_space<vmem>>, %arg2: memref<128x128xf32, #tpu.memory_space<vmem>>, %arg3: memref<1x128xf32, #tpu.memory_space<vmem>>, %arg4: memref<1x128xf32, #tpu.memory_space<vmem>>, %arg5: memref<1000x128xf32, #tpu.memory_space<vmem>>, %arg6: memref<1000x16xf32, #tpu.memory_space<vmem>>, %arg7: memref<1000x16xf32, #tpu.memory_space<vmem>>) attributes {dimension_semantics = [#tpu.dimension_semantics<arbitrary>], iteration_bounds = array<i64: 10>, scalar_prefetch = 0 : i64, scratch_operands = 0 : i64, tpu.core_type = #tpu.core_type<tc>, window_params = [{transform_indices = @transform_0, window_bounds = array<i64: 1000, 128>}, {pipeline_mode = #tpu.pipeline_mode<synchronous>, transform_indices = @transform_1, window_bounds = array<i64: 128, 128>}, {pipeline_mode = #tpu.pipeline_mode<synchronous>, transform_indices = @transform_2, window_bounds = array<i64: 1, 128>}, {pipeline_mode = #tpu.pipeline_mode<synchronous>, transform_indices = @transform_3, window_bounds = array<i64: 1, 128>}, {transform_indices = @transform_4, window_bounds = array<i64: 1000, 128>}, {transform_indices = @transform_5, window_bounds = array<i64: 1000, 16>}, {transform_indices = @transform_6, window_bounds = array<i64: 1000, 16>}]} {
    %get3A = arith.constant 0 : index
    %get3A_0 = arith.constant 0 : index
    %get3A_1 = vector.load %arg1[%get3A, %get3A_0] : memref<1000x128xf32, #tpu.memory_space<vmem>>, vector<1000x128xf32>
    %get3A_2 = arith.constant 0 : index
    %get3A_3 = arith.constant 0 : index
    %get3A_4 = vector.load %arg2[%get3A_2, %get3A_3] : memref<128x128xf32, #tpu.memory_space<vmem>>, vector<128x128xf32>
    %dot_general3A = arith.constant dense<0.000000e+00> : vector<1000x128xf32>
    %dot_general3A_5 = tpu.matmul %get3A_1, %get3A_4, %dot_general3A {dimension_numbers = #tpu.dot_dimension_numbers<[1], [1], [0], [0], [0, 0, 1, 0], [], []>, transpose_lhs_hint = false} : vector<1000x128xf32>, vector<128x128xf32>, vector<1000x128xf32> -> vector<1000x128xf32>
    %swap3A = arith.constant 0 : index
    %swap3A_6 = arith.constant 0 : index
    %swap3A_7 = vector.load %arg5[%swap3A, %swap3A_6] : memref<1000x128xf32, #tpu.memory_space<vmem>>, vector<1000x128xf32>
    tpu.vector_store %arg5[%swap3A, %swap3A_6], %dot_general3A_5 {strides = array<i32>} : memref<1000x128xf32, #tpu.memory_space<vmem>>, vector<1000x128xf32>,
    %iota3A = tpu.iota {dimensions = array<i32: 0>} : vector<128x16xi32>
    %jit3A = arith.constant 32 : i32
    %div3A = vector.broadcast %jit3A : i32 to vector<128x16xi32>
    %div3A_8 = arith.divsi %iota3A, %div3A : vector<128x16xi32>
    %sign3A = arith.constant 0 : i32
    %sign3A_9 = vector.broadcast %sign3A : i32 to vector<128x16xi32>
    %sign3A_10 = arith.cmpi sgt, %iota3A, %sign3A_9 : vector<128x16xi32>
    %sign3A_11 = arith.extui %sign3A_10 : vector<128x16xi1> to vector<128x16xi32>
    %sign3A_12 = arith.constant 0 : i32
    %sign3A_13 = vector.broadcast %sign3A_12 : i32 to vector<128x16xi32>
    %sign3A_14 = arith.cmpi slt, %iota3A, %sign3A_13 : vector<128x16xi32>
    %sign3A_15 = arith.extui %sign3A_14 : vector<128x16xi1> to vector<128x16xi32>
    %sign3A_16 = arith.subi %sign3A_11, %sign3A_15 : vector<128x16xi32>
    %sign3A_17 = arith.constant 0 : i32
    %sign3A_18 = arith.cmpi sgt, %jit3A, %sign3A_17 : i32
    %sign3A_19 = arith.extui %sign3A_18 : i1 to i32
    %sign3A_20 = arith.constant 0 : i32
    %sign3A_21 = arith.cmpi slt, %jit3A, %sign3A_20 : i32
    %sign3A_22 = arith.extui %sign3A_21 : i1 to i32
    %sign3A_23 = arith.subi %sign3A_19, %sign3A_22 : i32
    %ne3A = vector.broadcast %sign3A_23 : i32 to vector<128x16xi32>
    %ne3A_24 = arith.cmpi ne, %sign3A_16, %ne3A : vector<128x16xi32>
    %rem3A = vector.broadcast %jit3A : i32 to vector<128x16xi32>
    %rem3A_25 = arith.remsi %iota3A, %rem3A : vector<128x16xi32>
    %ne3A_26 = arith.constant 0 : i32
    %ne3A_27 = vector.broadcast %ne3A_26 : i32 to vector<128x16xi32>
    %ne3A_28 = arith.cmpi ne, %rem3A_25, %ne3A_27 : vector<128x16xi32>
    %and3A = arith.andi %ne3A_24, %ne3A_28 : vector<128x16xi1>
    %sub3A = arith.constant 1 : i32
    %sub3A_29 = vector.broadcast %sub3A : i32 to vector<128x16xi32>
    %sub3A_30 = arith.subi %div3A_8, %sub3A_29 : vector<128x16xi32>
    %select_n3A = arith.select %and3A, %sub3A_30, %div3A_8 : vector<128x16xi1>, vector<128x16xi32>
    %iota3A_31 = tpu.iota {dimensions = array<i32: 1>} : vector<128x16xi32>
    %eq3A = arith.cmpi eq, %select_n3A, %iota3A_31 : vector<128x16xi32>
    %jit3A_32 = arith.constant 1.000000e+00 : f32
    %jit3A_33 = arith.constant 0.000000e+00 : f32
    %broadcast_in_dim3A = vector.broadcast %jit3A_32 : f32 to vector<128x16xf32>
    %broadcast_in_dim3A_34 = vector.broadcast %jit3A_33 : f32 to vector<128x16xf32>
    %select_n3A_35 = arith.select %eq3A, %broadcast_in_dim3A, %broadcast_in_dim3A_34 : vector<128x16xi1>, vector<128x16xf32>
    %get3A_36 = arith.constant 0 : index
    %get3A_37 = arith.constant 0 : index
    %get3A_38 = vector.load %arg3[%get3A_36, %get3A_37] : memref<1x128xf32, #tpu.memory_space<vmem>>, vector<1x128xf32>
    %mul3A = vector.broadcast %get3A_38 : vector<1x128xf32> to vector<1000x128xf32>
    %mul3A_39 = arith.mulf %dot_general3A_5, %mul3A : vector<1000x128xf32>
    %dot_general3A_40 = arith.constant dense<0.000000e+00> : vector<1000x16xf32>
    %dot_general3A_41 = tpu.matmul %mul3A_39, %select_n3A_35, %dot_general3A_40 {dimension_numbers = #tpu.dot_dimension_numbers<[1], [0], [0], [1], [0, 0, 1, 1], [], []>, transpose_lhs_hint = false} : vector<1000x128xf32>, vector<128x16xf32>, vector<1000x16xf32> -> vector<1000x16xf32>
    %swap3A_42 = arith.constant 0 : index
    %swap3A_43 = arith.constant 0 : index
    %swap3A_44 = vector.load %arg6[%swap3A_42, %swap3A_43] : memref<1000x16xf32, #tpu.memory_space<vmem>>, vector<1000x16xf32>
    tpu.vector_store %arg6[%swap3A_42, %swap3A_43], %dot_general3A_41 {strides = array<i32>} : memref<1000x16xf32, #tpu.memory_space<vmem>>, vector<1000x16xf32>,
    %get3A_45 = arith.constant 0 : index
    %get3A_46 = arith.constant 0 : index
    %get3A_47 = vector.load %arg4[%get3A_45, %get3A_46] : memref<1x128xf32, #tpu.memory_space<vmem>>, vector<1x128xf32>
    %mul3A_48 = vector.broadcast %get3A_47 : vector<1x128xf32> to vector<1000x128xf32>
    %mul3A_49 = arith.mulf %dot_general3A_5, %mul3A_48 : vector<1000x128xf32>
    %dot_general3A_50 = arith.constant dense<0.000000e+00> : vector<1000x16xf32>
    %dot_general3A_51 = tpu.matmul %mul3A_49, %select_n3A_35, %dot_general3A_50 {dimension_numbers = #tpu.dot_dimension_numbers<[1], [0], [0], [1], [0, 0, 1, 1], [], []>, transpose_lhs_hint = false} : vector<1000x128xf32>, vector<128x16xf32>, vector<1000x16xf32> -> vector<1000x16xf32>
    %swap3A_52 = arith.constant 0 : index
    %swap3A_53 = arith.constant 0 : index
    %swap3A_54 = vector.load %arg7[%swap3A_52, %swap3A_53] : memref<1000x16xf32, #tpu.memory_space<vmem>>, vector<1000x16xf32>
    tpu.vector_store %arg7[%swap3A_52, %swap3A_53], %dot_general3A_51 {strides = array<i32>} : memref<1000x16xf32, #tpu.memory_space<vmem>>, vector<1000x16xf32>,
    return
  }
  func.func @transform_0(%arg0: i32) -> (i32, i32) {
    %c0_i32 = arith.constant 0 : i32
    %c0_i32_0 = arith.constant 0 : i32
    return %arg0, %c0_i32 : i32, i32
  }
  func.func @transform_1(%arg0: i32) -> (i32, i32) {
    %c0_i32 = arith.constant 0 : i32
    %c0_i32_0 = arith.constant 0 : i32
    %c0_i32_1 = arith.constant 0 : i32
    return %c0_i32, %c0_i32_0 : i32, i32
  }
  func.func @transform_2(%arg0: i32) -> (i32, i32) {
    %c0_i32 = arith.constant 0 : i32
    %c0_i32_0 = arith.constant 0 : i32
    %c0_i32_1 = arith.constant 0 : i32
    return %c0_i32, %c0_i32_0 : i32, i32
  }
  func.func @transform_3(%arg0: i32) -> (i32, i32) {
    %c0_i32 = arith.constant 0 : i32
    %c0_i32_0 = arith.constant 0 : i32
    %c0_i32_1 = arith.constant 0 : i32
    return %c0_i32, %c0_i32_0 : i32, i32
  }
  func.func @transform_4(%arg0: i32) -> (i32, i32) {
    %c0_i32 = arith.constant 0 : i32
    %c0_i32_0 = arith.constant 0 : i32
    return %arg0, %c0_i32 : i32, i32
  }
  func.func @transform_5(%arg0: i32) -> (i32, i32) {
    %c0_i32 = arith.constant 0 : i32
    %c0_i32_0 = arith.constant 0 : i32
    return %arg0, %c0_i32 : i32, i32
  }
  func.func @transform_6(%arg0: i32) -> (i32, i32) {
    %c0_i32 = arith.constant 0 : i32
    %c0_i32_0 = arith.constant 0 : i32
    return %arg0, %c0_i32 : i32, i32
  }
}

module attributes {stable_mosaic.version = 14 : i64} {
  func.func @_add_body(%arg0: i32, %arg1: memref<1000x128xf32, #tpu.memory_space<vmem>>, %arg2: memref<1000x128xf32, #tpu.memory_space<vmem>>, %arg3: memref<1000x128xf32, #tpu.memory_space<vmem>>) attributes {dimension_semantics = [#tpu.dimension_semantics<arbitrary>], iteration_bounds = array<i64: 10>, scalar_prefetch = 0 : i64, scratch_operands = 0 : i64, tpu.core_type = #tpu.core_type<tc>, window_params = [{transform_indices = @transform_0, window_bounds = array<i64: 1000, 128>}, {transform_indices = @transform_1, window_bounds = array<i64: 1000, 128>}, {transform_indices = @transform_2, window_bounds = array<i64: 1000, 128>}]} {
    %get3A = arith.constant 0 : index
    %get3A_0 = arith.constant 0 : index
    %get3A_1 = vector.load %arg1[%get3A, %get3A_0] : memref<1000x128xf32, #tpu.memory_space<vmem>>, vector<1000x128xf32>
    %get3A_2 = arith.constant 0 : index
    %get3A_3 = arith.constant 0 : index
    %get3A_4 = vector.load %arg2[%get3A_2, %get3A_3] : memref<1000x128xf32, #tpu.memory_space<vmem>>, vector<1000x128xf32>
    %add3A = arith.addf %get3A_1, %get3A_4 : vector<1000x128xf32>
    %swap3A = arith.constant 0 : index
    %swap3A_5 = arith.constant 0 : index
    %swap3A_6 = vector.load %arg3[%swap3A, %swap3A_5] : memref<1000x128xf32, #tpu.memory_space<vmem>>, vector<1000x128xf32>
    tpu.vector_store %arg3[%swap3A, %swap3A_5], %add3A {strides = array<i32>} : memref<1000x128xf32, #tpu.memory_space<vmem>>, vector<1000x128xf32>,
    return
  }
  func.func @transform_0(%arg0: i32) -> (i32, i32) {
    %c0_i32 = arith.constant 0 : i32
    %c0_i32_0 = arith.constant 0 : i32
    return %arg0, %c0_i32 : i32, i32
  }
  func.func @transform_1(%arg0: i32) -> (i32, i32) {
    %add3A = arith.constant 10 : i32
    %add3A_0 = arith.addi %arg0, %add3A : i32
    %c0_i32 = arith.constant 0 : i32
    %c0_i32_1 = arith.constant 0 : i32
    return %add3A_0, %c0_i32 : i32, i32
  }
  func.func @transform_2(%arg0: i32) -> (i32, i32) {
    %c0_i32 = arith.constant 0 : i32
    %c0_i32_0 = arith.constant 0 : i32
    return %arg0, %c0_i32 : i32, i32
  }
}

</mosaic_0001>

<sc_bundles>
// kernel: kernel.6.cloned.1.call-start
scs
__scs_entry_jumppad:
0x0: {  	(pc) =	sbr.rel $0x88, $3  }
0x1: {  	(tag) =	ssettag $0x0;
	lr =	simm.s32 $0x1  }
0x2: {  	[smem:$0x3F9C] =	sst lr;
	_ =	strace $0xD0000000  }
0x3: {  	_ = 	snop  }
0x4: {  	_ = 	snop  }
0x5: {  	_ = 	snop  }
0x6: {  	_ = 	snop  }
0x7: {  	_ = 	snop  }
__scs_overlays_trampoline_lowered:
0x8: {  	[smem:$0x3FAB] =	sst s0  }
0x9: {  	[smem:$0x3FAC] =	sst s1  }
0xa: {  	[smem:$0x3FAD] =	sst s2  }
0xb: {  	[smem:$0x3FAE] =	sst s3  }
0xc: {  	[smem:$0x3FAF] =	sst s4  }
0xd: {  	[smem:$0x3FB0] =	sst s5  }
0xe: {  	[smem:$0x3FB1] =	sst s6  }
0xf: {  	[smem:$0x3FB2] =	sst s7  }
0x10: {  	[smem:$0x3FB3] =	sst s8  }
0x11: {  	[smem:$0x3FB4] =	sst s9;
	s0 =	simm.s32 @!p0 $0x0  }
0x12: {  	s1 =	sld [smem:$0x3F9A];
	s0 =	simm.s32 @p0 $0x1  }
0x13: {  	[smem:$0x3FB5] =	sst s0;
	s0 =	simm.s32 @!p1 $0x0  }
0x14: {  	s2 =	sld [smem:$0x3F99];
	s0 =	simm.s32 @p1 $0x1  }
0x15: {  	[smem:$0x3FB6] =	sst s0;
	s0 =	simm.s32 @!p2 $0x0  }
0x16: {  	s3 =	sld [smem:$0x3FDB];
	s0 =	simm.s32 @p2 $0x1  }
0x17: {  	s4 =	simm.s32 $0x1BF5;
	[smem:$0x3FB8] =	sst s0  }
0x18: {  	s0 =	sld [smem:$0x3F9B];
	_ =	swait.ge [sflag:s4], $0x0  }
0x19: {  	s7 =	sld [smem:$0x3F9C]  }
0x1a: {  	s8 =	sadd.s32 $0xFFFFE003, lr  }
0x1b: {  	s9 =	sadd.s32 $0xFFFFFEF7, lr;
	s5 =	simm.s32 $0xFFFFFFFF;
	p2 =	slt.u32 s8, $0xFFFFF086  }
0x1c: {  	p1 =	slt.u32 s9, $0xF7A;
	s5 =	simm.s32 @!p2 $0x0  }
0x1d: {  	s5 =	simm.s32 @p1 $0x1;
	p0 =	seq.s32 s7, s2  }
0x1e: {  	s7 =	smul.u32 @!p0 $0xF7A, s2;
	p2 =	seq.s32 @!p0 s5, $0x0  }
0x1f: {  	s9 =	smul.u32 $0xF7A, s1;
	s8 =	simm.s32 @!p0 $0x1BF5;
	p2 =	por !p2, p0  }
0x20: {  	[sflag:s8] =	ssyncset.s32 @!p0 $0xFFFFF086;
	s6 =	sadd.s32 @!p0 s3, s7;
	s7 =	simm.s32 @!p0 $0x108  }
0x21: {  	s3 =	sadd.s32 s3, s9;
	s6 =	sadd.s32 @!p0 $0x88, s6;
	s7 =	simm.s32 @p2 $0x1082  }
0x22: {  	[simem:s7], [sflag:s8] =	dma.local @!p0 [hbm:s6], $0xF7A  }
0x23: {  	s9 =	sor.u32 $0xD0000000, s2;
	s6 =	simm.s32 $0x108;
	_ =	swait.ge @!p0 [sflag:s8], $0x0  }
0x24: {  	s3 =	sadd.s32 $0x88, s3;
	s6 =	simm.s32 @!p1 $0x1082;
	[sflag:s4] =	ssyncset.s32 $0xFFFFF086  }
0x25: {  	[simem:s6], [sflag:s4] =	dma.local [hbm:s3], $0xF7A  }
0x26: {  	[smem:$0x3F9C] =	sst s1;
	(tag) =	ssettag s2;
	_ =	strace s9  }
0x27: {  	s1 =	sld [smem:$0x3FAC]  }
0x28: {  	s2 =	sld [smem:$0x3FAD]  }
0x29: {  	s4 =	sld [smem:$0x3FAF]  }
0x2a: {  	p0 =	seq.s32 s5, $0x0;
	s5 =	sld [smem:$0x3FB0]  }
0x2b: {  	s6 =	sld [smem:$0x3FB1]  }
0x2c: {  	s7 =	sld [smem:$0x3FB2]  }
0x2d: {  	s3 =	simm.s32 $0x108;
	s8 =	sld [smem:$0x3FB3]  }
0x2e: {  	s3 =	simm.s32 @!p0 $0x1082;
	s9 =	sld [smem:$0x3FB4]  }
0x2f: {  	lr =	sadd.s32 s0, s3;
	s0 =	sld [smem:$0x3FAB]  }
0x30: {  	s3 =	sld [smem:$0x3FAE]  }
0x31: {  	[smem:$0x3FB7] =	sst s10  }
0x32: {  	s10 =	sld [smem:$0x3FB5];
	_ =	sdelay $0x3  }
0x33: {  	p0 =	seq.s32 s10, $0x1;
	s10 =	sld [smem:$0x3FB7];
	_ =	sdelay $0x3  }
0x34: {  	[smem:$0x3FB7] =	sst s10  }
0x35: {  	s10 =	sld [smem:$0x3FB6];
	_ =	sdelay $0x3  }
0x36: {  	p1 =	seq.s32 s10, $0x1;
	s10 =	sld [smem:$0x3FB7];
	_ =	sdelay $0x3  }
0x37: {  	[smem:$0x3FB7] =	sst s10  }
0x38: {  	s10 =	sld [smem:$0x3FB8]  }
0x39: {  	_ = 	snop;
	(pc) =	sbr.ind lr, $3  }
0x3a: {  	_ = 	snop  }
0x3b: {  	_ = 	snop  }
0x3c: {  	p2 =	seq.s32 s10, $0x1;
	s10 =	sld [smem:$0x3FB7]  }
0x3d: {  	_ =	shalt  }
0x3e: {  	_ =	shalt  }
0x3f: {  	_ =	shalt  }
0x40: {  	_ =	shalt  }
0x41: {  	_ =	shalt  }
0x42: {  	_ =	shalt  }
0x43: {  	_ =	shalt  }
0x44: {  	_ =	shalt  }
0x45: {  	_ =	shalt  }
0x46: {  	_ =	shalt  }
0x47: {  	_ =	shalt  }
0x48: {  	_ =	shalt  }
0x49: {  	_ =	shalt  }
0x4a: {  	_ =	shalt  }
0x4b: {  	_ =	shalt  }
0x4c: {  	_ =	shalt  }
0x4d: {  	_ =	shalt  }
0x4e: {  	_ =	shalt  }
0x4f: {  	_ =	shalt  }
0x50: {  	_ =	shalt  }
0x51: {  	_ =	shalt  }
0x52: {  	_ =	shalt  }
0x53: {  	_ =	shalt  }
0x54: {  	_ =	shalt  }
0x55: {  	_ =	shalt  }
0x56: {  	_ =	shalt  }
0x57: {  	_ =	shalt  }
0x58: {  	_ =	shalt  }
0x59: {  	_ =	shalt  }
0x5a: {  	_ =	shalt  }
0x5b: {  	_ =	shalt  }
0x5c: {  	_ =	shalt  }
0x5d: {  	_ =	shalt  }
0x5e: {  	_ =	shalt  }
0x5f: {  	_ =	shalt  }
0x60: {  	_ =	shalt  }
0x61: {  	_ =	shalt  }
0x62: {  	_ =	shalt  }
0x63: {  	_ =	shalt  }
0x64: {  	_ =	shalt  }
0x65: {  	_ =	shalt  }
0x66: {  	_ =	shalt  }
0x67: {  	_ =	shalt  }
0x68: {  	_ =	shalt  }
0x69: {  	_ =	shalt  }
0x6a: {  	_ =	shalt  }
0x6b: {  	_ =	shalt  }
0x6c: {  	_ =	shalt  }
0x6d: {  	_ =	shalt  }
0x6e: {  	_ =	shalt  }
0x6f: {  	_ =	shalt  }
0x70: {  	_ =	shalt  }
0x71: {  	_ =	shalt  }
0x72: {  	_ =	shalt  }
0x73: {  	_ =	shalt  }
0x74: {  	_ =	shalt  }
0x75: {  	_ =	shalt  }
0x76: {  	_ =	shalt  }
0x77: {  	_ =	shalt  }
0x78: {  	_ =	shalt  }
0x79: {  	_ =	shalt  }
0x7a: {  	_ =	shalt  }
0x7b: {  	_ =	shalt  }
0x7c: {  	_ =	shalt  }
0x7d: {  	_ =	shalt  }
0x7e: {  	_ =	shalt  }
0x7f: {  	_ =	shalt  }
0x80: {  	_ =	shalt  }
0x81: {  	_ =	shalt  }
0x82: {  	_ =	shalt  }
0x83: {  	_ =	shalt  }
0x84: {  	_ =	shalt  }
0x85: {  	_ =	shalt  }
0x86: {  	_ =	shalt  }
0x87: {  	_ =	shalt  }
.Lfunc_end0:
.L_simem_size_0:
called_computation_lowered:
.L_overlay_start_0:
0x88: {  	s2 =	sld [smem:$0x3FD9]  }
0x89: {  	s3 =	sld [smem:$0x3FFE];
	_ =	sdelay $0x1  }
0x8a: {  	s1 =	srdreg.scid  }
0x8b: {  	s0 =	sand.u32 $0x1, s1  }
0x8c: {  	s16 =	sshll.u32 s0, $0xA;
	s2 =	sadd.s32 s3, s2  }
0x8d: {  	s2 =	sadd.s32 s2, s16  }
0x8e: {  	[smem:$0x3FC3] =	sst s2  }
0x8f: {  	_ = 	snop  }
0x90: {  	(tm) =	ssettm $0x1  }
0x91: {  	s17 =	sld [smem:$0x3FFB];
	_ =	sdelay $0x3  }
0x92: {  	_ =	strace s17  }
0x93: {  	s2 =	sld [smem:$0x3FFC];
	_ =	sdelay $0x3  }
0x94: {  	_ =	strace s2  }
0x95: {  	s2 =	sld [smem:$0x3FFD];
	_ =	sdelay $0x3  }
0x96: {  	_ =	strace s2  }
0x97: {  	_ =	strace $0x8FFFFFFF  }
0x98: {  	s18 =	sld [smem:$0x3FDB];
	_ =	sdelay $0x1  }
0x99: {  	s19 =	simm.s32 $_scs_section_size  }
0x9a: {  	s4 =	simm.s32 $_size__tile_overlayer_lowered;
	s5 =	simm.s32 $_tile_overlayer_lowered  }
0x9b: {  	s22 =	simm.s32 $0x1BFF;
	s21 =	sshll.u32 s5, $0x1;
	s2 =	sadd.s32 s19, s18  }
0x9c: {  	s6 =	simm.s32 $0x0;
	s20 =	sshll.u32 s4, $0x1;
	s4 =	sadd.s32 s21, s2  }
0x9d: {  	[timem:s6], [sflag:s22] =	dma.local [hbm:s4], s20  }
0x9e: {  	_ =	swait.ge [sflag:s22], s20  }
0x9f: {  	s3 =	ssub.s32 $0x0, s20;
	[sflag:s22] =	ssyncset.done $0x0  }
0xa0: {  	[sflag:s22] =	ssyncadd.s32 s3;
	_ =	sdelay $0x1  }
0xa1: {  	s23 =	simm.s32 $0x1B8B  }
0xa2: {  	_ =	swait.ge [sflag:s23], $0x1  }
0xa3: {  	[sflag:s23] =	ssyncset.done $0x0  }
0xa4: {  	s25 =	simm.s32 $0x1B8E;
	s24 =	sld [smem:$0x3FFE];
	[sflag:s23] =	ssyncadd.s32 $0xFFFFFFFF  }
0xa5: {  	s26 =	simm.s32 $execute0_lowered;
	[smem:$0x3FD2] =	sst s25  }
0xa6: {  	s4 =	sshll.u32 s26, $0x1;
	_ =	strace $0x80000046;
	[dreg:$0x1] =	wrdreg $0xFFFFFFFF  }
0xa7: {  	s28 =	simm.s32 $_size_execute0_lowered;
	s2 =	sadd.s32 s2, s4;
	[dreg:$0x0] =	wrdreg $0x0  }
0xa8: {  	s4 =	sshll.u32 s28, $0x1;
	[dreg:$0x2] =	wrdreg s2  }
0xa9: {  	[dreg:$0x3] =	wrdreg s4  }
0xaa: {  	[dreg:$0x4] =	wrdreg $0xC0  }
0xab: {  	_ =	task [dreg:s6], $0x5FFFF  }
0xac: {  	[dreg:$0x1] =	wrdreg $0xFFFFFFFF  }
0xad: {  	[dreg:$0x0] =	wrdreg $0x60  }
0xae: {  	[dreg:$0x2] =	wrdreg s24  }
0xaf: {  	[dreg:$0x3] =	wrdreg $0xD200  }
0xb0: {  	[dreg:$0x4] =	wrdreg $0x9  }
0xb1: {  	_ =	task.clear_ibuf [dreg:s6], $0x5FFFF;
	_ =	strace $0x90000046  }
0xb2: {  	s29 =	simm.s32 $0x9;
	_ =	strace $0x80000048  }
0xb3: {  	_ =	swait.ge [sflag:s29], $0x1  }
0xb4: {  	[sflag:s29] =	ssyncadd.s32 $0xFFFFFFFF  }
0xb5: {  	_ =	strace $0x90000048  }
0xb6: {  	_ =	sfence  }
0xb7: {  	s30 =	sld [smem:$0x0];
	_ =	sdelay $0x2  }
0xb8: {  	s31 =	sshll.u32 s1, $0xD;
	s1 =	sshrl.u32 s1, $0x2  }
0xb9: {  	s3 =	sand.u32 $0x4000, s31;
	s1 =	sadd.s32 s1, s30  }
0xba: {  	s0 =	sor.u32 s3, s0;
	s1 =	sshll.u32 s1, $0x11  }
0xbb: {  	s0 =	sor.u32 s1, s0  }
0xbc: {  	s0 =	sadd.s32 $0x8F2B, s0  }
0xbd: {  	[sflag:s0] =	ssyncadd.remote.s32 $0x1  }
0xbe: {  	_ =	sfence.sel $0xFFFF  }
0xbf: {  	[dreg:$0x0] =	wrdreg $0xFFFFFFFF;
	(pc) =	sbr.abs _section_cstart, $3  }
0xc0: {  	[dreg:$0x1] =	wrdreg $0xFFFFFFFF  }
0xc1: {  	_ =	task.clear_ibuf [dreg:s6], $0x2FFFF;
	_ =	strace $0x9FFFFFFF  }
0xc2: {  	(tm) =	ssettm $0x7FFFFFFF  }
0xc3: {  	_ =	shalt  }
tec
execute0_lowered:
.L_overlay_start_1:
0x0: {  	(tag) =	ssettag $0x1  }
0x1: {  	v0 =	vimm.s32 $0x23222120  }
0x2: {  	vm15 =	vcmask $0x1F10;
	v1 =	vimm.s32 $0x13121110;
	v2 =	vimm.s32 $0xBA983210  }
0x3: {  	v6 =	vimm.s32 $0x1B1A1918;
	v7 =	vimm.s32 $0x63626160;
	v8 =	vimm.s32 $0x73727170  }
0x4: {  	v9 =	vimm.s32 $0x43424140;
	v10 =	vimm.s32 $0x53525150;
	v11 =	vimm.s32 $0x3B3A3938  }
0x5: {  	v12 =	vimm.s32 $0xA3A2A1A0;
	v13 =	vimm.s32 $0x2B2A2928;
	v14 =	vimm.s32 $0xB3B2B1B0  }
0x6: {  	v15 =	vimm.s32 $0x83828180;
	v16 =	vimm.s32 $0x93929190;
	v18 =	vimm.s32 $0xC3C2C1C0  }
0x7: {  	v19 =	vimm.s32 $0xD3D2D1D0;
	vm13 =	vcmask $0x300;
	vm14 =	vcmask $0x704  }
0x8: {  	vm12 =	vcmask $0xB08;
	vm11 =	vcmask $0xF0C;
	vm10 =	vcmask $0x1310  }
0x9: {  	vm9 =	vcmask $0x1714;
	vm8 =	vcmask $0x1B18;
	vm7 =	vcmask $0x1F1C  }
0xa: {  	vm6 =	vcmask $0x2320;
	vm5 =	vcmask $0x2724;
	vm4 =	vcmask $0x2B28  }
0xb: {  	vm3 =	vcmask $0x2F2C;
	vm2 =	vcmask $0x3330;
	vm0 =	vcmask $0x3734  }
0xc: {  	vm1 =	vcmask $0x3B38;
	v21 =	vimm.s32 $0xEBEAE9E8;
	v22 =	vimm.s32 $0x2F3  }
0xd: {  	v23 =	vimm.s32 $0x17B;
	v24 =	vimm.s32 $0x333;
	v25 =	vimm.s32 $0x19B  }
0xe: {  	v26 =	vimm.s32 $0x373;
	v27 =	vimm.s32 $0x1BB;
	v28 =	vimm.s32 $0x3B3  }
0xf: {  	v29 =	vimm.s32 $0x1DB;
	v30 =	vimm.s32 $0x3F3;
	v31 =	vimm.s32 $0x1FB  }
0x10: {  	v32 =	vimm.s32 $0x433;
	v33 =	vimm.s32 $0x21B;
	v34 =	vimm.s32 $0x473  }
0x11: {  	v35 =	vimm.s32 $0x23B;
	v36 =	vimm.s32 $0x4B3;
	v37 =	vimm.s32 $0x25B  }
0x12: {  	v38 =	vimm.s32 $0x4F3;
	v39 =	vimm.s32 $0x27B;
	v3 =	vunpack.c.0.s8.s32 v0  }
0x13: {  	v0 =	vimm.s32 $0x33323130;
	v1 =	vunpack.c.0.s8.s32 v1;
	v2 =	vunpack.c.l.s4.s8 v2  }
0x14: {  	v6 =	vunpack.c.0.s8.s32 v6;
	v7 =	vunpack.c.0.s8.s32 v7;
	v8 =	vunpack.c.0.s8.s32 v8  }
0x15: {  	v11 =	vunpack.c.0.s8.s32 v11;
	v12 =	vunpack.c.0.s8.s32 v12;
	v14 =	vunpack.c.0.s8.s32 v14  }
0x16: {  	v15 =	vunpack.c.0.s8.s32 v15;
	v16 =	vunpack.c.0.s8.s32 v16;
	v18 =	vunpack.c.0.s8.s32 v18  }
0x17: {  	v19 =	vunpack.c.0.s8.s32 v19;
	v21 =	vunpack.c.0.s8.s32 v21;
	v22 =	vsel vm13, $0x2C0, v22  }
0x18: {  	v23 =	vsel vm13, $0x160, v23;
	v24 =	vsel vm13, $0x300, v24;
	v25 =	vsel vm13, $0x180, v25  }
0x19: {  	v26 =	vsel vm13, $0x340, v26;
	v27 =	vsel vm13, $0x1A0, v27;
	v28 =	vsel vm13, $0x380, v28  }
0x1a: {  	v29 =	vsel vm13, $0x1C0, v29;
	v30 =	vsel vm13, $0x3C0, v30;
	v31 =	vsel vm13, $0x1E0, v31  }
0x1b: {  	v32 =	vsel vm13, $0x400, v32;
	v33 =	vsel vm13, $0x200, v33;
	v34 =	vsel vm13, $0x440, v34  }
0x1c: {  	v35 =	vsel vm13, $0x220, v35;
	v36 =	vsel vm13, $0x480, v36;
	v37 =	vsel vm13, $0x240, v37  }
0x1d: {  	v38 =	vsel vm13, $0x4C0, v38;
	v39 =	vsel vm13, $0x260, v39;
	v4 =	vunpack.c.0.s8.s32 v0  }
0x1e: {  	v0 =	vimm.s32 $0x3020100;
	v22 =	vsel vm14, $0x2C1, v22;
	v23 =	vsel vm14, $0x161, v23  }
0x1f: {  	v24 =	vsel vm14, $0x301, v24;
	v25 =	vsel vm14, $0x181, v25;
	v26 =	vsel vm14, $0x341, v26  }
0x20: {  	v27 =	vsel vm14, $0x1A1, v27;
	v28 =	vsel vm14, $0x381, v28;
	v29 =	vsel vm14, $0x1C1, v29  }
0x21: {  	v30 =	vsel vm14, $0x3C1, v30;
	v31 =	vsel vm14, $0x1E1, v31;
	v32 =	vsel vm14, $0x401, v32  }
0x22: {  	v33 =	vsel vm14, $0x201, v33;
	v34 =	vsel vm14, $0x441, v34;
	v35 =	vsel vm14, $0x221, v35  }
0x23: {  	v36 =	vsel vm14, $0x481, v36;
	v37 =	vsel vm14, $0x241, v37;
	v38 =	vsel vm14, $0x4C1, v38  }
0x24: {  	v39 =	vsel vm14, $0x261, v39;
	v0 =	vunpack.c.0.s8.s32 v0;
	v2 =	vunpack.c.0.s8.s32 v2  }
0x25: {  	v22 =	vsel vm12, $0x2C2, v22;
	v23 =	vsel vm12, $0x162, v23;
	v24 =	vsel vm12, $0x302, v24  }
0x26: {  	v25 =	vsel vm12, $0x182, v25;
	v26 =	vsel vm12, $0x342, v26;
	v27 =	vsel vm12, $0x1A2, v27  }
0x27: {  	v28 =	vsel vm12, $0x382, v28;
	v29 =	vsel vm12, $0x1C2, v29;
	v30 =	vsel vm12, $0x3C2, v30  }
0x28: {  	v31 =	vsel vm12, $0x1E2, v31;
	v32 =	vsel vm12, $0x402, v32;
	v33 =	vsel vm12, $0x202, v33  }
0x29: {  	v34 =	vsel vm12, $0x442, v34;
	v35 =	vsel vm12, $0x222, v35;
	v36 =	vsel vm12, $0x482, v36  }
0x2a: {  	v37 =	vsel vm12, $0x242, v37;
	v38 =	vsel vm12, $0x4C2, v38;
	v39 =	vsel vm12, $0x262, v39  }
0x2b: {  	v5 =	vsel vm15, v4, v3;
	v4 =	vsel vm15, v11, v4;
	v11 =	vsel vm15, v16, v15  }
0x2c: {  	v22 =	vsel vm11, $0x2C3, v22;
	v23 =	vsel vm11, $0x163, v23;
	v24 =	vsel vm11, $0x303, v24  }
0x2d: {  	v25 =	vsel vm11, $0x183, v25;
	v26 =	vsel vm11, $0x343, v26;
	v27 =	vsel vm11, $0x1A3, v27  }
0x2e: {  	v28 =	vsel vm11, $0x383, v28;
	v29 =	vsel vm11, $0x1C3, v29;
	v30 =	vsel vm11, $0x3C3, v30  }
0x2f: {  	v31 =	vsel vm11, $0x1E3, v31;
	v32 =	vsel vm11, $0x403, v32;
	v33 =	vsel vm11, $0x203, v33  }
0x30: {  	v34 =	vsel vm11, $0x443, v34;
	v35 =	vsel vm11, $0x223, v35;
	v36 =	vsel vm11, $0x483, v36  }
0x31: {  	v37 =	vsel vm11, $0x243, v37;
	v38 =	vsel vm11, $0x4C3, v38;
	v39 =	vsel vm11, $0x263, v39  }
0x32: {  	v0 =	vsel vm15, v1, v0;
	v1 =	vsel vm15, v6, v1;
	v2 =	vand.u32 $0xF, v2  }
0x33: {  	v6 =	vsel vm15, v8, v7;
	v22 =	vsel vm10, $0x2D0, v22;
	v23 =	vsel vm10, $0x168, v23  }
0x34: {  	v24 =	vsel vm10, $0x310, v24;
	v25 =	vsel vm10, $0x188, v25;
	v26 =	vsel vm10, $0x350, v26  }
0x35: {  	v27 =	vsel vm10, $0x1A8, v27;
	v28 =	vsel vm10, $0x390, v28;
	v29 =	vsel vm10, $0x1C8, v29  }
0x36: {  	v30 =	vsel vm10, $0x3D0, v30;
	v31 =	vsel vm10, $0x1E8, v31;
	v32 =	vsel vm10, $0x410, v32  }
0x37: {  	v33 =	vsel vm10, $0x208, v33;
	v34 =	vsel vm10, $0x450, v34;
	v35 =	vsel vm10, $0x228, v35  }
0x38: {  	v36 =	vsel vm10, $0x490, v36;
	v37 =	vsel vm10, $0x248, v37;
	v38 =	vsel vm10, $0x4D0, v38  }
0x39: {  	v39 =	vsel vm10, $0x268, v39;
	v0 =	vcombine.low v0, v5;
	v5 =	vunpack.c.0.s8.s32 v9  }
0x3a: {  	v9 =	vunpack.c.0.s8.s32 v10;
	v1 =	vcombine.low v2, v1;
	v22 =	vsel vm9, $0x2D1, v22  }
0x3b: {  	v23 =	vsel vm9, $0x169, v23;
	v24 =	vsel vm9, $0x311, v24;
	v25 =	vsel vm9, $0x189, v25  }
0x3c: {  	v26 =	vsel vm9, $0x351, v26;
	v27 =	vsel vm9, $0x1A9, v27;
	v28 =	vsel vm9, $0x391, v28  }
0x3d: {  	v29 =	vsel vm9, $0x1C9, v29;
	v30 =	vsel vm9, $0x3D1, v30;
	v31 =	vsel vm9, $0x1E9, v31  }
0x3e: {  	v32 =	vsel vm9, $0x411, v32;
	v33 =	vsel vm9, $0x209, v33;
	v34 =	vsel vm9, $0x451, v34  }
0x3f: {  	v35 =	vsel vm9, $0x229, v35;
	v36 =	vsel vm9, $0x491, v36;
	v37 =	vsel vm9, $0x249, v37  }
0x40: {  	v38 =	vsel vm9, $0x4D1, v38;
	v39 =	vsel vm9, $0x269, v39;
	v22 =	vsel vm8, $0x2D2, v22  }
0x41: {  	v23 =	vsel vm8, $0x16A, v23;
	v24 =	vsel vm8, $0x312, v24;
	v25 =	vsel vm8, $0x18A, v25  }
0x42: {  	v26 =	vsel vm8, $0x352, v26;
	v27 =	vsel vm8, $0x1AA, v27;
	v28 =	vsel vm8, $0x392, v28  }
0x43: {  	v29 =	vsel vm8, $0x1CA, v29;
	v30 =	vsel vm8, $0x3D2, v30;
	v31 =	vsel vm8, $0x1EA, v31  }
0x44: {  	v32 =	vsel vm8, $0x412, v32;
	v33 =	vsel vm8, $0x20A, v33;
	v34 =	vsel vm8, $0x452, v34  }
0x45: {  	v35 =	vsel vm8, $0x22A, v35;
	v36 =	vsel vm8, $0x492, v36;
	v37 =	vsel vm8, $0x24A, v37  }
0x46: {  	v38 =	vsel vm8, $0x4D2, v38;
	v39 =	vsel vm8, $0x26A, v39;
	v10 =	vsel vm15, v9, v5  }
0x47: {  	v22 =	vsel vm7, $0x2D3, v22;
	v23 =	vsel vm7, $0x16B, v23;
	v24 =	vsel vm7, $0x313, v24  }
0x48: {  	v25 =	vsel vm7, $0x18B, v25;
	v26 =	vsel vm7, $0x353, v26;
	v27 =	vsel vm7, $0x1AB, v27  }
0x49: {  	v28 =	vsel vm7, $0x393, v28;
	v29 =	vsel vm7, $0x1CB, v29;
	v30 =	vsel vm7, $0x3D3, v30  }
0x4a: {  	v31 =	vsel vm7, $0x1EB, v31;
	v32 =	vsel vm7, $0x413, v32;
	v33 =	vsel vm7, $0x20B, v33  }
0x4b: {  	v34 =	vsel vm7, $0x453, v34;
	v35 =	vsel vm7, $0x22B, v35;
	v36 =	vsel vm7, $0x493, v36  }
0x4c: {  	v37 =	vsel vm7, $0x24B, v37;
	v38 =	vsel vm7, $0x4D3, v38;
	v39 =	vsel vm7, $0x26B, v39  }
0x4d: {  	v2 =	vcombine.low v10, v6;
	v6 =	vunpack.c.0.s8.s32 v13;
	v10 =	vsel vm15, v14, v12  }
0x4e: {  	v13 =	vimm.s32 $0x4B4A4948;
	v22 =	vsel vm6, $0x2E0, v22;
	v23 =	vsel vm6, $0x170, v23  }
0x4f: {  	v24 =	vsel vm6, $0x320, v24;
	v25 =	vsel vm6, $0x190, v25;
	v26 =	vsel vm6, $0x360, v26  }
0x50: {  	v27 =	vsel vm6, $0x1B0, v27;
	v28 =	vsel vm6, $0x3A0, v28;
	v29 =	vsel vm6, $0x1D0, v29  }
0x51: {  	v30 =	vsel vm6, $0x3E0, v30;
	v31 =	vsel vm6, $0x1F0, v31;
	v32 =	vsel vm6, $0x420, v32  }
0x52: {  	v33 =	vsel vm6, $0x210, v33;
	v34 =	vsel vm6, $0x460, v34;
	v35 =	vsel vm6, $0x230, v35  }
0x53: {  	v36 =	vsel vm6, $0x4A0, v36;
	v37 =	vsel vm6, $0x250, v37;
	v38 =	vsel vm6, $0x4E0, v38  }
0x54: {  	v39 =	vsel vm6, $0x270, v39;
	v22 =	vsel vm5, $0x2E1, v22;
	v23 =	vsel vm5, $0x171, v23  }
0x55: {  	v24 =	vsel vm5, $0x321, v24;
	v25 =	vsel vm5, $0x191, v25;
	v26 =	vsel vm5, $0x361, v26  }
0x56: {  	v27 =	vsel vm5, $0x1B1, v27;
	v28 =	vsel vm5, $0x3A1, v28;
	v29 =	vsel vm5, $0x1D1, v29  }
0x57: {  	v30 =	vsel vm5, $0x3E1, v30;
	v31 =	vsel vm5, $0x1F1, v31;
	v32 =	vsel vm5, $0x421, v32  }
0x58: {  	v33 =	vsel vm5, $0x211, v33;
	v34 =	vsel vm5, $0x461, v34;
	v35 =	vsel vm5, $0x231, v35  }
0x59: {  	v36 =	vsel vm5, $0x4A1, v36;
	v37 =	vsel vm5, $0x251, v37;
	v38 =	vsel vm5, $0x4E1, v38  }
0x5a: {  	v39 =	vsel vm5, $0x271, v39;
	v3 =	vsel vm15, v6, v3;
	v6 =	vcombine.low v11, v10  }
0x5b: {  	v10 =	vimm.s32 $0xE3E2E1E0;
	v11 =	vimm.s32 $0x5B5A5958;
	v22 =	vsel vm4, $0x2E2, v22  }
0x5c: {  	v23 =	vsel vm4, $0x172, v23;
	v24 =	vsel vm4, $0x322, v24;
	v25 =	vsel vm4, $0x192, v25  }
0x5d: {  	v26 =	vsel vm4, $0x362, v26;
	v27 =	vsel vm4, $0x1B2, v27;
	v28 =	vsel vm4, $0x3A2, v28  }
0x5e: {  	v29 =	vsel vm4, $0x1D2, v29;
	v30 =	vsel vm4, $0x3E2, v30;
	v31 =	vsel vm4, $0x1F2, v31  }
0x5f: {  	v32 =	vsel vm4, $0x422, v32;
	v33 =	vsel vm4, $0x212, v33;
	v34 =	vsel vm4, $0x462, v34  }
0x60: {  	v35 =	vsel vm4, $0x232, v35;
	v36 =	vsel vm4, $0x4A2, v36;
	v37 =	vsel vm4, $0x252, v37  }
0x61: {  	v38 =	vsel vm4, $0x4E2, v38;
	v39 =	vsel vm4, $0x272, v39;
	v17 =	vunpack.c.0.s8.s32 v10  }
0x62: {  	v10 =	vimm.s32 $0xF3F2F1F0;
	v3 =	vcombine.low v3, v4;
	v22 =	vsel vm3, $0x2E3, v22  }
0x63: {  	v23 =	vsel vm3, $0x173, v23;
	v24 =	vsel vm3, $0x323, v24;
	v25 =	vsel vm3, $0x193, v25  }
0x64: {  	v26 =	vsel vm3, $0x363, v26;
	v27 =	vsel vm3, $0x1B3, v27;
	v28 =	vsel vm3, $0x3A3, v28  }
0x65: {  	v29 =	vsel vm3, $0x1D3, v29;
	v30 =	vsel vm3, $0x3E3, v30;
	v31 =	vsel vm3, $0x1F3, v31  }
0x66: {  	v32 =	vsel vm3, $0x423, v32;
	v33 =	vsel vm3, $0x213, v33;
	v34 =	vsel vm3, $0x463, v34  }
0x67: {  	v35 =	vsel vm3, $0x233, v35;
	v36 =	vsel vm3, $0x4A3, v36;
	v37 =	vsel vm3, $0x253, v37  }
0x68: {  	v38 =	vsel vm3, $0x4E3, v38;
	v39 =	vsel vm3, $0x273, v39;
	v20 =	vunpack.c.0.s8.s32 v10  }
0x69: {  	v10 =	vunpack.c.0.s8.s32 v11;
	v11 =	vunpack.c.0.s8.s32 v13;
	v4 =	vand.u32 $0xFF, v6  }
0x6a: {  	v13 =	vsel vm15, v19, v18;
	v22 =	vsel vm2, $0x2F0, v22;
	v23 =	vsel vm2, $0x178, v23  }
0x6b: {  	v24 =	vsel vm2, $0x330, v24;
	v25 =	vsel vm2, $0x198, v25;
	v26 =	vsel vm2, $0x370, v26  }
0x6c: {  	v27 =	vsel vm2, $0x1B8, v27;
	v28 =	vsel vm2, $0x3B0, v28;
	v29 =	vsel vm2, $0x1D8, v29  }
0x6d: {  	v30 =	vsel vm2, $0x3F0, v30;
	v31 =	vsel vm2, $0x1F8, v31;
	v32 =	vsel vm2, $0x430, v32  }
0x6e: {  	v33 =	vsel vm2, $0x218, v33;
	v34 =	vsel vm2, $0x470, v34;
	v35 =	vsel vm2, $0x238, v35  }
0x6f: {  	v36 =	vsel vm2, $0x4B0, v36;
	v37 =	vsel vm2, $0x258, v37;
	v38 =	vsel vm2, $0x4F0, v38  }
0x70: {  	v39 =	vsel vm2, $0x278, v39;
	v22 =	vsel vm0, $0x2F1, v22;
	v23 =	vsel vm0, $0x179, v23  }
0x71: {  	v24 =	vsel vm0, $0x331, v24;
	v25 =	vsel vm0, $0x199, v25;
	v26 =	vsel vm0, $0x371, v26  }
0x72: {  	v27 =	vsel vm0, $0x1B9, v27;
	v28 =	vsel vm0, $0x3B1, v28;
	v29 =	vsel vm0, $0x1D9, v29  }
0x73: {  	v30 =	vsel vm0, $0x3F1, v30;
	v31 =	vsel vm0, $0x1F9, v31;
	v32 =	vsel vm0, $0x431, v32  }
0x74: {  	v33 =	vsel vm0, $0x219, v33;
	v34 =	vsel vm0, $0x471, v34;
	v35 =	vsel vm0, $0x239, v35  }
0x75: {  	v36 =	vsel vm0, $0x4B1, v36;
	v37 =	vsel vm0, $0x259, v37;
	v38 =	vsel vm0, $0x4F1, v38  }
0x76: {  	v39 =	vsel vm0, $0x279, v39;
	v6 =	vsel vm15, v20, v17;
	v9 =	vsel vm15, v10, v9  }
0x77: {  	v5 =	vsel vm15, v11, v5;
	v10 =	vimm.s32 $0x7B7A7978;
	v11 =	vimm.s32 $0x6B6A6968  }
0x78: {  	v17 =	vsel vm15, v21, v17;
	v21 =	vimm.s32 $0x15B;
	v22 =	vsel vm1, $0x2F2, v22  }
0x79: {  	v23 =	vsel vm1, $0x17A, v23;
	v24 =	vsel vm1, $0x332, v24;
	v25 =	vsel vm1, $0x19A, v25  }
0x7a: {  	v26 =	vsel vm1, $0x372, v26;
	v27 =	vsel vm1, $0x1BA, v27;
	v28 =	vsel vm1, $0x3B2, v28  }
0x7b: {  	v29 =	vsel vm1, $0x1DA, v29;
	v30 =	vsel vm1, $0x3F2, v30;
	v31 =	vsel vm1, $0x1FA, v31  }
0x7c: {  	v32 =	vsel vm1, $0x432, v32;
	v33 =	vsel vm1, $0x21A, v33;
	v34 =	vsel vm1, $0x472, v34  }
0x7d: {  	v35 =	vsel vm1, $0x23A, v35;
	v36 =	vsel vm1, $0x4B2, v36;
	v37 =	vsel vm1, $0x25A, v37  }
0x7e: {  	v38 =	vsel vm1, $0x4F2, v38;
	v39 =	vsel vm1, $0x27A, v39;
	v6 =	vcombine.low v13, v6  }
0x7f: {  	v5 =	vcombine.low v5, v9;
	v9 =	vimm.s32 $0x133;
	v10 =	vunpack.c.0.s8.s32 v10  }
0x80: {  	v11 =	vunpack.c.0.s8.s32 v11;
	v13 =	vimm.s32 $0x8B8A8988;
	v21 =	vsel vm13, $0x140, v21  }
0x81: {  	v9 =	vsel vm13, $0x100, v9;
	v13 =	vunpack.c.0.s8.s32 v13;
	v21 =	vsel vm14, $0x141, v21  }
0x82: {  	v6 =	vand.u32 $0xFF, v6;
	v9 =	vsel vm14, $0x101, v9;
	v8 =	vsel vm15, v10, v8  }
0x83: {  	v7 =	vsel vm15, v11, v7;
	v10 =	vimm.s32 $0x173;
	v11 =	vimm.s32 $0x1B3  }
0x84: {  	v21 =	vsel vm12, $0x142, v21;
	v9 =	vsel vm12, $0x102, v9;
	v10 =	vsel vm13, $0x140, v10  }
0x85: {  	v7 =	vcombine.low v7, v8;
	v11 =	vsel vm13, $0x180, v11;
	v13 =	vsel vm15, v13, v15  }
0x86: {  	v15 =	vimm.s32 $0x1F3;
	v21 =	vsel vm11, $0x143, v21;
	v9 =	vsel vm11, $0x103, v9  }
0x87: {  	v10 =	vsel vm14, $0x141, v10;
	v11 =	vsel vm14, $0x181, v11;
	v15 =	vsel vm13, $0x1C0, v15  }
0x88: {  	v21 =	vsel vm10, $0x148, v21;
	v9 =	vsel vm10, $0x110, v9;
	v10 =	vsel vm12, $0x142, v10  }
0x89: {  	v11 =	vsel vm12, $0x182, v11;
	v15 =	vsel vm14, $0x1C1, v15;
	v9 =	vsel vm9, $0x111, v9  }
0x8a: {  	v21 =	vsel vm9, $0x149, v21;
	v10 =	vsel vm11, $0x143, v10;
	v9 =	vsel vm8, $0x112, v9  }
0x8b: {  	v11 =	vsel vm11, $0x183, v11;
	v15 =	vsel vm12, $0x1C2, v15;
	v9 =	vsel vm7, $0x113, v9  }
0x8c: {  	v21 =	vsel vm8, $0x14A, v21;
	v10 =	vsel vm10, $0x150, v10;
	v9 =	vsel vm6, $0x120, v9  }
0x8d: {  	v11 =	vsel vm10, $0x190, v11;
	v21 =	vsel vm7, $0x14B, v21;
	v9 =	vsel vm5, $0x121, v9  }
0x8e: {  	v11 =	vsel vm9, $0x191, v11;
	v21 =	vsel vm6, $0x150, v21;
	v9 =	vsel vm4, $0x122, v9  }
0x8f: {  	v11 =	vsel vm8, $0x192, v11;
	v21 =	vsel vm5, $0x151, v21;
	v9 =	vsel vm3, $0x123, v9  }
0x90: {  	v11 =	vsel vm7, $0x193, v11;
	v21 =	vsel vm4, $0x152, v21;
	v9 =	vsel vm2, $0x130, v9  }
0x91: {  	v11 =	vsel vm6, $0x1A0, v11;
	v8 =	vsel vm0, $0x131, v9;
	v9 =	vsel vm9, $0x151, v10  }
0x92: {  	v21 =	vsel vm3, $0x153, v21;
	v10 =	vimm.s32 $0x9B9A9998;
	v9 =	vsel vm8, $0x152, v9  }
0x93: {  	v11 =	vsel vm5, $0x1A1, v11;
	v10 =	vunpack.c.0.s8.s32 v10;
	v9 =	vsel vm7, $0x153, v9  }
0x94: {  	v21 =	vsel vm2, $0x158, v21;
	v11 =	vsel vm4, $0x1A2, v11;
	v9 =	vsel vm6, $0x160, v9  }
0x95: {  	v10 =	vsel vm15, v10, v16;
	v16 =	vimm.s32 $0xABAAA9A8;
	v9 =	vsel vm5, $0x161, v9  }
0x96: {  	v21 =	vsel vm0, $0x159, v21;
	v16 =	vunpack.c.0.s8.s32 v16;
	v9 =	vsel vm4, $0x162, v9  }
0x97: {  	v11 =	vsel vm3, $0x1A3, v11;
	v10 =	vcombine.low v13, v10;
	v9 =	vsel vm3, $0x163, v9  }
0x98: {  	v12 =	vsel vm15, v16, v12;
	v16 =	vimm.s32 $0xFBFAF9F8;
	v9 =	vsel vm2, $0x170, v9  }
0x99: {  	v21 =	vsel vm1, $0x15A, v21;
	v16 =	vunpack.c.0.s8.s32 v16;
	v13 =	vsel vm0, $0x171, v9  }
0x9a: {  	v8 =	vsel vm1, $0x132, v8;
	v9 =	vand.u32 $0xFF, v10;
	v10 =	vsel vm1, $0x172, v13  }
0x9b: {  	v13 =	vimm.s32 $0xBBBAB9B8;
	v16 =	vsel vm15, v16, v20;
	v20 =	vimm.s32 $0x2B3  }
0x9c: {  	v13 =	vunpack.c.0.s8.s32 v13;
	v16 =	vcombine.low v17, v16;
	v17 =	vimm.s32 $0x11B  }
0x9d: {  	v11 =	vsel vm2, $0x1B0, v11;
	v20 =	vsel vm13, $0x280, v20;
	v17 =	vsel vm13, $0x100, v17  }
0x9e: {  	v20 =	vsel vm14, $0x281, v20;
	v13 =	vsel vm15, v13, v14;
	v14 =	vsel vm11, $0x1C3, v15  }
0x9f: {  	v15 =	vimm.s32 $0xCBCAC9C8;
	v17 =	vsel vm14, $0x101, v17;
	v20 =	vsel vm12, $0x282, v20  }
0xa0: {  	v14 =	vsel vm10, $0x1D0, v14;
	v12 =	vcombine.low v12, v13;
	v13 =	vsel vm0, $0x1B1, v11  }
0xa1: {  	v15 =	vunpack.c.0.s8.s32 v15;
	v17 =	vsel vm12, $0x102, v17;
	v20 =	vsel vm11, $0x283, v20  }
0xa2: {  	v11 =	vsel vm9, $0x1D1, v14;
	v14 =	vimm.s32 $0xDBDAD9D8;
	v17 =	vsel vm11, $0x103, v17  }
0xa3: {  	v20 =	vsel vm10, $0x290, v20;
	v11 =	vsel vm8, $0x1D2, v11;
	v14 =	vunpack.c.0.s8.s32 v14  }
0xa4: {  	v15 =	vsel vm15, v15, v18;
	v18 =	vimm.s32 $0x273;
	v17 =	vsel vm10, $0x108, v17  }
0xa5: {  	v20 =	vsel vm9, $0x291, v20;
	v11 =	vsel vm7, $0x1D3, v11;
	v18 =	vsel vm13, $0x240, v18  }
0xa6: {  	v17 =	vsel vm9, $0x109, v17;
	v20 =	vsel vm8, $0x292, v20;
	v11 =	vsel vm6, $0x1E0, v11  }
0xa7: {  	v14 =	vsel vm15, v14, v19;
	v18 =	vsel vm14, $0x241, v18;
	v17 =	vsel vm8, $0x10A, v17  }
0xa8: {  	v19 =	vimm.s32 $0x13B;
	v20 =	vsel vm7, $0x293, v20;
	v11 =	vsel vm5, $0x1E1, v11  }
0xa9: {  	v14 =	vcombine.low v15, v14;
	v18 =	vsel vm12, $0x242, v18;
	v17 =	vsel vm7, $0x10B, v17  }
0xaa: {  	v19 =	vsel vm13, $0x120, v19;
	v20 =	vsel vm6, $0x2A0, v20;
	v11 =	vsel vm4, $0x1E2, v11  }
0xab: {  	v18 =	vsel vm11, $0x243, v18;
	v17 =	vsel vm6, $0x110, v17;
	v19 =	vsel vm14, $0x121, v19  }
0xac: {  	v20 =	vsel vm5, $0x2A1, v20;
	v11 =	vsel vm3, $0x1E3, v11;
	v18 =	vsel vm10, $0x250, v18  }
0xad: {  	v17 =	vsel vm5, $0x111, v17;
	v19 =	vsel vm12, $0x122, v19;
	v20 =	vsel vm4, $0x2A2, v20  }
0xae: {  	v15 =	vsel vm2, $0x1F0, v11;
	v11 =	vand.u32 $0xFF, v12;
	v12 =	vsel vm1, $0x1B2, v13  }
0xaf: {  	v13 =	vand.u32 $0xFF, v14;
	v18 =	vsel vm9, $0x251, v18;
	v15 =	vsel vm0, $0x1F1, v15  }
0xb0: {  	s7 =	rddreg [dreg:$0x0];
	v14 =	vsel vm1, $0x1F2, v15;
	v15 =	vand.u32 $0xFF, v16;
	v16 =	vimm.s32 $0x233  }
0xb1: {  	s0 =	srdreg.scid;
	s2 =	rddreg [dreg:$0x1];
	v17 =	vsel vm4, $0x112, v17;
	v19 =	vsel vm11, $0x123, v19;
	v16 =	vsel vm13, $0x200, v16  }
0xb2: {  	s1 =	rddreg [dreg:$0x2];
	s3 =	simm.s32 $0x0;
	s6 =	sand.u32 $0x1, s0;
	v20 =	vsel vm3, $0x2A3, v20;
	v18 =	vsel vm8, $0x252, v18;
	v16 =	vsel vm14, $0x201, v16  }
0xb3: {  	s16 =	simm.s32 $0xA0;
	s0 =	stileid.u32;
	s4 =	smul.u32 $0x4E200, s6;
	v17 =	vsel vm3, $0x113, v17;
	v19 =	vsel vm10, $0x128, v19;
	v16 =	vsel vm12, $0x202, v16  }
0xb4: {  	s17 =	simm.s32 $0x5A0;
	s18 =	simm.s32 $0x1;
	s5 =	smul.u32 $0x4E20, s0;
	v20 =	vsel vm2, $0x2B0, v20;
	v18 =	vsel vm7, $0x253, v18;
	v16 =	vsel vm11, $0x203, v16  }
0xb5: {  	s19 =	simm.s32 $0x2;
	s20 =	simm.s32 $0xAA0;
	s9 =	smul.u32 $0x1400, s0;
	v17 =	vsel vm2, $0x118, v17;
	v19 =	vsel vm9, $0x129, v19;
	v16 =	vsel vm10, $0x210, v16  }
0xb6: {  	s21 =	simm.s32 $0x0;
	[smem:$0x7FF] =	sst s3;
	s11 =	smul.u32 $0x280, s0;
	v20 =	vsel vm0, $0x2B1, v20;
	v18 =	vsel vm6, $0x260, v18;
	v16 =	vsel vm9, $0x211, v16  }
0xb7: {  	_ =	strace $0x80000047;
	s13 =	ssub.s32 $0x2, s6;
	s15 =	smul.u32 $0x2800, s6;
	v17 =	vsel vm0, $0x119, v17;
	v19 =	vsel vm8, $0x12A, v19;
	v16 =	vsel vm8, $0x212, v16  }
0xb8: {  	s30 =	sshll.u32 s0, $0x6;
	s26 =	sshrl.u32 s13, $0x1;
	s8 =	sadd.s32 s5, s4;
	v20 =	vsel vm1, $0x2B2, v20;
	v19 =	vsel vm7, $0x12B, v19;
	v16 =	vsel vm7, $0x213, v16  }
0xb9: {  	s5 =	sadd.s32 $0x30A00, s7;
	s10 =	sshrl.u32 s9, $0x3;
	s28 =	ssub.s32 s13, s26;
	v18 =	vsel vm5, $0x261, v18;
	v19 =	vsel vm6, $0x130, v19;
	v16 =	vsel vm6, $0x220, v16  }
0xba: {  	s29 =	sadd.s32 s9, s2;
	s4 =	sshrl.u32 s8, $0x3;
	s10 =	sadd.s32 s10, s7;
	v17 =	vsel vm1, $0x11A, v17;
	v19 =	vsel vm5, $0x131, v19;
	v16 =	vsel vm5, $0x221, v16  }
0xbb: {  	s14 =	sadd.s32 s8, s7;
	s9 =	smax.u32 s28, $0x1;
	s13 =	sshrl.u32 s29, $0x3;
	v18 =	vsel vm4, $0x262, v18;
	v19 =	vsel vm4, $0x132, v19;
	v16 =	vsel vm4, $0x222, v16  }
0xbc: {  	s12 =	sadd.s32 s4, s7;
	s4 =	sadd.s32 $0x2BA00, s7;
	s7 =	sadd.s32 s11, s7;
	v18 =	vsel vm3, $0x263, v18;
	v19 =	vsel vm3, $0x133, v19;
	v16 =	vsel vm3, $0x223, v16  }
0xbd: {  	s6 =	sadd.s32 $0x29200, s10;
	s10 =	sadd.s32 $0x35A00, s14;
	s14 =	simm.s32 $0x3;
	v18 =	vsel vm2, $0x270, v18;
	v19 =	vsel vm2, $0x138, v19;
	v16 =	vsel vm2, $0x230, v16  }
0xbe: {  	s31 =	sadd.s32 s15, s7;
	s7 =	sor.u32 $0x1C03, s30;
	s11 =	sadd.s32 $0x1E00, s12;
	v18 =	vsel vm0, $0x271, v18;
	v19 =	vsel vm0, $0x139, v19;
	v16 =	vsel vm0, $0x231, v16  }
0xbf: {  	s12 =	sadd.s32 $0x15800, s12;
	s15 =	simm.s32 $0x50;
	s8 =	sadd.s32 $0xD1E00, s31;
	v18 =	vsel vm1, $0x272, v18;
	v19 =	vsel vm1, $0x13A, v19;
	v16 =	vsel vm1, $0x232, v16  }
.LBB2_1:
0xc0: {  	[spmem:s13], [sflag:s7] =	dma.local [hbm:s6], $0x280  }
0xc1: {  	_ =	swait.ge [sflag:s14], $0x280  }
0xc2: {  	[sflag:s14] =	ssyncset.done $0x0  }
0xc3: {  	[sflag:s14] =	ssyncadd.s32 $0xFFFFFD80  }
0xc4: {  	s22 =	smov.u32 s10;
	s23 =	simm.s32 $0x0;
	[bflag:$0x0] =	sbarrier.arrive $0xFFFF  }
.LBB2_2:
0xc5: {  	s24 =	sadd.s32 s23, s12  }
0xc6: {  	[tilespmem:s3], [sflag:$0x3] =	stream.linear.gather [hbm4b:s24+s3], $0x50, $0x38;
	[tilespmem:$0x1720] =	vst v63  }
0xc7: {  	_ =	swait.ge [sflag:s14], $0x50  }
0xc8: {  	[sflag:s14] =	ssyncset.done $0x0  }
0xc9: {  	s31 =	sadd.s32 s23, s11;
	[sflag:s14] =	ssyncadd.s32 $0xFFFFFFB0  }
0xca: {  	[tilespmem:s15], [sflag:$0x3] =	stream.linear.gather [hbm4b:s31+s3], $0x50, $0x38;
	[tilespmem:$0x1720] =	vst v63  }
0xcb: {  	_ =	swait.ge [sflag:s14], $0x50  }
0xcc: {  	[sflag:s14] =	ssyncset.done $0x0  }
0xcd: {  	[sflag:s14] =	ssyncadd.s32 $0xFFFFFFB0  }
0xce: {  	[tilespmem:s16], [sflag:$0x1] =	stream.indirect.gather [hbm4b:s4+s15], $0x10, s3, s15, $0xb8;
	[tilespmem:$0x1720] =	vst v63  }
0xcf: {  	_ = 	snop  }
0xd0: {  	[tilespmem:s17], [sflag:$0x2] =	stream.indirect.gather [hbm4b:s5+s15], $0x10, s15, s15, $0xb8;
	[tilespmem:$0x1720] =	vst v63  }
0xd1: {  	_ =	swait.ge [sflag:s18], $0x500  }
0xd2: {  	[sflag:s18] =	ssyncset.done $0x0  }
0xd3: {  	[sflag:s18] =	ssyncadd.s32 $0xFFFFFB00  }
0xd4: {  	_ =	swait.ge [sflag:s19], $0x500  }
0xd5: {  	[sflag:s19] =	ssyncset.done $0x0  }
0xd6: {  	[sflag:s19] =	ssyncadd.s32 $0xFFFFFB00  }
0xd7: {  	v40 =	vld.idx.msk [tilespmem:v0+s16+$0x0], $0xffff  }
0xd8: {  	v41 =	vld.idx.msk [tilespmem:v0+s17+$0x0], $0xffff;
	_ =	sdelay $0x4  }
0xd9: {  	v40 =	vadd.f32 v41, v40;
	_ =	sdelay $0x1  }
0xda: {  	v41 =	vmul.f32 $2.000000030e-01, v40  }
0xdb: {  	vm0 =	vge.f32 v40, $0.0e+00  }
0xdc: {  	v40 =	vsel vm0, v40, v41  }
0xdd: {  	v40 =	vmul.f32 $1.442695020e+00, v40;
	_ =	sdelay $0x1  }
0xde: {  	(erf) = vpow2.f32 v40;
	_ =	sdelay $0x8  }
0xdf: {  	v40 =	vpop (erf)  }
0xe0: {  	[tilespmem:v1+s20+$0x0] =	vst.idx.msk $0xffff, v40  }
0xe1: {  	v40 =	vld.idx.msk [tilespmem:v2+s16+$0x0], $0xffff  }
0xe2: {  	v45 =	vld.idx.msk [tilespmem:v2+s17+$0x0], $0xffff;
	_ =	sdelay $0x4  }
0xe3: {  	v40 =	vadd.f32 v45, v40;
	_ =	sdelay $0x1  }
0xe4: {  	v41 =	vmul.f32 $2.000000030e-01, v40  }
0xe5: {  	vm9 =	vge.f32 v40, $0.0e+00  }
0xe6: {  	v40 =	vsel vm9, v40, v41  }
0xe7: {  	v40 =	vmul.f32 $1.442695020e+00, v40;
	_ =	sdelay $0x1  }
0xe8: {  	(erf) = vpow2.f32 v40;
	_ =	sdelay $0x8  }
0xe9: {  	v40 =	vpop (erf)  }
0xea: {  	[tilespmem:v3+s20+$0x0] =	vst.idx.msk $0xffff, v40  }
0xeb: {  	v40 =	vld.idx.msk [tilespmem:v4+s16+$0x0], $0xffff  }
0xec: {  	v46 =	vld.idx.msk [tilespmem:v4+s17+$0x0], $0xffff;
	_ =	sdelay $0x4  }
0xed: {  	v40 =	vadd.f32 v46, v40;
	_ =	sdelay $0x1  }
0xee: {  	v41 =	vmul.f32 $2.000000030e-01, v40  }
0xef: {  	vm10 =	vge.f32 v40, $0.0e+00  }
0xf0: {  	v40 =	vsel vm10, v40, v41  }
0xf1: {  	v40 =	vmul.f32 $1.442695020e+00, v40;
	_ =	sdelay $0x1  }
0xf2: {  	(erf) = vpow2.f32 v40;
	_ =	sdelay $0x8  }
0xf3: {  	v40 =	vpop (erf)  }
0xf4: {  	[tilespmem:v5+s20+$0x0] =	vst.idx.msk $0xffff, v40  }
0xf5: {  	v40 =	vld.idx.msk [tilespmem:v6+s16+$0x0], $0xffff  }
0xf6: {  	v47 =	vld.idx.msk [tilespmem:v6+s17+$0x0], $0xffff;
	_ =	sdelay $0x4  }
0xf7: {  	v40 =	vadd.f32 v47, v40;
	_ =	sdelay $0x1  }
0xf8: {  	v41 =	vmul.f32 $2.000000030e-01, v40  }
0xf9: {  	vm11 =	vge.f32 v40, $0.0e+00  }
0xfa: {  	v40 =	vsel vm11, v40, v41  }
0xfb: {  	v40 =	vmul.f32 $1.442695020e+00, v40;
	_ =	sdelay $0x1  }
0xfc: {  	(erf) = vpow2.f32 v40;
	_ =	sdelay $0x8  }
0xfd: {  	v40 =	vpop (erf)  }
0xfe: {  	[tilespmem:v7+s20+$0x0] =	vst.idx.msk $0xffff, v40  }
0xff: {  	v40 =	vld.idx.msk [tilespmem:v8+s16+$0x0], $0xffff  }
0x100: {  	v48 =	vld.idx.msk [tilespmem:v8+s17+$0x0], $0xffff;
	_ =	sdelay $0x4  }
0x101: {  	v40 =	vadd.f32 v48, v40;
	_ =	sdelay $0x1  }
0x102: {  	v41 =	vmul.f32 $2.000000030e-01, v40  }
0x103: {  	vm12 =	vge.f32 v40, $0.0e+00  }
0x104: {  	v40 =	vsel vm12, v40, v41  }
0x105: {  	v40 =	vmul.f32 $1.442695020e+00, v40;
	_ =	sdelay $0x1  }
0x106: {  	(erf) = vpow2.f32 v40;
	_ =	sdelay $0x8  }
0x107: {  	v40 =	vpop (erf)  }
0x108: {  	[tilespmem:v9+s20+$0x0] =	vst.idx.msk $0xffff, v40  }
0x109: {  	v40 =	vld.idx.msk [tilespmem:v10+s16+$0x0], $0xffff  }
0x10a: {  	v49 =	vld.idx.msk [tilespmem:v10+s17+$0x0], $0xffff;
	_ =	sdelay $0x4  }
0x10b: {  	v40 =	vadd.f32 v49, v40;
	_ =	sdelay $0x1  }
0x10c: {  	v41 =	vmul.f32 $2.000000030e-01, v40  }
0x10d: {  	vm13 =	vge.f32 v40, $0.0e+00  }
0x10e: {  	v40 =	vsel vm13, v40, v41  }
0x10f: {  	v40 =	vmul.f32 $1.442695020e+00, v40;
	_ =	sdelay $0x1  }
0x110: {  	(erf) = vpow2.f32 v40;
	_ =	sdelay $0x8  }
0x111: {  	v40 =	vpop (erf)  }
0x112: {  	[tilespmem:v11+s20+$0x0] =	vst.idx.msk $0xffff, v40  }
0x113: {  	v40 =	vld.idx.msk [tilespmem:v12+s16+$0x0], $0xffff  }
0x114: {  	v50 =	vld.idx.msk [tilespmem:v12+s17+$0x0], $0xffff;
	_ =	sdelay $0x4  }
0x115: {  	v40 =	vadd.f32 v50, v40;
	_ =	sdelay $0x1  }
0x116: {  	v41 =	vmul.f32 $2.000000030e-01, v40  }
0x117: {  	vm14 =	vge.f32 v40, $0.0e+00  }
0x118: {  	v40 =	vsel vm14, v40, v41  }
0x119: {  	v40 =	vmul.f32 $1.442695020e+00, v40;
	_ =	sdelay $0x1  }
0x11a: {  	(erf) = vpow2.f32 v40;
	_ =	sdelay $0x8  }
0x11b: {  	v40 =	vpop (erf)  }
0x11c: {  	[tilespmem:v13+s20+$0x0] =	vst.idx.msk $0xffff, v40  }
0x11d: {  	v40 =	vld.idx.msk [tilespmem:v14+s16+$0x0], $0xffff  }
0x11e: {  	v51 =	vld.idx.msk [tilespmem:v14+s17+$0x0], $0xffff;
	_ =	sdelay $0x4  }
0x11f: {  	v40 =	vadd.f32 v51, v40;
	_ =	sdelay $0x1  }
0x120: {  	v41 =	vmul.f32 $2.000000030e-01, v40  }
0x121: {  	vm15 =	vge.f32 v40, $0.0e+00  }
0x122: {  	v40 =	vsel vm15, v40, v41  }
0x123: {  	v40 =	vmul.f32 $1.442695020e+00, v40;
	_ =	sdelay $0x1  }
0x124: {  	(erf) = vpow2.f32 v40;
	_ =	sdelay $0x8  }
0x125: {  	v40 =	vpop (erf)  }
0x126: {  	[tilespmem:v15+s20+$0x0] =	vst.idx.msk $0xffff, v40  }
0x127: {  	v40 =	vld.idx.msk [tilespmem:v16+s16+$0x0], $0xffff  }
0x128: {  	v52 =	vld.idx.msk [tilespmem:v16+s17+$0x0], $0xffff;
	_ =	sdelay $0x4  }
0x129: {  	v40 =	vadd.f32 v52, v40;
	_ =	sdelay $0x1  }
0x12a: {  	v41 =	vmul.f32 $2.000000030e-01, v40  }
0x12b: {  	vm4 =	vge.f32 v40, $0.0e+00  }
0x12c: {  	v40 =	vsel vm4, v40, v41  }
0x12d: {  	v40 =	vmul.f32 $1.442695020e+00, v40;
	_ =	sdelay $0x1  }
0x12e: {  	(erf) = vpow2.f32 v40;
	_ =	sdelay $0x8  }
0x12f: {  	v40 =	vpop (erf)  }
0x130: {  	[tilespmem:v17+s20+$0x0] =	vst.idx.msk $0xffff, v40  }
0x131: {  	v40 =	vld.idx.msk [tilespmem:v18+s16+$0x0], $0xffff  }
0x132: {  	v53 =	vld.idx.msk [tilespmem:v18+s17+$0x0], $0xffff;
	_ =	sdelay $0x4  }
0x133: {  	v40 =	vadd.f32 v53, v40;
	_ =	sdelay $0x1  }
0x134: {  	v41 =	vmul.f32 $2.000000030e-01, v40  }
0x135: {  	vm5 =	vge.f32 v40, $0.0e+00  }
0x136: {  	v40 =	vsel vm5, v40, v41  }
0x137: {  	v40 =	vmul.f32 $1.442695020e+00, v40;
	_ =	sdelay $0x1  }
0x138: {  	(erf) = vpow2.f32 v40;
	_ =	sdelay $0x8  }
0x139: {  	v40 =	vpop (erf)  }
0x13a: {  	[tilespmem:v19+s20+$0x0] =	vst.idx.msk $0xffff, v40  }
0x13b: {  	v40 =	vld.idx.msk [tilespmem:v20+s16+$0x0], $0xffff  }
0x13c: {  	v54 =	vld.idx.msk [tilespmem:v20+s17+$0x0], $0xffff;
	_ =	sdelay $0x4  }
0x13d: {  	v40 =	vadd.f32 v54, v40;
	_ =	sdelay $0x1  }
0x13e: {  	v41 =	vmul.f32 $2.000000030e-01, v40  }
0x13f: {  	vm6 =	vge.f32 v40, $0.0e+00  }
0x140: {  	v40 =	vsel vm6, v40, v41  }
0x141: {  	v40 =	vmul.f32 $1.442695020e+00, v40;
	_ =	sdelay $0x1  }
0x142: {  	(erf) = vpow2.f32 v40;
	_ =	sdelay $0x8  }
0x143: {  	v40 =	vpop (erf)  }
0x144: {  	[tilespmem:v21+s20+$0x0] =	vst.idx.msk $0xffff, v40  }
0x145: {  	v40 =	vld.idx.msk [tilespmem:v22+s16+$0x0], $0xffff  }
0x146: {  	v55 =	vld.idx.msk [tilespmem:v22+s17+$0x0], $0xffff;
	_ =	sdelay $0x4  }
0x147: {  	v40 =	vadd.f32 v55, v40;
	_ =	sdelay $0x1  }
0x148: {  	v41 =	vmul.f32 $2.000000030e-01, v40  }
0x149: {  	vm7 =	vge.f32 v40, $0.0e+00  }
0x14a: {  	v40 =	vsel vm7, v40, v41  }
0x14b: {  	v40 =	vmul.f32 $1.442695020e+00, v40;
	_ =	sdelay $0x1  }
0x14c: {  	(erf) = vpow2.f32 v40;
	_ =	sdelay $0x8  }
0x14d: {  	v40 =	vpop (erf)  }
0x14e: {  	[tilespmem:v23+s20+$0x0] =	vst.idx.msk $0xffff, v40  }
0x14f: {  	v40 =	vld.idx.msk [tilespmem:v24+s16+$0x0], $0xffff  }
0x150: {  	v56 =	vld.idx.msk [tilespmem:v24+s17+$0x0], $0xffff;
	_ =	sdelay $0x4  }
0x151: {  	v40 =	vadd.f32 v56, v40;
	_ =	sdelay $0x1  }
0x152: {  	v41 =	vmul.f32 $2.000000030e-01, v40  }
0x153: {  	vm8 =	vge.f32 v40, $0.0e+00  }
0x154: {  	v40 =	vsel vm8, v40, v41  }
0x155: {  	v40 =	vmul.f32 $1.442695020e+00, v40;
	_ =	sdelay $0x1  }
0x156: {  	(erf) = vpow2.f32 v40;
	_ =	sdelay $0x8  }
0x157: {  	v40 =	vpop (erf)  }
0x158: {  	[tilespmem:v25+s20+$0x0] =	vst.idx.msk $0xffff, v40  }
0x159: {  	v40 =	vld.idx.msk [tilespmem:v26+s16+$0x0], $0xffff  }
0x15a: {  	v57 =	vld.idx.msk [tilespmem:v26+s17+$0x0], $0xffff;
	_ =	sdelay $0x4  }
0x15b: {  	v40 =	vadd.f32 v57, v40;
	_ =	sdelay $0x1  }
0x15c: {  	v41 =	vmul.f32 $2.000000030e-01, v40  }
0x15d: {  	vm9 =	vge.f32 v40, $0.0e+00  }
0x15e: {  	v40 =	vsel vm9, v40, v41  }
0x15f: {  	v40 =	vmul.f32 $1.442695020e+00, v40;
	_ =	sdelay $0x1  }
0x160: {  	(erf) = vpow2.f32 v40;
	_ =	sdelay $0x8  }
0x161: {  	v40 =	vpop (erf)  }
0x162: {  	[tilespmem:v27+s20+$0x0] =	vst.idx.msk $0xffff, v40  }
0x163: {  	v40 =	vld.idx.msk [tilespmem:v28+s16+$0x0], $0xffff  }
0x164: {  	v58 =	vld.idx.msk [tilespmem:v28+s17+$0x0], $0xffff;
	_ =	sdelay $0x4  }
0x165: {  	v40 =	vadd.f32 v58, v40;
	_ =	sdelay $0x1  }
0x166: {  	v41 =	vmul.f32 $2.000000030e-01, v40  }
0x167: {  	vm10 =	vge.f32 v40, $0.0e+00  }
0x168: {  	v40 =	vsel vm10, v40, v41  }
0x169: {  	v40 =	vmul.f32 $1.442695020e+00, v40;
	_ =	sdelay $0x1  }
0x16a: {  	(erf) = vpow2.f32 v40;
	_ =	sdelay $0x8  }
0x16b: {  	v40 =	vpop (erf)  }
0x16c: {  	[tilespmem:v29+s20+$0x0] =	vst.idx.msk $0xffff, v40  }
0x16d: {  	v40 =	vld.idx.msk [tilespmem:v30+s16+$0x0], $0xffff  }
0x16e: {  	v59 =	vld.idx.msk [tilespmem:v30+s17+$0x0], $0xffff;
	_ =	sdelay $0x4  }
0x16f: {  	v40 =	vadd.f32 v59, v40;
	_ =	sdelay $0x1  }
0x170: {  	v41 =	vmul.f32 $2.000000030e-01, v40  }
0x171: {  	vm11 =	vge.f32 v40, $0.0e+00  }
0x172: {  	v40 =	vsel vm11, v40, v41  }
0x173: {  	v40 =	vmul.f32 $1.442695020e+00, v40;
	_ =	sdelay $0x1  }
0x174: {  	(erf) = vpow2.f32 v40;
	_ =	sdelay $0x8  }
0x175: {  	v40 =	vpop (erf)  }
0x176: {  	[tilespmem:v31+s20+$0x0] =	vst.idx.msk $0xffff, v40  }
0x177: {  	v40 =	vld.idx.msk [tilespmem:v32+s16+$0x0], $0xffff  }
0x178: {  	v60 =	vld.idx.msk [tilespmem:v32+s17+$0x0], $0xffff;
	_ =	sdelay $0x4  }
0x179: {  	v40 =	vadd.f32 v60, v40;
	_ =	sdelay $0x1  }
0x17a: {  	v41 =	vmul.f32 $2.000000030e-01, v40  }
0x17b: {  	vm12 =	vge.f32 v40, $0.0e+00  }
0x17c: {  	v40 =	vsel vm12, v40, v41  }
0x17d: {  	v40 =	vmul.f32 $1.442695020e+00, v40;
	_ =	sdelay $0x1  }
0x17e: {  	(erf) = vpow2.f32 v40;
	_ =	sdelay $0x8  }
0x17f: {  	v40 =	vpop (erf)  }
0x180: {  	[tilespmem:v33+s20+$0x0] =	vst.idx.msk $0xffff, v40  }
0x181: {  	v40 =	vld.idx.msk [tilespmem:v34+s16+$0x0], $0xffff  }
0x182: {  	v61 =	vld.idx.msk [tilespmem:v34+s17+$0x0], $0xffff;
	_ =	sdelay $0x4  }
0x183: {  	v40 =	vadd.f32 v61, v40;
	_ =	sdelay $0x1  }
0x184: {  	v41 =	vmul.f32 $2.000000030e-01, v40  }
0x185: {  	vm13 =	vge.f32 v40, $0.0e+00  }
0x186: {  	v40 =	vsel vm13, v40, v41  }
0x187: {  	v40 =	vmul.f32 $1.442695020e+00, v40;
	_ =	sdelay $0x1  }
0x188: {  	(erf) = vpow2.f32 v40;
	_ =	sdelay $0x8  }
0x189: {  	v40 =	vpop (erf)  }
0x18a: {  	[tilespmem:v35+s20+$0x0] =	vst.idx.msk $0xffff, v40  }
0x18b: {  	v40 =	vld.idx.msk [tilespmem:v36+s16+$0x0], $0xffff  }
0x18c: {  	v62 =	vld.idx.msk [tilespmem:v36+s17+$0x0], $0xffff;
	_ =	sdelay $0x4  }
0x18d: {  	v40 =	vadd.f32 v62, v40;
	_ =	sdelay $0x1  }
0x18e: {  	v41 =	vmul.f32 $2.000000030e-01, v40  }
0x18f: {  	vm14 =	vge.f32 v40, $0.0e+00  }
0x190: {  	v40 =	vsel vm14, v40, v41  }
0x191: {  	v40 =	vmul.f32 $1.442695020e+00, v40;
	_ =	sdelay $0x1  }
0x192: {  	(erf) = vpow2.f32 v40;
	_ =	sdelay $0x8  }
0x193: {  	v40 =	vpop (erf)  }
0x194: {  	[tilespmem:v37+s20+$0x0] =	vst.idx.msk $0xffff, v40  }
0x195: {  	v40 =	vld.idx.msk [tilespmem:v38+s16+$0x0], $0xffff  }
0x196: {  	v63 =	vld.idx.msk [tilespmem:v38+s17+$0x0], $0xffff;
	_ =	sdelay $0x4  }
0x197: {  	v40 =	vadd.f32 v63, v40;
	_ =	sdelay $0x1  }
0x198: {  	v41 =	vmul.f32 $2.000000030e-01, v40  }
0x199: {  	vm15 =	vge.f32 v40, $0.0e+00  }
0x19a: {  	v40 =	vsel vm15, v40, v41  }
0x19b: {  	v40 =	vmul.f32 $1.442695020e+00, v40;
	_ =	sdelay $0x1  }
0x19c: {  	(erf) = vpow2.f32 v40;
	_ =	sdelay $0x8  }
0x19d: {  	v40 =	vpop (erf)  }
0x19e: {  	[tilespmem:v39+s20+$0x0] =	vst.idx.msk $0xffff, v40  }
0x19f: {  	[hbm4b:s22+s3] =	stream.linear.scatter [tilespmem:s20], [sflag:$0x3], $0x280, $0x38;
	[tilespmem:$0x1720] =	vst v63  }
0x1a0: {  	_ =	swait.ge [sflag:s14], $0x280  }
0x1a1: {  	p0 =	sne.s32 s23, $0x9BA;
	[sflag:s14] =	ssyncset.done $0x0  }
.Ltmp0:
0x1a2: {  	[sflag:s14] =	ssyncadd.s32 $0xFFFFFD80;
	(pc) =	sbr.rel @p0 .LBB2_2-.Ltmp0, $4  }
0x1a3: {  	[spmem:s2] =	stream.indirect.scatter.add.f32 [tilespmem:s20], [sflag:$0x3], $0x4, s15, s15, $0xb8;
	[tilespmem:$0x1720] =	vst v63  }
0x1a4: {  	_ =	swait.ge [sflag:s14], $0x140  }
0x1a5: {  	[sflag:s14] =	ssyncset.done $0x0  }
0x1a6: {  	s23 =	sadd.s32 $0xA, s23;
	s22 =	sadd.s32 $0x50, s22;
	[sflag:s14] =	ssyncadd.s32 $0xFFFFFEC0  }
0x1a7: {  	s21 =	sadd.s32 $0x1, s21  }
0x1a8: {  	p0 =	sne.s32 s21, s9  }
.Ltmp1:
0x1a9: {  	[bflag:$0x0] =	sbarrier.arrive $0xFFFF;
	(pc) =	sbr.rel @p0 .LBB2_1-.Ltmp1, $4  }
0x1aa: {  	[hbm:s8], [sflag:s7] =	dma.local [spmem:s13], $0x280  }
0x1ab: {  	_ =	swait.ge [sflag:s14], $0x280  }
0x1ac: {  	[sflag:s14] =	ssyncset.done $0x0  }
0x1ad: {  	[sflag:s14] =	ssyncadd.s32 $0xFFFFFD80  }
0x1ae: {  	_ =	sfence.sel $0x180000  }
0x1af: {  	[bflag:$0x0] =	sbarrier.arrive $0xFFFF  }
0x1b0: {  	p0 =	sne.s32 s0, $0x0;
	_ =	strace $0x90000047  }
0x1b1: {  	s0 =	sadd.s32 @!p0 $0x100000, s1;
	[bflag:$0x2] =	sbarrier.arrive $0xFFFF  }
0x1b2: {  	[sflag:s0] =	ssyncadd.tile.s32 @!p0 $0x1;
	_ =	shalt  }
.Lfunc_end2:
_tile_overlayer_lowered:
.L_overlay_start_2:
0x1b3: {  	(tag) =	ssettag $0x2  }
0x1b4: {  	s0 =	rddreg [dreg:$0x0];
	s2 =	stileid.u32  }
0x1b5: {  	s1 =	rddreg [dreg:$0x1];
	p0 =	sne.s32 s2, $0x0  }
0x1b6: {  	s3 =	rddreg [dreg:$0x2];
	[bflag:$0x3] =	sbarrier.arrive $0xFFFF;
	s2 =	simm.s32 @!p0 $0x1C03  }
0x1b7: {  	[timem:s3], [sflag:s2] =	dma.local @!p0 [hbm:s0], s1  }
0x1b8: {  	s0 =	simm.s32 @!p0 $0x3  }
0x1b9: {  	_ =	swait.ge @!p0 [sflag:s0], s1  }
0x1ba: {  	s1 =	ssub.s32 @!p0 $0x0, s1;
	[sflag:s0] =	ssyncset.done @!p0 $0x0  }
0x1bb: {  	[sflag:s0] =	ssyncadd.s32 @!p0 s1  }
0x1bc: {  	[bflag:$0x3] =	sbarrier.arrive $0xFFFF  }
0x1bd: {  	_ =	shalt  }

// kernel: kernel.9.cloned.1.call-start
scs
__scs_entry_jumppad:
0x0: {  	(pc) =	sbr.rel $0x88, $3  }
0x1: {  	(tag) =	ssettag $0x0;
	lr =	simm.s32 $0x1  }
0x2: {  	[smem:$0x3F9C] =	sst lr;
	_ =	strace $0xD0000000  }
0x3: {  	_ = 	snop  }
0x4: {  	_ = 	snop  }
0x5: {  	_ = 	snop  }
0x6: {  	_ = 	snop  }
0x7: {  	_ = 	snop  }
__scs_overlays_trampoline_lowered:
0x8: {  	[smem:$0x3FAB] =	sst s0  }
0x9: {  	[smem:$0x3FAC] =	sst s1  }
0xa: {  	[smem:$0x3FAD] =	sst s2  }
0xb: {  	[smem:$0x3FAE] =	sst s3  }
0xc: {  	[smem:$0x3FAF] =	sst s4  }
0xd: {  	[smem:$0x3FB0] =	sst s5  }
0xe: {  	[smem:$0x3FB1] =	sst s6  }
0xf: {  	[smem:$0x3FB2] =	sst s7  }
0x10: {  	[smem:$0x3FB3] =	sst s8  }
0x11: {  	[smem:$0x3FB4] =	sst s9;
	s0 =	simm.s32 @!p0 $0x0  }
0x12: {  	s1 =	sld [smem:$0x3F9A];
	s0 =	simm.s32 @p0 $0x1  }
0x13: {  	[smem:$0x3FB5] =	sst s0;
	s0 =	simm.s32 @!p1 $0x0  }
0x14: {  	s2 =	sld [smem:$0x3F99];
	s0 =	simm.s32 @p1 $0x1  }
0x15: {  	[smem:$0x3FB6] =	sst s0;
	s0 =	simm.s32 @!p2 $0x0  }
0x16: {  	s3 =	sld [smem:$0x3FDB];
	s0 =	simm.s32 @p2 $0x1  }
0x17: {  	s4 =	simm.s32 $0x1BF5;
	[smem:$0x3FB8] =	sst s0  }
0x18: {  	s0 =	sld [smem:$0x3F9B];
	_ =	swait.ge [sflag:s4], $0x0  }
0x19: {  	s7 =	sld [smem:$0x3F9C]  }
0x1a: {  	s8 =	sadd.s32 $0xFFFFE003, lr  }
0x1b: {  	s9 =	sadd.s32 $0xFFFFFEF7, lr;
	s5 =	simm.s32 $0xFFFFFFFF;
	p2 =	slt.u32 s8, $0xFFFFF086  }
0x1c: {  	p1 =	slt.u32 s9, $0xF7A;
	s5 =	simm.s32 @!p2 $0x0  }
0x1d: {  	s5 =	simm.s32 @p1 $0x1;
	p0 =	seq.s32 s7, s2  }
0x1e: {  	s7 =	smul.u32 @!p0 $0xF7A, s2;
	p2 =	seq.s32 @!p0 s5, $0x0  }
0x1f: {  	s9 =	smul.u32 $0xF7A, s1;
	s8 =	simm.s32 @!p0 $0x1BF5;
	p2 =	por !p2, p0  }
0x20: {  	[sflag:s8] =	ssyncset.s32 @!p0 $0xFFFFF086;
	s6 =	sadd.s32 @!p0 s3, s7;
	s7 =	simm.s32 @!p0 $0x108  }
0x21: {  	s3 =	sadd.s32 s3, s9;
	s6 =	sadd.s32 @!p0 $0x88, s6;
	s7 =	simm.s32 @p2 $0x1082  }
0x22: {  	[simem:s7], [sflag:s8] =	dma.local @!p0 [hbm:s6], $0xF7A  }
0x23: {  	s9 =	sor.u32 $0xD0000000, s2;
	s6 =	simm.s32 $0x108;
	_ =	swait.ge @!p0 [sflag:s8], $0x0  }
0x24: {  	s3 =	sadd.s32 $0x88, s3;
	s6 =	simm.s32 @!p1 $0x1082;
	[sflag:s4] =	ssyncset.s32 $0xFFFFF086  }
0x25: {  	[simem:s6], [sflag:s4] =	dma.local [hbm:s3], $0xF7A  }
0x26: {  	[smem:$0x3F9C] =	sst s1;
	(tag) =	ssettag s2;
	_ =	strace s9  }
0x27: {  	s1 =	sld [smem:$0x3FAC]  }
0x28: {  	s2 =	sld [smem:$0x3FAD]  }
0x29: {  	s4 =	sld [smem:$0x3FAF]  }
0x2a: {  	p0 =	seq.s32 s5, $0x0;
	s5 =	sld [smem:$0x3FB0]  }
0x2b: {  	s6 =	sld [smem:$0x3FB1]  }
0x2c: {  	s7 =	sld [smem:$0x3FB2]  }
0x2d: {  	s3 =	simm.s32 $0x108;
	s8 =	sld [smem:$0x3FB3]  }
0x2e: {  	s3 =	simm.s32 @!p0 $0x1082;
	s9 =	sld [smem:$0x3FB4]  }
0x2f: {  	lr =	sadd.s32 s0, s3;
	s0 =	sld [smem:$0x3FAB]  }
0x30: {  	s3 =	sld [smem:$0x3FAE]  }
0x31: {  	[smem:$0x3FB7] =	sst s10  }
0x32: {  	s10 =	sld [smem:$0x3FB5];
	_ =	sdelay $0x3  }
0x33: {  	p0 =	seq.s32 s10, $0x1;
	s10 =	sld [smem:$0x3FB7];
	_ =	sdelay $0x3  }
0x34: {  	[smem:$0x3FB7] =	sst s10  }
0x35: {  	s10 =	sld [smem:$0x3FB6];
	_ =	sdelay $0x3  }
0x36: {  	p1 =	seq.s32 s10, $0x1;
	s10 =	sld [smem:$0x3FB7];
	_ =	sdelay $0x3  }
0x37: {  	[smem:$0x3FB7] =	sst s10  }
0x38: {  	s10 =	sld [smem:$0x3FB8]  }
0x39: {  	_ = 	snop;
	(pc) =	sbr.ind lr, $3  }
0x3a: {  	_ = 	snop  }
0x3b: {  	_ = 	snop  }
0x3c: {  	p2 =	seq.s32 s10, $0x1;
	s10 =	sld [smem:$0x3FB7]  }
0x3d: {  	_ =	shalt  }
0x3e: {  	_ =	shalt  }
0x3f: {  	_ =	shalt  }
0x40: {  	_ =	shalt  }
0x41: {  	_ =	shalt  }
0x42: {  	_ =	shalt  }
0x43: {  	_ =	shalt  }
0x44: {  	_ =	shalt  }
0x45: {  	_ =	shalt  }
0x46: {  	_ =	shalt  }
0x47: {  	_ =	shalt  }
0x48: {  	_ =	shalt  }
0x49: {  	_ =	shalt  }
0x4a: {  	_ =	shalt  }
0x4b: {  	_ =	shalt  }
0x4c: {  	_ =	shalt  }
0x4d: {  	_ =	shalt  }
0x4e: {  	_ =	shalt  }
0x4f: {  	_ =	shalt  }
0x50: {  	_ =	shalt  }
0x51: {  	_ =	shalt  }
0x52: {  	_ =	shalt  }
0x53: {  	_ =	shalt  }
0x54: {  	_ =	shalt  }
0x55: {  	_ =	shalt  }
0x56: {  	_ =	shalt  }
0x57: {  	_ =	shalt  }
0x58: {  	_ =	shalt  }
0x59: {  	_ =	shalt  }
0x5a: {  	_ =	shalt  }
0x5b: {  	_ =	shalt  }
0x5c: {  	_ =	shalt  }
0x5d: {  	_ =	shalt  }
0x5e: {  	_ =	shalt  }
0x5f: {  	_ =	shalt  }
0x60: {  	_ =	shalt  }
0x61: {  	_ =	shalt  }
0x62: {  	_ =	shalt  }
0x63: {  	_ =	shalt  }
0x64: {  	_ =	shalt  }
0x65: {  	_ =	shalt  }
0x66: {  	_ =	shalt  }
0x67: {  	_ =	shalt  }
0x68: {  	_ =	shalt  }
0x69: {  	_ =	shalt  }
0x6a: {  	_ =	shalt  }
0x6b: {  	_ =	shalt  }
0x6c: {  	_ =	shalt  }
0x6d: {  	_ =	shalt  }
0x6e: {  	_ =	shalt  }
0x6f: {  	_ =	shalt  }
0x70: {  	_ =	shalt  }
0x71: {  	_ =	shalt  }
0x72: {  	_ =	shalt  }
0x73: {  	_ =	shalt  }
0x74: {  	_ =	shalt  }
0x75: {  	_ =	shalt  }
0x76: {  	_ =	shalt  }
0x77: {  	_ =	shalt  }
0x78: {  	_ =	shalt  }
0x79: {  	_ =	shalt  }
0x7a: {  	_ =	shalt  }
0x7b: {  	_ =	shalt  }
0x7c: {  	_ =	shalt  }
0x7d: {  	_ =	shalt  }
0x7e: {  	_ =	shalt  }
0x7f: {  	_ =	shalt  }
0x80: {  	_ =	shalt  }
0x81: {  	_ =	shalt  }
0x82: {  	_ =	shalt  }
0x83: {  	_ =	shalt  }
0x84: {  	_ =	shalt  }
0x85: {  	_ =	shalt  }
0x86: {  	_ =	shalt  }
0x87: {  	_ =	shalt  }
.Lfunc_end0:
.L_simem_size_0:
called_computation.1_lowered:
.L_overlay_start_0:
0x88: {  	s2 =	sld [smem:$0x3FD9]  }
0x89: {  	s3 =	sld [smem:$0x3FFE];
	_ =	sdelay $0x1  }
0x8a: {  	s1 =	srdreg.scid  }
0x8b: {  	s0 =	sand.u32 $0x1, s1  }
0x8c: {  	s17 =	sshll.u32 s0, $0xA;
	s2 =	sadd.s32 s3, s2  }
0x8d: {  	s2 =	sadd.s32 s2, s17  }
0x8e: {  	[smem:$0x3FC3] =	sst s2  }
0x8f: {  	_ = 	snop  }
0x90: {  	s2 =	sld [smem:$0x3FD0];
	(tm) =	ssettm $0x1  }
0x91: {  	s18 =	sld [smem:$0x3FFB];
	_ =	sdelay $0x3  }
0x92: {  	_ =	strace s18  }
0x93: {  	s3 =	sld [smem:$0x3FFC];
	_ =	sdelay $0x3  }
0x94: {  	_ =	strace s3  }
0x95: {  	s3 =	sld [smem:$0x3FFD];
	_ =	sdelay $0x3  }
0x96: {  	_ =	strace s3  }
0x97: {  	_ =	strace $0x8FFFFFFF  }
0x98: {  	s19 =	sld [smem:$0x3FDB];
	_ =	sdelay $0x1  }
0x99: {  	s4 =	simm.s32 $_scs_section_size  }
0x9a: {  	s5 =	simm.s32 $_size__tile_overlayer_lowered;
	s6 =	simm.s32 $_tile_overlayer_lowered  }
0x9b: {  	s22 =	simm.s32 $0x1BFF;
	s21 =	sshll.u32 s6, $0x1;
	s3 =	sadd.s32 s4, s19  }
0x9c: {  	s7 =	simm.s32 $0x0;
	s20 =	sshll.u32 s5, $0x1;
	s5 =	sadd.s32 s21, s3  }
0x9d: {  	[timem:s7], [sflag:s22] =	dma.local [hbm:s5], s20  }
0x9e: {  	_ =	swait.ge [sflag:s22], s20  }
0x9f: {  	s4 =	ssub.s32 $0x0, s20;
	[sflag:s22] =	ssyncset.done $0x0  }
0xa0: {  	[sflag:s22] =	ssyncadd.s32 s4;
	_ =	sdelay $0x1  }
0xa1: {  	s23 =	simm.s32 $0x1B8B  }
0xa2: {  	_ =	swait.ge [sflag:s23], $0x1  }
0xa3: {  	[sflag:s23] =	ssyncset.done $0x0  }
0xa4: {  	s25 =	simm.s32 $0x1B8E;
	s24 =	sld [smem:$0x3FFE];
	[sflag:s23] =	ssyncadd.s32 $0xFFFFFFFF  }
0xa5: {  	s26 =	simm.s32 $execute0_lowered;
	[smem:$0x3FD2] =	sst s25  }
0xa6: {  	s5 =	sshll.u32 s26, $0x1;
	_ =	strace $0x80000049;
	[dreg:$0x1] =	wrdreg $0xFFFFFFFF  }
0xa7: {  	s28 =	simm.s32 $_size_execute0_lowered;
	s3 =	sadd.s32 s3, s5;
	[dreg:$0x0] =	wrdreg $0x0  }
0xa8: {  	s5 =	sshll.u32 s28, $0x1;
	[dreg:$0x2] =	wrdreg s3  }
0xa9: {  	[dreg:$0x3] =	wrdreg s5  }
0xaa: {  	[dreg:$0x4] =	wrdreg $0xC0  }
0xab: {  	_ =	task [dreg:s7], $0x5FFFF  }
0xac: {  	[dreg:$0x1] =	wrdreg $0xFFFFFFFF  }
0xad: {  	[dreg:$0x0] =	wrdreg $0x60  }
0xae: {  	[dreg:$0x2] =	wrdreg s24  }
0xaf: {  	[dreg:$0x3] =	wrdreg s2  }
0xb0: {  	[dreg:$0x4] =	wrdreg $0x58200  }
0xb1: {  	[dreg:$0x5] =	wrdreg $0x62200  }
0xb2: {  	[dreg:$0x6] =	wrdreg $0x9  }
0xb3: {  	_ =	task.clear_ibuf [dreg:s7], $0x7FFFF;
	_ =	strace $0x90000049  }
0xb4: {  	s29 =	simm.s32 $0x9;
	_ =	strace $0x8000004B  }
0xb5: {  	_ =	swait.ge [sflag:s29], $0x1  }
0xb6: {  	[sflag:s29] =	ssyncadd.s32 $0xFFFFFFFF  }
0xb7: {  	_ =	strace $0x9000004B  }
0xb8: {  	_ =	sfence  }
0xb9: {  	s30 =	sld [smem:$0x0];
	_ =	sdelay $0x2  }
0xba: {  	s31 =	sshll.u32 s1, $0xD;
	s1 =	sshrl.u32 s1, $0x2  }
0xbb: {  	s3 =	sand.u32 $0x4000, s31;
	s1 =	sadd.s32 s1, s30  }
0xbc: {  	s0 =	sor.u32 s3, s0;
	s1 =	sshll.u32 s1, $0x11  }
0xbd: {  	s0 =	sor.u32 s1, s0  }
0xbe: {  	s0 =	sadd.s32 $0x8F2B, s0  }
0xbf: {  	[sflag:s0] =	ssyncadd.remote.s32 $0x1  }
0xc0: {  	_ =	sfence.sel $0xFFFF  }
0xc1: {  	[dreg:$0x0] =	wrdreg $0xFFFFFFFF;
	(pc) =	sbr.abs _section_cstart, $3  }
0xc2: {  	[dreg:$0x1] =	wrdreg $0xFFFFFFFF  }
0xc3: {  	_ =	task.clear_ibuf [dreg:s7], $0x2FFFF;
	_ =	strace $0x9FFFFFFF  }
0xc4: {  	(tm) =	ssettm $0x7FFFFFFF  }
0xc5: {  	_ =	shalt  }
tec
execute0_lowered:
.L_overlay_start_1:
0x0: {  	(tag) =	ssettag $0x1  }
0x1: {  	v0 =	vlaneseq.u32  }
0x2: {  	v2 =	vimm.s32 $0xBA983210;
	v3 =	vimm.s32 $0x13121110;
	v4 =	vimm.s32 $0x1B1A1918  }
0x3: {  	v5 =	vimm.s32 $0x33323130;
	vm0 =	vcmask $0x1F10;
	v7 =	vimm.s32 $0x23222120  }
0x4: {  	v8 =	vimm.s32 $0x2B2A2928;
	v10 =	vimm.s32 $0x73727170;
	v11 =	vimm.s32 $0x7B7A7978  }
0x5: {  	v12 =	vimm.s32 $0x83828180;
	v13 =	vimm.s32 $0x8B8A8988;
	v14 =	vimm.s32 $0xB3B2B1B0  }
0x6: {  	v15 =	vimm.s32 $0xBBBAB9B8;
	v16 =	vimm.s32 $0xA3A2A1A0;
	v17 =	vimm.s32 $0xABAAA9A8  }
0x7: {  	vm14 =	vcmask $0x300;
	vm13 =	vcmask $0x704;
	vm12 =	vcmask $0xB08  }
0x8: {  	vm11 =	vcmask $0xF0C;
	vm10 =	vcmask $0x1310;
	vm9 =	vcmask $0x1714  }
0x9: {  	vm8 =	vcmask $0x1B18;
	vm7 =	vcmask $0x1F1C;
	vm15 =	vcmask $0x2320  }
0xa: {  	vm1 =	vcmask $0x2724;
	vm2 =	vcmask $0x2B28;
	vm3 =	vcmask $0x2F2C  }
0xb: {  	vm4 =	vcmask $0x3330;
	vm5 =	vcmask $0x3734;
	vm6 =	vcmask $0x3B38  }
0xc: {  	v18 =	vimm.s32 $0x1FB;
	v19 =	vimm.s32 $0x21B;
	v20 =	vimm.s32 $0x23B  }
0xd: {  	v21 =	vimm.s32 $0x25B;
	v22 =	vimm.s32 $0x27B;
	v1 =	vshrl.u32 v0, $0x2  }
0xe: {  	v2 =	vunpack.c.l.s4.s8 v2;
	v3 =	vunpack.c.0.s8.s32 v3;
	v4 =	vunpack.c.0.s8.s32 v4  }
0xf: {  	v5 =	vunpack.c.0.s8.s32 v5;
	v7 =	vunpack.c.0.s8.s32 v7;
	v8 =	vunpack.c.0.s8.s32 v8  }
0x10: {  	v10 =	vunpack.c.0.s8.s32 v10;
	v11 =	vunpack.c.0.s8.s32 v11;
	v12 =	vunpack.c.0.s8.s32 v12  }
0x11: {  	v13 =	vunpack.c.0.s8.s32 v13;
	v14 =	vunpack.c.0.s8.s32 v14;
	v15 =	vunpack.c.0.s8.s32 v15  }
0x12: {  	v16 =	vunpack.c.0.s8.s32 v16;
	v17 =	vunpack.c.0.s8.s32 v17;
	v18 =	vsel vm14, $0x1E0, v18  }
0x13: {  	v19 =	vsel vm14, $0x200, v19;
	v20 =	vsel vm14, $0x220, v20;
	v21 =	vsel vm14, $0x240, v21  }
0x14: {  	v22 =	vsel vm14, $0x260, v22;
	v23 =	vor.u32 $0x10, v0;
	v24 =	vor.u32 $0x20, v0  }
0x15: {  	v25 =	vor.u32 $0x30, v0;
	v26 =	vor.u32 $0x40, v0;
	v27 =	vor.u32 $0x50, v0  }
0x16: {  	v28 =	vor.u32 $0x60, v0;
	v29 =	vor.u32 $0x70, v0;
	v1 =	vmul.u32 $0x8, v1  }
0x17: {  	v18 =	vsel vm13, $0x1E1, v18;
	v19 =	vsel vm13, $0x201, v19;
	v20 =	vsel vm13, $0x221, v20  }
0x18: {  	v21 =	vsel vm13, $0x241, v21;
	v22 =	vsel vm13, $0x261, v22;
	v6 =	vunpack.c.0.s8.s32 v2  }
0x19: {  	v2 =	vimm.s32 $0x3B3A3938;
	v3 =	vsel vm0, v4, v3;
	v18 =	vsel vm12, $0x1E2, v18  }
0x1a: {  	v19 =	vsel vm12, $0x202, v19;
	v20 =	vsel vm12, $0x222, v20;
	v21 =	vsel vm12, $0x242, v21  }
0x1b: {  	v22 =	vsel vm12, $0x262, v22;
	v9 =	vunpack.c.0.s8.s32 v2;
	v2 =	vand.u32 $0x3, v0  }
0x1c: {  	v18 =	vsel vm11, $0x1E3, v18;
	v19 =	vsel vm11, $0x203, v19;
	v20 =	vsel vm11, $0x223, v20  }
0x1d: {  	v21 =	vsel vm11, $0x243, v21;
	v22 =	vsel vm11, $0x263, v22;
	v4 =	vand.u32 $0xF, v6  }
0x1e: {  	v6 =	vimm.s32 $0x53525150;
	v18 =	vsel vm10, $0x1E8, v18;
	v19 =	vsel vm10, $0x208, v19  }
0x1f: {  	v20 =	vsel vm10, $0x228, v20;
	v21 =	vsel vm10, $0x248, v21;
	v22 =	vsel vm10, $0x268, v22  }
0x20: {  	v3 =	vcombine.low v4, v3;
	v4 =	vsel vm0, v9, v5;
	v5 =	vsel vm0, v8, v7  }
0x21: {  	v7 =	vimm.s32 $0x5B5A5958;
	v8 =	vimm.s32 $0x43424140;
	v6 =	vunpack.c.0.s8.s32 v6  }
0x22: {  	v9 =	vimm.s32 $0x4B4A4948;
	v18 =	vsel vm9, $0x1E9, v18;
	v19 =	vsel vm9, $0x209, v19  }
0x23: {  	v20 =	vsel vm9, $0x229, v20;
	v21 =	vsel vm9, $0x249, v21;
	v22 =	vsel vm9, $0x269, v22  }
0x24: {  	v7 =	vunpack.c.0.s8.s32 v7;
	v8 =	vunpack.c.0.s8.s32 v8;
	v9 =	vunpack.c.0.s8.s32 v9  }
0x25: {  	v4 =	vcombine.low v5, v4;
	v18 =	vsel vm8, $0x1EA, v18;
	v19 =	vsel vm8, $0x20A, v19  }
0x26: {  	v20 =	vsel vm8, $0x22A, v20;
	v21 =	vsel vm8, $0x24A, v21;
	v22 =	vsel vm8, $0x26A, v22  }
0x27: {  	v18 =	vsel vm7, $0x1EB, v18;
	v19 =	vsel vm7, $0x20B, v19;
	v20 =	vsel vm7, $0x22B, v20  }
0x28: {  	v21 =	vsel vm7, $0x24B, v21;
	v22 =	vsel vm7, $0x26B, v22;
	v5 =	vsel vm0, v7, v6  }
0x29: {  	v6 =	vimm.s32 $0x63626160;
	v7 =	vsel vm0, v9, v8;
	v8 =	vsel vm0, v11, v10  }
0x2a: {  	v9 =	vimm.s32 $0x6B6A6968;
	v10 =	vimm.s32 $0x93929190;
	v11 =	vimm.s32 $0x9B9A9998  }
0x2b: {  	v18 =	vsel vm15, $0x1F0, v18;
	v19 =	vsel vm15, $0x210, v19;
	v20 =	vsel vm15, $0x230, v20  }
0x2c: {  	v21 =	vsel vm15, $0x250, v21;
	v22 =	vsel vm15, $0x270, v22;
	v6 =	vunpack.c.0.s8.s32 v6  }
0x2d: {  	v9 =	vunpack.c.0.s8.s32 v9;
	v10 =	vunpack.c.0.s8.s32 v10;
	v11 =	vunpack.c.0.s8.s32 v11  }
0x2e: {  	v5 =	vcombine.low v7, v5;
	v18 =	vsel vm1, $0x1F1, v18;
	v19 =	vsel vm1, $0x211, v19  }
0x2f: {  	v20 =	vsel vm1, $0x231, v20;
	v21 =	vsel vm1, $0x251, v21;
	v22 =	vsel vm1, $0x271, v22  }
0x30: {  	v18 =	vsel vm2, $0x1F2, v18;
	v19 =	vsel vm2, $0x212, v19;
	v20 =	vsel vm2, $0x232, v20  }
0x31: {  	v21 =	vsel vm2, $0x252, v21;
	v22 =	vsel vm2, $0x272, v22;
	v6 =	vsel vm0, v9, v6  }
0x32: {  	v9 =	vsel vm0, v11, v10;
	v10 =	vsel vm0, v13, v12;
	v11 =	vsel vm0, v15, v14  }
0x33: {  	v12 =	vsel vm0, v17, v16;
	v13 =	vimm.s32 $0xD3D2D1D0;
	v14 =	vimm.s32 $0xCBCAC9C8  }
0x34: {  	v15 =	vimm.s32 $0x19B;
	v16 =	vimm.s32 $0x1BB;
	v17 =	vimm.s32 $0x1DB  }
0x35: {  	v18 =	vsel vm3, $0x1F3, v18;
	v19 =	vsel vm3, $0x213, v19;
	v20 =	vsel vm3, $0x233, v20  }
0x36: {  	v21 =	vsel vm3, $0x253, v21;
	v22 =	vsel vm3, $0x273, v22;
	v9 =	vcombine.low v10, v9  }
0x37: {  	v10 =	vcombine.low v12, v11;
	v11 =	vunpack.c.0.s8.s32 v13;
	v12 =	vimm.s32 $0xDBDAD9D8  }
0x38: {  	v13 =	vimm.s32 $0xC3C2C1C0;
	v14 =	vunpack.c.0.s8.s32 v14;
	v6 =	vcombine.low v6, v8  }
0x39: {  	v15 =	vsel vm14, $0x180, v15;
	v16 =	vsel vm14, $0x1A0, v16;
	v17 =	vsel vm14, $0x1C0, v17  }
0x3a: {  	v18 =	vsel vm4, $0x1F8, v18;
	v19 =	vsel vm4, $0x218, v19;
	v20 =	vsel vm4, $0x238, v20  }
0x3b: {  	v21 =	vsel vm4, $0x258, v21;
	v22 =	vsel vm4, $0x278, v22;
	v12 =	vunpack.c.0.s8.s32 v12  }
0x3c: {  	v13 =	vunpack.c.0.s8.s32 v13;
	v15 =	vsel vm13, $0x181, v15;
	v16 =	vsel vm13, $0x1A1, v16  }
0x3d: {  	v17 =	vsel vm13, $0x1C1, v17;
	v18 =	vsel vm5, $0x1F9, v18;
	v19 =	vsel vm5, $0x219, v19  }
0x3e: {  	v20 =	vsel vm5, $0x239, v20;
	v21 =	vsel vm5, $0x259, v21;
	v22 =	vsel vm5, $0x279, v22  }
0x3f: {  	v7 =	vand.u32 $0xFF, v9;
	v8 =	vand.u32 $0xFF, v10;
	v15 =	vsel vm12, $0x182, v15  }
0x40: {  	v16 =	vsel vm12, $0x1A2, v16;
	v17 =	vsel vm12, $0x1C2, v17;
	v18 =	vsel vm6, $0x1FA, v18  }
0x41: {  	v19 =	vsel vm6, $0x21A, v19;
	v20 =	vsel vm6, $0x23A, v20;
	v21 =	vsel vm6, $0x25A, v21  }
0x42: {  	v22 =	vsel vm6, $0x27A, v22;
	v9 =	vsel vm0, v12, v11;
	v10 =	vsel vm0, v14, v13  }
0x43: {  	v11 =	vimm.s32 $0xFBFAF9F8;
	v12 =	vimm.s32 $0xE3E2E1E0;
	v13 =	vimm.s32 $0x11B  }
0x44: {  	v14 =	vimm.s32 $0xEBEAE9E8;
	v15 =	vsel vm11, $0x183, v15;
	v16 =	vsel vm11, $0x1A3, v16  }
0x45: {  	v17 =	vsel vm11, $0x1C3, v17;
	v9 =	vcombine.low v10, v9;
	v10 =	vimm.s32 $0xF3F2F1F0  }
0x46: {  	v11 =	vunpack.c.0.s8.s32 v11;
	v12 =	vunpack.c.0.s8.s32 v12;
	v13 =	vsel vm14, $0x100, v13  }
0x47: {  	v14 =	vunpack.c.0.s8.s32 v14;
	v15 =	vsel vm10, $0x188, v15;
	v16 =	vsel vm10, $0x1A8, v16  }
0x48: {  	v17 =	vsel vm10, $0x1C8, v17;
	v10 =	vunpack.c.0.s8.s32 v10;
	v13 =	vsel vm13, $0x101, v13  }
0x49: {  	v15 =	vsel vm9, $0x189, v15;
	v16 =	vsel vm9, $0x1A9, v16;
	v17 =	vsel vm9, $0x1C9, v17  }
0x4a: {  	v12 =	vsel vm0, v14, v12;
	v9 =	vand.u32 $0xFF, v9;
	v14 =	vimm.s32 $0x17B  }
0x4b: {  	v15 =	vsel vm8, $0x18A, v15;
	v16 =	vsel vm8, $0x1AA, v16;
	v17 =	vsel vm8, $0x1CA, v17  }
0x4c: {  	v10 =	vsel vm0, v11, v10;
	v11 =	vsel vm12, $0x102, v13;
	v13 =	vimm.s32 $0x15B  }
0x4d: {  	v14 =	vsel vm14, $0x160, v14;
	v15 =	vsel vm7, $0x18B, v15;
	v16 =	vsel vm7, $0x1AB, v16  }
0x4e: {  	v17 =	vsel vm7, $0x1CB, v17;
	v11 =	vsel vm11, $0x103, v11;
	v10 =	vcombine.low v12, v10  }
0x4f: {  	v12 =	vimm.s32 $0x13B;
	v13 =	vsel vm14, $0x140, v13;
	v14 =	vsel vm13, $0x161, v14  }
0x50: {  	v15 =	vsel vm15, $0x190, v15;
	v16 =	vsel vm15, $0x1B0, v16;
	v17 =	vsel vm15, $0x1D0, v17  }
0x51: {  	v11 =	vsel vm10, $0x108, v11;
	v12 =	vsel vm14, $0x120, v12;
	v13 =	vsel vm13, $0x141, v13  }
0x52: {  	v14 =	vsel vm12, $0x162, v14;
	v15 =	vsel vm1, $0x191, v15;
	v16 =	vsel vm1, $0x1B1, v16  }
0x53: {  	v17 =	vsel vm1, $0x1D1, v17;
	v11 =	vsel vm9, $0x109, v11;
	v10 =	vand.u32 $0xFF, v10  }
0x54: {  	v12 =	vsel vm13, $0x121, v12;
	v13 =	vsel vm12, $0x142, v13;
	v14 =	vsel vm11, $0x163, v14  }
0x55: {  	s2 =	rddreg [dreg:$0x0];
	v15 =	vsel vm2, $0x192, v15;
	v16 =	vsel vm2, $0x1B2, v16;
	v17 =	vsel vm2, $0x1D2, v17  }
0x56: {  	s0 =	rddreg [dreg:$0x1];
	v11 =	vsel vm8, $0x10A, v11;
	v12 =	vsel vm12, $0x122, v12;
	v13 =	vsel vm11, $0x143, v13  }
0x57: {  	s1 =	rddreg [dreg:$0x2];
	v14 =	vsel vm10, $0x168, v14;
	v15 =	vsel vm3, $0x193, v15;
	v16 =	vsel vm3, $0x1B3, v16  }
0x58: {  	s3 =	rddreg [dreg:$0x3];
	v17 =	vsel vm3, $0x1D3, v17;
	v11 =	vsel vm7, $0x10B, v11;
	v12 =	vsel vm11, $0x123, v12  }
0x59: {  	s5 =	simm.s32 $0x0;
	s4 =	stileid.u32;
	s7 =	srdreg.scid;
	v13 =	vsel vm10, $0x148, v13;
	v14 =	vsel vm9, $0x169, v14;
	v15 =	vsel vm4, $0x198, v15  }
0x5a: {  	s17 =	simm.s32 $0x3;
	s18 =	simm.s32 $0x4420;
	s21 =	simm.s32 $0x50;
	v16 =	vsel vm4, $0x1B8, v16;
	v17 =	vsel vm4, $0x1D8, v17;
	v11 =	vsel vm15, $0x110, v11  }
0x5b: {  	s22 =	simm.s32 $0xA0;
	s28 =	simm.s32 $0x1;
	s29 =	simm.s32 $0x0;
	v12 =	vsel vm10, $0x128, v12;
	v13 =	vsel vm9, $0x149, v13;
	v14 =	vsel vm8, $0x16A, v14  }
0x5c: {  	s30 =	simm.s32 $0x0;
	[smem:$0x7FF] =	sst s5;
	s11 =	smul.u32 $0x1400, s4;
	v15 =	vsel vm5, $0x199, v15;
	v16 =	vsel vm5, $0x1B9, v16;
	v17 =	vsel vm5, $0x1D9, v17  }
0x5d: {  	s12 =	smul.u32 $0x13880, s4;
	s6 =	sadd.s32 $0x15800, s2;
	s9 =	sand.u32 $0x1, s7;
	v11 =	vsel vm1, $0x111, v11;
	v12 =	vsel vm9, $0x129, v12;
	v13 =	vsel vm8, $0x14A, v13  }
0x5e: {  	s10 =	smul.u32 $0x2710, s4;
	s7 =	sadd.s32 $0x1E00, s2;
	s8 =	sadd.s32 $0x35A00, s2;
	v14 =	vsel vm7, $0x16B, v14;
	v15 =	vsel vm6, $0x19A, v15;
	v16 =	vsel vm6, $0x1BA, v16  }
0x5f: {  	s31 =	sshll.u32 s4, $0x6;
	_ =	strace $0x8000004A;
	s14 =	smul.u32 $0x27100, s9;
	v17 =	vsel vm6, $0x1DA, v17;
	v11 =	vsel vm2, $0x112, v11;
	v12 =	vsel vm8, $0x12A, v12  }
0x60: {  	s23 =	ssub.s32 $0x2, s9;
	s9 =	sshll.u32 s9, $0x4;
	s19 =	sor.u32 $0x1C03, s31;
	v13 =	vsel vm7, $0x14B, v13;
	v14 =	vsel vm15, $0x170, v14;
	v11 =	vsel vm3, $0x113, v11  }
0x61: {  	s13 =	sshrl.u32 s11, $0x3;
	s15 =	sshrl.u32 s12, $0x3;
	s24 =	sshrl.u32 s23, $0x1;
	v12 =	vsel vm7, $0x12B, v12;
	v13 =	vsel vm15, $0x150, v13;
	v14 =	vsel vm1, $0x171, v14  }
0x62: {  	s25 =	sor.u32 s4, s9;
	s11 =	sadd.s32 s11, s1;
	s20 =	sadd.s32 s12, s3;
	v12 =	vsel vm15, $0x130, v12;
	v11 =	vsel vm4, $0x118, v11;
	v13 =	vsel vm1, $0x151, v13  }
0x63: {  	s13 =	sadd.s32 s13, s2;
	s15 =	sadd.s32 s15, s2;
	s10 =	sadd.s32 s10, s14;
	v14 =	vsel vm2, $0x172, v14;
	v12 =	vsel vm1, $0x131, v12;
	v13 =	vsel vm2, $0x152, v13  }
0x64: {  	s16 =	ssub.s32 s23, s24;
	s20 =	sshrl.u32 s20, $0x3;
	s23 =	simm.s32 $0x820;
	v11 =	vsel vm5, $0x119, v11;
	v14 =	vsel vm3, $0x173, v14;
	v12 =	vsel vm2, $0x132, v12  }
0x65: {  	s24 =	simm.s32 $0x320;
	s2 =	sadd.s32 s10, s2;
	s26 =	sadd.s32 $0xD1E00, s13;
	v13 =	vsel vm3, $0x153, v13;
	v11 =	vsel vm6, $0x11A, v11;
	v12 =	vsel vm3, $0x133, v12  }
0x66: {  	s10 =	sadd.s32 $0xD4600, s13;
	s12 =	sadd.s32 $0xD6E00, s15;
	s13 =	smul.u32 $0x4E20, s25;
	v14 =	vsel vm4, $0x178, v14;
	v13 =	vsel vm4, $0x158, v13;
	v12 =	vsel vm4, $0x138, v12  }
0x67: {  	s15 =	smax.u32 s16, $0x1;
	s16 =	simm.s32 $0x3020;
	s25 =	simm.s32 $0x2;
	v14 =	vsel vm5, $0x179, v14;
	v13 =	vsel vm5, $0x159, v13;
	v12 =	vsel vm5, $0x139, v12  }
0x68: {  	[dreg:$0x5] =	wrdreg s26;
	s14 =	sadd.s32 $0xFE000, s2;
	s26 =	simm.s32 $0x5A0;
	v14 =	vsel vm6, $0x17A, v14;
	v13 =	vsel vm6, $0x15A, v13;
	v12 =	vsel vm6, $0x13A, v12  }
.LBB2_1:
0x69: {  	s2 =	rddreg [dreg:$0x5]  }
0x6a: {  	v30 =	vmov s5;
	[tilespmem:s16], [sflag:$0x3] =	stream.linear.gather [hbm4b:s2+s5], $0x1400, $0x38;
	[tilespmem:$0x19AA0] =	vst v63  }
0x6b: {  	v30 =	vshll.u32 v30, $0x3;
	_ =	swait.ge [sflag:s17], $0x1400  }
0x6c: {  	v30 =	vor.u32 v1, v30;
	[sflag:s17] =	ssyncset.done $0x0  }
0x6d: {  	v30 =	vor.u32 v2, v30;
	[sflag:s17] =	ssyncadd.s32 $0xFFFFEC00  }
0x6e: {  	[tilespmem:s18], [sflag:$0x3] =	stream.linear.gather [hbm4b:s10+s5], $0x1400, $0x38;
	[tilespmem:$0x19AA0] =	vst v63  }
0x6f: {  	_ =	swait.ge [sflag:s17], $0x1400  }
0x70: {  	[sflag:s17] =	ssyncset.done $0x0  }
0x71: {  	[sflag:s17] =	ssyncadd.s32 $0xFFFFEC00  }
0x72: {  	s31 =	simm.s32 $0x4;
	v31 =	vld.idx.msk [tilespmem:v30+s18+$0x0], $0xffff  }
0x73: {  	v33 =	vmov s31;
	v32 =	vld.idx.msk [tilespmem:v30+s16+$0x0], $0xffff  }
0x74: {  	s2 =	simm.s32 $0x8;
	v33 =	vshll.u32 v33, $0x3  }
.LBB2_2:
0x75: {  	p0 =	sne.s32 s2, $0x27C;
	v33 =	vor.u32 v1, v33  }
0x76: {  	v33 =	vor.u32 v2, v33;
	_ =	sdelay $0x1  }
0x77: {  	v31 =	vadd.f32 v31, v32;
	_ =	sdelay $0x1  }
.Ltmp0:
0x78: {  	[tilespmem:v30+s16+$0x0] =	vst.idx.msk $0xffff, v31;
	v30 =	vmov v33;
	(pc) =	sbr.rel @p0 .LBB2_2-.Ltmp0, $4  }
0x79: {  	v31 =	vld.idx.msk [tilespmem:v33+s18+$0x0], $0xffff  }
0x7a: {  	v32 =	vld.idx.msk [tilespmem:v33+s16+$0x0], $0xffff  }
0x7b: {  	v33 =	vmov s2  }
0x7c: {  	s2 =	sadd.s32 $0x4, s2;
	v33 =	vshll.u32 v33, $0x3  }
0x7d: {  	v33 =	vor.u32 v1, v33  }
0x7e: {  	v33 =	vor.u32 v2, v33;
	_ =	sdelay $0x1  }
0x7f: {  	v31 =	vadd.f32 v31, v32;
	_ =	sdelay $0x1  }
0x80: {  	[tilespmem:v30+s16+$0x0] =	vst.idx.msk $0xffff, v31  }
0x81: {  	v30 =	vld.idx.msk [tilespmem:v33+s18+$0x0], $0xffff  }
0x82: {  	v31 =	vld.idx.msk [tilespmem:v33+s16+$0x0], $0xffff;
	_ =	sdelay $0x4  }
0x83: {  	v30 =	vadd.f32 v30, v31;
	_ =	sdelay $0x1  }
0x84: {  	[tilespmem:v33+s16+$0x0] =	vst.idx.msk $0xffff, v30  }
0x85: {  	[spmem:s11] =	stream.linear.scatter [tilespmem:s16], [sflag:$0x3], $0x1400, $0x38;
	[tilespmem:$0x19AA0] =	vst v63  }
0x86: {  	_ =	swait.ge [sflag:s17], $0x1400  }
0x87: {  	[sflag:s17] =	ssyncset.done $0x0  }
0x88: {  	[sflag:s17] =	ssyncadd.s32 $0xFFFFEC00  }
0x89: {  	[spmem:s20], [sflag:s19] =	dma.local [hbm:s12], $0x2710  }
0x8a: {  	_ =	swait.ge [sflag:s17], $0x2710  }
0x8b: {  	[sflag:s17] =	ssyncset.done $0x0  }
0x8c: {  	[sflag:s17] =	ssyncadd.s32 $0xFFFFD8F0  }
0x8d: {  	s31 =	simm.s32 $0x0;
	[bflag:$0x0] =	sbarrier.arrive $0xFFFF  }
.LBB2_4:
0x8e: {  	s2 =	smul.u32 $0x50, s31;
	_ =	sdelay $0x1  }
0x8f: {  	s2 =	sadd.s32 s13, s2  }
0x90: {  	s4 =	sshrl.u32 s2, $0x3  }
0x91: {  	s9 =	sadd.s32 s6, s4  }
0x92: {  	[tilespmem:s30], [sflag:$0x3] =	stream.linear.gather [hbm4b:s9+s30], $0x50, $0x38;
	[tilespmem:$0x19AA0] =	vst v63  }
0x93: {  	_ =	swait.ge [sflag:s17], $0x50  }
0x94: {  	[sflag:s17] =	ssyncset.done $0x0  }
0x95: {  	s4 =	sadd.s32 s7, s4;
	[sflag:s17] =	ssyncadd.s32 $0xFFFFFFB0  }
0x96: {  	[tilespmem:s21], [sflag:$0x3] =	stream.linear.gather [hbm4b:s4+s30], $0x50, $0x38;
	[tilespmem:$0x19AA0] =	vst v63  }
0x97: {  	_ =	swait.ge [sflag:s17], $0x50  }
0x98: {  	[sflag:s17] =	ssyncset.done $0x0  }
0x99: {  	s2 =	sadd.s32 s8, s2;
	[sflag:s17] =	ssyncadd.s32 $0xFFFFFFB0  }
0x9a: {  	[tilespmem:s22], [sflag:$0x3] =	stream.linear.gather [hbm4b:s2+s30], $0x280, $0x38;
	[tilespmem:$0x19AA0] =	vst v63  }
0x9b: {  	_ =	swait.ge [sflag:s17], $0x280  }
0x9c: {  	[sflag:s17] =	ssyncset.done $0x0  }
0x9d: {  	[sflag:s17] =	ssyncadd.s32 $0xFFFFFD80  }
0x9e: {  	[tilespmem:s23], [sflag:$0x1] =	stream.indirect.gather [hbm4b:s0+s21], $0x80, s30, s21, $0xb8;
	[tilespmem:$0x19AA0] =	vst v63  }
0x9f: {  	_ = 	snop  }
0xa0: {  	[tilespmem:s24], [sflag:$0x2] =	stream.indirect.gather [spmem:s1], $0x4, s21, s21, $0xb8;
	[tilespmem:$0x19AA0] =	vst v63  }
0xa1: {  	_ =	swait.ge [sflag:s25], $0x140  }
0xa2: {  	[sflag:s25] =	ssyncset.done $0x0  }
0xa3: {  	[sflag:s25] =	ssyncadd.s32 $0xFFFFFEC0  }
0xa4: {  	v30 =	vld.idx.msk [tilespmem:v3+s24+$0x0], $0xffff;
	_ =	sdelay $0x4  }
0xa5: {  	(erf) = vrcp.f32 v30;
	_ =	sdelay $0x4  }
0xa6: {  	v30 =	vld.idx.msk [tilespmem:v3+s22+$0x0], $0xffff;
	_ =	sdelay $0x3  }
0xa7: {  	v31 =	vpop (erf)  }
0xa8: {  	v30 =	vmul.f32 v31, v30;
	_ =	sdelay $0x1  }
0xa9: {  	[tilespmem:v3+s26+$0x0] =	vst.idx.msk $0xffff, v30  }
0xaa: {  	v30 =	vld.idx.msk [tilespmem:v4+s24+$0x0], $0xffff;
	_ =	sdelay $0x4  }
0xab: {  	(erf) = vrcp.f32 v30;
	_ =	sdelay $0x4  }
0xac: {  	v30 =	vld.idx.msk [tilespmem:v4+s22+$0x0], $0xffff;
	_ =	sdelay $0x3  }
0xad: {  	v31 =	vpop (erf)  }
0xae: {  	v30 =	vmul.f32 v31, v30;
	_ =	sdelay $0x1  }
0xaf: {  	[tilespmem:v4+s26+$0x0] =	vst.idx.msk $0xffff, v30  }
0xb0: {  	v30 =	vld.idx.msk [tilespmem:v5+s24+$0x0], $0xffff;
	_ =	sdelay $0x4  }
0xb1: {  	(erf) = vrcp.f32 v30;
	_ =	sdelay $0x4  }
0xb2: {  	v30 =	vld.idx.msk [tilespmem:v5+s22+$0x0], $0xffff;
	_ =	sdelay $0x3  }
0xb3: {  	v31 =	vpop (erf)  }
0xb4: {  	v30 =	vmul.f32 v31, v30;
	_ =	sdelay $0x1  }
0xb5: {  	[tilespmem:v5+s26+$0x0] =	vst.idx.msk $0xffff, v30  }
0xb6: {  	v30 =	vld.idx.msk [tilespmem:v6+s24+$0x0], $0xffff;
	_ =	sdelay $0x4  }
0xb7: {  	(erf) = vrcp.f32 v30;
	_ =	sdelay $0x4  }
0xb8: {  	v30 =	vld.idx.msk [tilespmem:v6+s22+$0x0], $0xffff;
	_ =	sdelay $0x3  }
0xb9: {  	v31 =	vpop (erf)  }
0xba: {  	v30 =	vmul.f32 v31, v30;
	_ =	sdelay $0x1  }
0xbb: {  	[tilespmem:v6+s26+$0x0] =	vst.idx.msk $0xffff, v30  }
0xbc: {  	v30 =	vld.idx.msk [tilespmem:v7+s24+$0x0], $0xffff;
	_ =	sdelay $0x4  }
0xbd: {  	(erf) = vrcp.f32 v30;
	_ =	sdelay $0x4  }
0xbe: {  	v30 =	vld.idx.msk [tilespmem:v7+s22+$0x0], $0xffff;
	_ =	sdelay $0x3  }
0xbf: {  	v31 =	vpop (erf)  }
0xc0: {  	v30 =	vmul.f32 v31, v30;
	_ =	sdelay $0x1  }
0xc1: {  	[tilespmem:v7+s26+$0x0] =	vst.idx.msk $0xffff, v30  }
0xc2: {  	v30 =	vld.idx.msk [tilespmem:v8+s24+$0x0], $0xffff;
	_ =	sdelay $0x4  }
0xc3: {  	(erf) = vrcp.f32 v30;
	_ =	sdelay $0x4  }
0xc4: {  	v30 =	vld.idx.msk [tilespmem:v8+s22+$0x0], $0xffff;
	_ =	sdelay $0x3  }
0xc5: {  	v31 =	vpop (erf)  }
0xc6: {  	v30 =	vmul.f32 v31, v30;
	_ =	sdelay $0x1  }
0xc7: {  	[tilespmem:v8+s26+$0x0] =	vst.idx.msk $0xffff, v30  }
0xc8: {  	v30 =	vld.idx.msk [tilespmem:v9+s24+$0x0], $0xffff;
	_ =	sdelay $0x4  }
0xc9: {  	(erf) = vrcp.f32 v30;
	_ =	sdelay $0x4  }
0xca: {  	v30 =	vld.idx.msk [tilespmem:v9+s22+$0x0], $0xffff;
	_ =	sdelay $0x3  }
0xcb: {  	v31 =	vpop (erf)  }
0xcc: {  	v30 =	vmul.f32 v31, v30;
	_ =	sdelay $0x1  }
0xcd: {  	[tilespmem:v9+s26+$0x0] =	vst.idx.msk $0xffff, v30  }
0xce: {  	v30 =	vld.idx.msk [tilespmem:v10+s24+$0x0], $0xffff;
	_ =	sdelay $0x4  }
0xcf: {  	(erf) = vrcp.f32 v30;
	_ =	sdelay $0x4  }
0xd0: {  	v30 =	vld.idx.msk [tilespmem:v10+s22+$0x0], $0xffff;
	_ =	sdelay $0x3  }
0xd1: {  	v31 =	vpop (erf)  }
0xd2: {  	v30 =	vmul.f32 v31, v30;
	_ =	sdelay $0x1  }
0xd3: {  	[tilespmem:v10+s26+$0x0] =	vst.idx.msk $0xffff, v30  }
0xd4: {  	v30 =	vld.idx.msk [tilespmem:v11+s24+$0x0], $0xffff;
	_ =	sdelay $0x4  }
0xd5: {  	(erf) = vrcp.f32 v30;
	_ =	sdelay $0x4  }
0xd6: {  	v30 =	vld.idx.msk [tilespmem:v11+s22+$0x0], $0xffff;
	_ =	sdelay $0x3  }
0xd7: {  	v31 =	vpop (erf)  }
0xd8: {  	v30 =	vmul.f32 v31, v30;
	_ =	sdelay $0x1  }
0xd9: {  	[tilespmem:v11+s26+$0x0] =	vst.idx.msk $0xffff, v30  }
0xda: {  	v30 =	vld.idx.msk [tilespmem:v12+s24+$0x0], $0xffff;
	_ =	sdelay $0x4  }
0xdb: {  	(erf) = vrcp.f32 v30;
	_ =	sdelay $0x4  }
0xdc: {  	v30 =	vld.idx.msk [tilespmem:v12+s22+$0x0], $0xffff;
	_ =	sdelay $0x3  }
0xdd: {  	v31 =	vpop (erf)  }
0xde: {  	v30 =	vmul.f32 v31, v30;
	_ =	sdelay $0x1  }
0xdf: {  	[tilespmem:v12+s26+$0x0] =	vst.idx.msk $0xffff, v30  }
0xe0: {  	v30 =	vld.idx.msk [tilespmem:v13+s24+$0x0], $0xffff;
	_ =	sdelay $0x4  }
0xe1: {  	(erf) = vrcp.f32 v30;
	_ =	sdelay $0x4  }
0xe2: {  	v30 =	vld.idx.msk [tilespmem:v13+s22+$0x0], $0xffff;
	_ =	sdelay $0x3  }
0xe3: {  	v31 =	vpop (erf)  }
0xe4: {  	v30 =	vmul.f32 v31, v30;
	_ =	sdelay $0x1  }
0xe5: {  	[tilespmem:v13+s26+$0x0] =	vst.idx.msk $0xffff, v30  }
0xe6: {  	v30 =	vld.idx.msk [tilespmem:v14+s24+$0x0], $0xffff;
	_ =	sdelay $0x4  }
0xe7: {  	(erf) = vrcp.f32 v30;
	_ =	sdelay $0x4  }
0xe8: {  	v30 =	vld.idx.msk [tilespmem:v14+s22+$0x0], $0xffff;
	_ =	sdelay $0x3  }
0xe9: {  	v31 =	vpop (erf)  }
0xea: {  	v30 =	vmul.f32 v31, v30;
	_ =	sdelay $0x1  }
0xeb: {  	[tilespmem:v14+s26+$0x0] =	vst.idx.msk $0xffff, v30  }
0xec: {  	v30 =	vld.idx.msk [tilespmem:v15+s24+$0x0], $0xffff;
	_ =	sdelay $0x4  }
0xed: {  	(erf) = vrcp.f32 v30;
	_ =	sdelay $0x4  }
0xee: {  	v30 =	vld.idx.msk [tilespmem:v15+s22+$0x0], $0xffff;
	_ =	sdelay $0x3  }
0xef: {  	v31 =	vpop (erf)  }
0xf0: {  	v30 =	vmul.f32 v31, v30;
	_ =	sdelay $0x1  }
0xf1: {  	[tilespmem:v15+s26+$0x0] =	vst.idx.msk $0xffff, v30  }
0xf2: {  	v30 =	vld.idx.msk [tilespmem:v16+s24+$0x0], $0xffff;
	_ =	sdelay $0x4  }
0xf3: {  	(erf) = vrcp.f32 v30;
	_ =	sdelay $0x4  }
0xf4: {  	v30 =	vld.idx.msk [tilespmem:v16+s22+$0x0], $0xffff;
	_ =	sdelay $0x3  }
0xf5: {  	v31 =	vpop (erf)  }
0xf6: {  	v30 =	vmul.f32 v31, v30;
	_ =	sdelay $0x1  }
0xf7: {  	[tilespmem:v16+s26+$0x0] =	vst.idx.msk $0xffff, v30  }
0xf8: {  	v30 =	vld.idx.msk [tilespmem:v17+s24+$0x0], $0xffff;
	_ =	sdelay $0x4  }
0xf9: {  	(erf) = vrcp.f32 v30;
	_ =	sdelay $0x4  }
0xfa: {  	v30 =	vld.idx.msk [tilespmem:v17+s22+$0x0], $0xffff;
	_ =	sdelay $0x3  }
0xfb: {  	v31 =	vpop (erf)  }
0xfc: {  	v30 =	vmul.f32 v31, v30;
	_ =	sdelay $0x1  }
0xfd: {  	[tilespmem:v17+s26+$0x0] =	vst.idx.msk $0xffff, v30  }
0xfe: {  	v30 =	vld.idx.msk [tilespmem:v18+s24+$0x0], $0xffff;
	_ =	sdelay $0x4  }
0xff: {  	(erf) = vrcp.f32 v30;
	_ =	sdelay $0x4  }
0x100: {  	v30 =	vld.idx.msk [tilespmem:v18+s22+$0x0], $0xffff;
	_ =	sdelay $0x3  }
0x101: {  	v31 =	vpop (erf)  }
0x102: {  	v30 =	vmul.f32 v31, v30;
	_ =	sdelay $0x1  }
0x103: {  	[tilespmem:v18+s26+$0x0] =	vst.idx.msk $0xffff, v30  }
0x104: {  	v30 =	vld.idx.msk [tilespmem:v19+s24+$0x0], $0xffff;
	_ =	sdelay $0x4  }
0x105: {  	(erf) = vrcp.f32 v30;
	_ =	sdelay $0x4  }
0x106: {  	v30 =	vld.idx.msk [tilespmem:v19+s22+$0x0], $0xffff;
	_ =	sdelay $0x3  }
0x107: {  	v31 =	vpop (erf)  }
0x108: {  	v30 =	vmul.f32 v31, v30;
	_ =	sdelay $0x1  }
0x109: {  	[tilespmem:v19+s26+$0x0] =	vst.idx.msk $0xffff, v30  }
0x10a: {  	v30 =	vld.idx.msk [tilespmem:v20+s24+$0x0], $0xffff;
	_ =	sdelay $0x4  }
0x10b: {  	(erf) = vrcp.f32 v30;
	_ =	sdelay $0x4  }
0x10c: {  	v30 =	vld.idx.msk [tilespmem:v20+s22+$0x0], $0xffff;
	_ =	sdelay $0x3  }
0x10d: {  	v31 =	vpop (erf)  }
0x10e: {  	v30 =	vmul.f32 v31, v30;
	_ =	sdelay $0x1  }
0x10f: {  	[tilespmem:v20+s26+$0x0] =	vst.idx.msk $0xffff, v30  }
0x110: {  	v30 =	vld.idx.msk [tilespmem:v21+s24+$0x0], $0xffff;
	_ =	sdelay $0x4  }
0x111: {  	(erf) = vrcp.f32 v30;
	_ =	sdelay $0x4  }
0x112: {  	v30 =	vld.idx.msk [tilespmem:v21+s22+$0x0], $0xffff;
	_ =	sdelay $0x3  }
0x113: {  	v31 =	vpop (erf)  }
0x114: {  	v30 =	vmul.f32 v31, v30;
	_ =	sdelay $0x1  }
0x115: {  	[tilespmem:v21+s26+$0x0] =	vst.idx.msk $0xffff, v30  }
0x116: {  	v30 =	vld.idx.msk [tilespmem:v22+s24+$0x0], $0xffff;
	_ =	sdelay $0x4  }
0x117: {  	(erf) = vrcp.f32 v30;
	_ =	sdelay $0x4  }
0x118: {  	v30 =	vld.idx.msk [tilespmem:v22+s22+$0x0], $0xffff;
	_ =	sdelay $0x3  }
0x119: {  	v32 =	vmov s30;
	v31 =	vpop (erf)  }
0x11a: {  	v30 =	vmul.f32 v31, v30;
	v31 =	vshll.u32 v32, $0x7  }
0x11b: {  	v33 =	vor.u32 v0, v31  }
0x11c: {  	[tilespmem:v22+s26+$0x0] =	vst.idx.msk $0xffff, v30;
	v30 =	vshll.u32 v32, $0x3  }
0x11d: {  	_ =	swait.ge [sflag:s28], $0x2800  }
0x11e: {  	[sflag:s28] =	ssyncset.done $0x0  }
0x11f: {  	[sflag:s28] =	ssyncadd.s32 $0xFFFFD800  }
0x120: {  	v52 =	vld.idx.msk [tilespmem:v33+s23+$0x0], $0xffff  }
0x121: {  	v34 =	vld.idx.msk [tilespmem:v30+s26+$0x0], $0xffff;
	_ =	sdelay $0x3  }
0x122: {  	v35 =	vor.u32 v23, v31  }
0x123: {  	v32 =	vmul.f32 v52, v34;
	_ =	sdelay $0x1  }
0x124: {  	[tilespmem:v33+s23+$0x0] =	vst.idx.msk $0xffff, v32  }
0x125: {  	v32 =	vld.idx.msk [tilespmem:v30+s26+$0x0], $0xffff  }
0x126: {  	v33 =	vld.idx.msk [tilespmem:v35+s23+$0x0], $0xffff;
	_ =	sdelay $0x2  }
0x127: {  	v53 =	vor.u32 $0x1, v30  }
0x128: {  	v36 =	vor.u32 v24, v31  }
0x129: {  	v32 =	vmul.f32 v33, v32;
	_ =	sdelay $0x1  }
0x12a: {  	[tilespmem:v35+s23+$0x0] =	vst.idx.msk $0xffff, v32  }
0x12b: {  	v32 =	vld.idx.msk [tilespmem:v53+s26+$0x0], $0xffff  }
0x12c: {  	v54 =	vld.idx.msk [tilespmem:v36+s23+$0x0], $0xffff;
	_ =	sdelay $0x3  }
0x12d: {  	v55 =	vor.u32 v25, v31  }
0x12e: {  	v32 =	vmul.f32 v54, v32;
	_ =	sdelay $0x1  }
0x12f: {  	[tilespmem:v36+s23+$0x0] =	vst.idx.msk $0xffff, v32  }
0x130: {  	v32 =	vld.idx.msk [tilespmem:v53+s26+$0x0], $0xffff  }
0x131: {  	v56 =	vld.idx.msk [tilespmem:v55+s23+$0x0], $0xffff;
	_ =	sdelay $0x2  }
0x132: {  	v57 =	vor.u32 $0x2, v30  }
0x133: {  	v58 =	vor.u32 v26, v31  }
0x134: {  	v32 =	vmul.f32 v56, v32;
	_ =	sdelay $0x1  }
0x135: {  	[tilespmem:v55+s23+$0x0] =	vst.idx.msk $0xffff, v32  }
0x136: {  	v32 =	vld.idx.msk [tilespmem:v57+s26+$0x0], $0xffff  }
0x137: {  	v59 =	vld.idx.msk [tilespmem:v58+s23+$0x0], $0xffff;
	_ =	sdelay $0x3  }
0x138: {  	v60 =	vor.u32 v27, v31  }
0x139: {  	v32 =	vmul.f32 v59, v32;
	_ =	sdelay $0x1  }
0x13a: {  	[tilespmem:v58+s23+$0x0] =	vst.idx.msk $0xffff, v32  }
0x13b: {  	v32 =	vld.idx.msk [tilespmem:v57+s26+$0x0], $0xffff  }
0x13c: {  	v61 =	vld.idx.msk [tilespmem:v60+s23+$0x0], $0xffff;
	_ =	sdelay $0x2  }
0x13d: {  	v62 =	vor.u32 $0x3, v30  }
0x13e: {  	v30 =	vor.u32 v28, v31  }
0x13f: {  	v32 =	vmul.f32 v61, v32;
	_ =	sdelay $0x1  }
0x140: {  	[tilespmem:v60+s23+$0x0] =	vst.idx.msk $0xffff, v32  }
0x141: {  	v32 =	vld.idx.msk [tilespmem:v62+s26+$0x0], $0xffff  }
0x142: {  	v63 =	vld.idx.msk [tilespmem:v30+s23+$0x0], $0xffff;
	_ =	sdelay $0x4  }
0x143: {  	v32 =	vmul.f32 v63, v32;
	_ =	sdelay $0x1  }
0x144: {  	[tilespmem:v30+s23+$0x0] =	vst.idx.msk $0xffff, v32;
	v30 =	vor.u32 v29, v31;
	_ =	sdelay $0x3  }
0x145: {  	s2 =	simm.s32 $0x1;
	v31 =	vld.idx.msk [tilespmem:v62+s26+$0x0], $0xffff  }
.LBB2_5:
0x146: {  	p0 =	sne.s32 s2, $0x4F;
	v32 =	vld.idx.msk [tilespmem:v30+s23+$0x0], $0xffff;
	s4 =	smov.u32 s2;
	s2 =	sadd.s32 $0x1, s2  }
0x147: {  	_ = 	snop  }
0x148: {  	v33 =	vmov s4  }
0x149: {  	v34 =	vshll.u32 v33, $0x7  }
0x14a: {  	v33 =	vshll.u32 v33, $0x3;
	v35 =	vor.u32 v0, v34;
	_ =	sdelay $0x1  }
0x14b: {  	v31 =	vmul.f32 v32, v31;
	_ =	sdelay $0x1  }
0x14c: {  	[tilespmem:v30+s23+$0x0] =	vst.idx.msk $0xffff, v31  }
0x14d: {  	v30 =	vld.idx.msk [tilespmem:v35+s23+$0x0], $0xffff  }
0x14e: {  	v31 =	vld.idx.msk [tilespmem:v33+s26+$0x0], $0xffff;
	_ =	sdelay $0x4  }
0x14f: {  	v32 =	vor.u32 v23, v34  }
0x150: {  	v30 =	vmul.f32 v30, v31;
	_ =	sdelay $0x1  }
0x151: {  	[tilespmem:v35+s23+$0x0] =	vst.idx.msk $0xffff, v30  }
0x152: {  	v30 =	vld.idx.msk [tilespmem:v33+s26+$0x0], $0xffff  }
0x153: {  	v31 =	vld.idx.msk [tilespmem:v32+s23+$0x0], $0xffff;
	_ =	sdelay $0x3  }
0x154: {  	v35 =	vor.u32 $0x1, v33  }
0x155: {  	v36 =	vor.u32 v24, v34  }
0x156: {  	v30 =	vmul.f32 v31, v30;
	_ =	sdelay $0x1  }
0x157: {  	[tilespmem:v32+s23+$0x0] =	vst.idx.msk $0xffff, v30  }
0x158: {  	v30 =	vld.idx.msk [tilespmem:v35+s26+$0x0], $0xffff  }
0x159: {  	v31 =	vld.idx.msk [tilespmem:v36+s23+$0x0], $0xffff;
	_ =	sdelay $0x4  }
0x15a: {  	v32 =	vor.u32 v25, v34  }
0x15b: {  	v30 =	vmul.f32 v31, v30;
	_ =	sdelay $0x1  }
0x15c: {  	[tilespmem:v36+s23+$0x0] =	vst.idx.msk $0xffff, v30  }
0x15d: {  	v30 =	vld.idx.msk [tilespmem:v35+s26+$0x0], $0xffff  }
0x15e: {  	v31 =	vld.idx.msk [tilespmem:v32+s23+$0x0], $0xffff;
	_ =	sdelay $0x3  }
0x15f: {  	v35 =	vor.u32 $0x2, v33  }
0x160: {  	v36 =	vor.u32 v26, v34  }
0x161: {  	v30 =	vmul.f32 v31, v30;
	_ =	sdelay $0x1  }
0x162: {  	[tilespmem:v32+s23+$0x0] =	vst.idx.msk $0xffff, v30  }
0x163: {  	v30 =	vld.idx.msk [tilespmem:v35+s26+$0x0], $0xffff  }
0x164: {  	v31 =	vld.idx.msk [tilespmem:v36+s23+$0x0], $0xffff;
	_ =	sdelay $0x4  }
0x165: {  	v32 =	vor.u32 v27, v34  }
0x166: {  	v30 =	vmul.f32 v31, v30;
	_ =	sdelay $0x1  }
0x167: {  	[tilespmem:v36+s23+$0x0] =	vst.idx.msk $0xffff, v30  }
0x168: {  	v30 =	vld.idx.msk [tilespmem:v35+s26+$0x0], $0xffff  }
0x169: {  	v31 =	vld.idx.msk [tilespmem:v32+s23+$0x0], $0xffff;
	_ =	sdelay $0x3  }
0x16a: {  	v33 =	vor.u32 $0x3, v33  }
0x16b: {  	v35 =	vor.u32 v28, v34  }
0x16c: {  	v30 =	vmul.f32 v31, v30;
	_ =	sdelay $0x1  }
0x16d: {  	[tilespmem:v32+s23+$0x0] =	vst.idx.msk $0xffff, v30  }
0x16e: {  	v31 =	vld.idx.msk [tilespmem:v33+s26+$0x0], $0xffff  }
0x16f: {  	v32 =	vld.idx.msk [tilespmem:v35+s23+$0x0], $0xffff;
	_ =	sdelay $0x3  }
0x170: {  	v30 =	vor.u32 v29, v34  }
.Ltmp1:
0x171: {  	(pc) =	sbr.rel @p0 .LBB2_5-.Ltmp1, $3  }
0x172: {  	v31 =	vmul.f32 v32, v31;
	_ =	sdelay $0x1  }
0x173: {  	[tilespmem:v35+s23+$0x0] =	vst.idx.msk $0xffff, v31  }
0x174: {  	v31 =	vld.idx.msk [tilespmem:v33+s26+$0x0], $0xffff  }
0x175: {  	_ =	sdelay $0x3  }
0x176: {  	v32 =	vld.idx.msk [tilespmem:v30+s23+$0x0], $0xffff;
	_ =	sdelay $0x4  }
0x177: {  	s31 =	sadd.s32 $0x1, s31;
	v31 =	vmul.f32 v32, v31  }
0x178: {  	p0 =	sne.s32 s31, $0xFA  }
.Ltmp2:
0x179: {  	[tilespmem:v30+s23+$0x0] =	vst.idx.msk $0xffff, v31;
	(pc) =	sbr.rel @p0 .LBB2_4-.Ltmp2, $4  }
0x17a: {  	[spmem:s3] =	stream.indirect.scatter.add.f32 [tilespmem:s23], [sflag:$0x3], $0x80, s21, s21, $0xb8;
	[tilespmem:$0x19AA0] =	vst v63  }
0x17b: {  	_ =	swait.ge [sflag:s17], $0x2800  }
0x17c: {  	[sflag:s17] =	ssyncset.done $0x0  }
0x17d: {  	[sflag:s17] =	ssyncadd.s32 $0xFFFFD800  }
0x17e: {  	s29 =	sadd.s32 $0x1, s29  }
0x17f: {  	p0 =	sne.s32 s29, s15  }
.Ltmp3:
0x180: {  	[bflag:$0x0] =	sbarrier.arrive $0xFFFF;
	(pc) =	sbr.rel @p0 .LBB2_1-.Ltmp3, $4  }
0x181: {  	[hbm:s14], [sflag:s19] =	dma.local [spmem:s20], $0x2710  }
0x182: {  	_ =	swait.ge [sflag:s17], $0x2710  }
0x183: {  	[sflag:s17] =	ssyncset.done $0x0  }
0x184: {  	[sflag:s17] =	ssyncadd.s32 $0xFFFFD8F0  }
0x185: {  	_ =	sfence.sel $0x180000  }
0x186: {  	[bflag:$0x0] =	sbarrier.arrive $0xFFFF  }
0x187: {  	_ =	strace $0x9000004A  }
0x188: {  	s0 =	stileid.u32;
	[bflag:$0x2] =	sbarrier.arrive $0xFFFF  }
0x189: {  	p0 =	sne.s32 s0, $0x0;
	s0 =	rddreg [dreg:$0x4]  }
0x18a: {  	s0 =	sadd.s32 @!p0 $0x100000, s0  }
0x18b: {  	[sflag:s0] =	ssyncadd.tile.s32 @!p0 $0x1;
	_ =	shalt  }
.Lfunc_end2:
_tile_overlayer_lowered:
.L_overlay_start_2:
0x18c: {  	(tag) =	ssettag $0x2  }
0x18d: {  	s0 =	rddreg [dreg:$0x0];
	s2 =	stileid.u32  }
0x18e: {  	s1 =	rddreg [dreg:$0x1];
	p0 =	sne.s32 s2, $0x0  }
0x18f: {  	s3 =	rddreg [dreg:$0x2];
	[bflag:$0x3] =	sbarrier.arrive $0xFFFF;
	s2 =	simm.s32 @!p0 $0x1C03  }
0x190: {  	[timem:s3], [sflag:s2] =	dma.local @!p0 [hbm:s0], s1  }
0x191: {  	s0 =	simm.s32 @!p0 $0x3  }
0x192: {  	_ =	swait.ge @!p0 [sflag:s0], s1  }
0x193: {  	s1 =	ssub.s32 @!p0 $0x0, s1;
	[sflag:s0] =	ssyncset.done @!p0 $0x0  }
0x194: {  	[sflag:s0] =	ssyncadd.s32 @!p0 s1  }
0x195: {  	[bflag:$0x3] =	sbarrier.arrive $0xFFFF  }
0x196: {  	_ =	shalt  }

</sc_bundles>
